<compile_context>
chip_gen: v7x
topology: tpu7x:2x2x1
jax: 0.10.2.dev20260603
libtpu: 0.0.44.dev20260713+nightly
codegen_flags: <defaults>
</compile_context>

<pallas_src>
import dataclasses
import functools

import jax
import jax.numpy as jnp
from jax import lax
from jax.experimental import pallas as pl
from jax.experimental.pallas import tpu as pltpu
from jax.experimental.pallas import tpu_sc as plsc

N = 10000
NPAD = 10240
E = 320000
F_IN = 128
F_HID = 156
F_OUT = 7
PAD_OUT = 16
NC = 2
NS = 16
NW = NC * NS
RPS = NPAD // NS


def _sc_mesh():
    return plsc.VectorSubcoreMesh(core_axis_name="c", subcore_axis_name="s")


def _sc_params():
    cp = pltpu.CompilerParams()
    fields = pltpu.CompilerParams.__dataclass_fields__
    if "needs_layout_passes" in fields:
        cp = dataclasses.replace(cp, needs_layout_passes=False)
    if "use_tc_tiling_on_sc" in fields:
        cp = dataclasses.replace(cp, use_tc_tiling_on_sc=False)
    return cp


def _zero_fill(ref, nrows, d):
    @pl.loop(0, nrows)
    def _(i):
        @pl.loop(0, d // 16)
        def _(j):
            ref[i, pl.ds(j * 16, 16)] = jnp.zeros((16,), jnp.float32)


def _load_my_idx(idx2d_hbm, idx_v, wid, base_ch, extra_w):
    row0 = base_ch * wid + jnp.minimum(wid, extra_w)
    pltpu.sync_copy(idx2d_hbm.at[pl.ds(row0, base_ch)],
                    idx_v.at[pl.ds(0, base_ch)])

    @pl.when(wid < extra_w)
    def _():
        pltpu.sync_copy(idx2d_hbm.at[pl.ds(row0 + base_ch, 1)],
                        idx_v.at[pl.ds(base_ch, 1)])


def _deg_sc(dst2d):
    chunk = 128
    nchunk = E // chunk
    base_ch = nchunk // NW
    extra_w = nchunk - base_ch * NW
    ngrp = base_ch // 3
    assert ngrp * 3 == base_ch

    @functools.partial(
        pl.kernel,
        out_type=jax.ShapeDtypeStruct((NC, NPAD, PAD_OUT), jnp.float32),
        mesh=_sc_mesh(),
        scratch_types=[
            pltpu.VMEM((base_ch + 1, chunk), jnp.int32),
            pltpu.VMEM((chunk, PAD_OUT), jnp.float32),
            pltpu.SemaphoreType.DMA,
            pltpu.SemaphoreType.DMA,
            pltpu.SemaphoreType.DMA,
            pltpu.VMEM_SHARED((NPAD, PAD_OUT), jnp.float32),
        ],
        compiler_params=_sc_params(),
    )
    def deg_kernel(dst_hbm, out_hbm, didx_v, ones_v, sems0, sems1, sems2,
                   acc_sh):
        cid = lax.axis_index("c")
        sid = lax.axis_index("s")
        wid = sid * NC + cid
        sems = [sems0, sems1, sems2]

        _zero_fill(ones_v, chunk, PAD_OUT)
        for j in range(RPS // chunk):
            pltpu.sync_copy(ones_v, acc_sh.at[pl.ds(sid * RPS + j * chunk, chunk)])

        @pl.loop(0, chunk)
        def _(i):
            ones_v[i, :] = jnp.full((PAD_OUT,), 1.0, jnp.float32)

        _load_my_idx(dst_hbm, didx_v, wid, base_ch, extra_w)
        plsc.subcore_barrier()

        def scat_start(j, ss):
            pltpu.async_copy(ones_v, acc_sh.at[didx_v.at[j]], sems[ss], add=True)

        def scat_wait(ss):
            pltpu.make_async_copy(ones_v, acc_sh.at[didx_v.at[0]],
                                  sems[ss]).wait()

        for b in range(3):
            scat_start(b, b)

        @pl.loop(1, ngrp)
        def _(p):
            for b in range(3):
                scat_wait(b)
                scat_start(3 * p + b, b)

        scat_wait(0)

        @pl.when(wid < extra_w)
        def _():
            scat_start(base_ch, 0)

        scat_wait(1)
        scat_wait(2)

        @pl.when(wid < extra_w)
        def _():
            scat_wait(0)

        plsc.subcore_barrier()
        pltpu.sync_copy(
            acc_sh.at[pl.ds(sid * RPS, RPS)],
            out_hbm.at[cid, pl.ds(sid * RPS, RPS)],
        )

    return deg_kernel(dst2d)


def _agg_sc3(y, src2d, dst2d, d, chunk, nbuf, stage):
    nchunk = E // chunk
    base_ch = nchunk // NW
    extra_w = nchunk - base_ch * NW
    ngrp = base_ch // nbuf
    assert ngrp * nbuf == base_ch

    scratch = (
        [pltpu.VMEM((base_ch + 1, chunk), jnp.int32)] * 2
        + [pltpu.VMEM((chunk, d), jnp.float32)] * nbuf
        + [pltpu.SemaphoreType.DMA] * (2 * nbuf)
        + [pltpu.VMEM_SHARED((NPAD, d), jnp.float32)] * (2 if stage else 1)
    )

    @functools.partial(
        pl.kernel,
        out_type=jax.ShapeDtypeStruct((NC, NPAD, d), jnp.float32),
        mesh=_sc_mesh(),
        scratch_types=scratch,
        compiler_params=_sc_params(),
    )
    def agg3_kernel(y_hbm, src_hbm, dst_hbm, out_hbm, sidx_v, didx_v, *rest):
        cid = lax.axis_index("c")
        sid = lax.axis_index("s")
        wid = sid * NC + cid
        rows = list(rest[0:nbuf])
        semg = list(rest[nbuf:2 * nbuf])
        sems = list(rest[2 * nbuf:3 * nbuf])
        acc_sh = rest[3 * nbuf]
        y_src = rest[3 * nbuf + 1] if stage else y_hbm

        _zero_fill(rows[0], chunk, d)
        for j in range(RPS // chunk):
            pltpu.sync_copy(rows[0],
                            acc_sh.at[pl.ds(sid * RPS + j * chunk, chunk)])

        if stage:
            pltpu.sync_copy(y_hbm.at[pl.ds(sid * RPS, RPS)],
                            y_src.at[pl.ds(sid * RPS, RPS)])

        _load_my_idx(src_hbm, sidx_v, wid, base_ch, extra_w)
        _load_my_idx(dst_hbm, didx_v, wid, base_ch, extra_w)
        plsc.subcore_barrier()

        def gath_start(j, rs):
            pltpu.async_copy(y_src.at[sidx_v.at[j]], rows[rs], semg[rs])

        def gath_wait(rs):
            pltpu.make_async_copy(y_src.at[sidx_v.at[0]], rows[rs],
                                  semg[rs]).wait()

        def scat_start(j, rs):
            pltpu.async_copy(rows[rs], acc_sh.at[didx_v.at[j]], sems[rs],
                             add=True)

        def scat_wait(rs):
            pltpu.make_async_copy(rows[0], acc_sh.at[didx_v.at[0]],
                                  sems[rs]).wait()

        for b in range(nbuf):
            gath_start(b, b)

        @pl.loop(0, ngrp - 1)
        def _(p):
            for b in range(nbuf):
                gath_wait(b)
                scat_start(nbuf * p + b, b)
            for b in range(nbuf):
                scat_wait(b)
                gath_start(nbuf * p + nbuf + b, b)

        for b in range(nbuf):
            gath_wait(b)
            scat_start(nbuf * (ngrp - 1) + b, b)

        scat_wait(0)

        @pl.when(wid < extra_w)
        def _():
            gath_start(base_ch, 0)
            gath_wait(0)
            scat_start(base_ch, 0)

        for b in range(1, nbuf):
            scat_wait(b)

        @pl.when(wid < extra_w)
        def _():
            scat_wait(0)

        plsc.subcore_barrier()
        pltpu.sync_copy(
            acc_sh.at[pl.ds(sid * RPS, RPS)],
            out_hbm.at[cid, pl.ds(sid * RPS, RPS)],
        )

    return agg3_kernel(y, src2d, dst2d)


def _dinv_from(deg_r):
    deg = deg_r[0, :, 0:1] + deg_r[1, :, 0:1] + 1.0
    return lax.rsqrt(deg)


def _tc_prescale(deg, x):
    def body(d_r, x_ref, y_ref):
        y_ref[0:N, :] = x_ref[...] * _dinv_from(d_r)[0:N]
        y_ref[N:NPAD, :] = jnp.zeros((NPAD - N, F_IN), jnp.float32)

    return pl.pallas_call(
        body, out_shape=jax.ShapeDtypeStruct((NPAD, F_IN), jnp.float32)
    )(deg, x)


def _tc_mid(S1, y1, deg, W1, b1, W2p):
    def body(s_r, y1_r, d_r, w1_r, b1_r, w2_r, y2_r):
        dinv = _dinv_from(d_r)
        u = (s_r[0] + s_r[1] + y1_r[...]) * dinv
        h = jnp.dot(u, w1_r[...], preferred_element_type=jnp.float32) + b1_r[...]
        h = jnp.maximum(h, 0.0)
        z = jnp.dot(h, w2_r[...], preferred_element_type=jnp.float32)
        y2_r[...] = z * dinv

    B = NPAD // 4
    return pl.pallas_call(
        body,
        grid=(NPAD // B,),
        in_specs=[
            pl.BlockSpec((2, B, F_IN), lambda i: (0, i, 0)),
            pl.BlockSpec((B, F_IN), lambda i: (i, 0)),
            pl.BlockSpec((2, B, PAD_OUT), lambda i: (0, i, 0)),
            pl.BlockSpec((F_IN, F_HID), lambda i: (0, 0)),
            pl.BlockSpec((1, F_HID), lambda i: (0, 0)),
            pl.BlockSpec((F_HID, PAD_OUT), lambda i: (0, 0)),
        ],
        out_specs=pl.BlockSpec((B, PAD_OUT), lambda i: (i, 0)),
        out_shape=jax.ShapeDtypeStruct((NPAD, PAD_OUT), jnp.float32),
    )(S1, y1, deg, W1, b1, W2p)


def _tc_post(S2, y2, deg, b2):
    def body(s_r, y2_r, d_r, b2_r, o_r):
        dinv = _dinv_from(d_r)[0:N]
        v = (s_r[0, 0:N, :] + s_r[1, 0:N, :] + y2_r[0:N, :]) * dinv
        logits = v[:, 0:F_OUT] + b2_r[...]
        m = jnp.max(logits, axis=1, keepdims=True)
        sh = logits - m
        lse = jnp.log(jnp.sum(jnp.exp(sh), axis=1, keepdims=True))
        o_r[...] = sh - lse

    return pl.pallas_call(
        body, out_shape=jax.ShapeDtypeStruct((N, F_OUT), jnp.float32)
    )(S2, y2, deg, b2)


def kernel(x, edges, W1, b1, W2, b2):
    src = edges[0].astype(jnp.int32)
    dst = edges[1].astype(jnp.int32)
    W2p = jnp.zeros((F_HID, PAD_OUT), jnp.float32).at[:, :F_OUT].set(W2)
    b1r = b1.reshape(1, F_HID)
    b2r = b2.reshape(1, F_OUT)

    deg = _deg_sc(dst.reshape(E // 128, 128))
    y1 = _tc_prescale(deg, x)
    S1 = _agg_sc3(y1, src.reshape(E // 50, 50), dst.reshape(E // 50, 50),
                  F_IN, 50, 4, stage=False)
    y2 = _tc_mid(S1, y1, deg, W1, b1r, W2p)
    S2 = _agg_sc3(y2, src.reshape(E // 128, 128), dst.reshape(E // 128, 128),
                  PAD_OUT, 128, 3, stage=True)
    return _tc_post(S2, y2, deg, b2r)

# --- scband reference (transcript-rebuilt; emitter-appended) ---
"""Pipeline reference for scband-gnn-62895501083190 (READ-ONLY COPY).

The authoritative reference and input builder live on the scoring server;
editing this copy changes nothing except your own understanding.
"""

import jax, jax.numpy as jnp
import numpy as np

N_NODES = 10000

def gcn_conv(x, src, dst, W, b, n):
    # linear transform first (same math as GCNConv)
    h = x @ W
    # add self loops
    loop = jnp.arange(n, dtype=src.dtype)
    src_f = jnp.concatenate([src, loop])
    dst_f = jnp.concatenate([dst, loop])
    # symmetric normalization D^{-1/2} (A+I) D^{-1/2}
    deg = jnp.zeros((n,), dtype=h.dtype).at[dst_f].add(1.0)
    dinv = jnp.where(deg > 0, jax.lax.rsqrt(jnp.maximum(deg, 1.0)), 0.0)
    norm = dinv[src_f] * dinv[dst_f]
    msg = h[src_f] * norm[:, None]
    out = jax.ops.segment_sum(msg, dst_f, num_segments=n)
    return out + b


def setup_inputs(seed: int = 0) -> dict:
    key = jax.random.key(seed)
    k1, k2, k3, k4, k5, k6 = jax.random.split(key, 6)
    x = jax.random.normal(k1, (N_NODES, 128), dtype=jnp.float32)
    edges = jax.random.randint(k2, (2, 320000), 0, N_NODES, dtype=jnp.int64)
    # GCNConv(128 -> 156) params (glorot-style scaling)
    W1 = jax.random.normal(k3, (128, 156), dtype=jnp.float32) * (1.0 / np.sqrt(128))
    b1 = jnp.zeros((156,), dtype=jnp.float32)
    # GCNConv(156 -> 7) params
    W2 = jax.random.normal(k4, (156, 7), dtype=jnp.float32) * (1.0 / np.sqrt(156))
    b2 = jnp.zeros((7,), dtype=jnp.float32)
    return {"x": x, "edges": edges, "W1": W1, "b1": b1, "W2": W2, "b2": b2}


def reference(x, edges, W1, b1, W2, b2):
    n = x.shape[0]
    src, dst = edges[0], edges[1]
    h = gcn_conv(x, src, dst, W1, b1, n)
    h = jax.nn.relu(h)
    # F.dropout with training=self.training: identity in eval mode
    h = gcn_conv(h, src, dst, W2, b2, n)
    return jax.nn.log_softmax(h, axis=1)

if __name__ == "__main__":
    import jax
    _d = setup_inputs()
    print(jax.jit(kernel)(*tuple(_d.values())))

</pallas_src>

<mosaic_0001>
#map = affine_map<(d0, d1) -> (0, 0)>
#map1 = affine_map<(d0, d1) -> (0, 0, 0)>
module attributes {stable_mosaic.version = 14 : i64} {
  func.func @deg_kernel(%arg0: i32, %arg1: i32, %arg2: memref<2500x128xi32, #tpu.memory_space<hbm>>, %arg3: memref<2x10240x16xf32, #tpu.memory_space<hbm>>, %arg4: memref<79x128xi32, #tpu.memory_space<vmem>>, %arg5: memref<128x16xf32, #tpu.memory_space<vmem>>, %arg6: memref<!tpu.dma_semaphore, #tpu.memory_space<semaphore_mem>>, %arg7: memref<!tpu.dma_semaphore, #tpu.memory_space<semaphore_mem>>, %arg8: memref<!tpu.dma_semaphore, #tpu.memory_space<semaphore_mem>>, %arg9: memref<10240x16xf32, #tpu.memory_space<vmem_shared>>) attributes {dimension_semantics = [#tpu.dimension_semantics<core_parallel>, #tpu.dimension_semantics<subcore_parallel>], iteration_bounds = array<i64: 2, 16>, scalar_prefetch = 0 : i64, scratch_operands = 6 : i64, tpu.core_type = #tpu.core_type<sc_vector_subcore>, window_params = [{transform_indices = #map}, {transform_indices = #map1}]} {
    %mul3A = arith.constant 2 : i32
    %mul3A_0 = arith.muli %arg1, %mul3A : i32
    %add3A = arith.addi %mul3A_0, %arg0 : i32
    %scan3A = arith.constant 0 : i32
    %scan3A_1 = arith.constant 128 : i32
    %scan3A_2 = arith.addi %scan3A, %scan3A_1 : i32
    %scan3A_3 = arith.constant 1 : i32
    scf.for %scan3A_96 = %scan3A to %scan3A_2 step %scan3A_3  : i32 {
      %mul3A_97 = arith.constant 1 : i32
      %mul3A_98 = arith.muli %scan3A_96, %mul3A_97 : i32
      %add3A_99 = arith.constant 0 : i32
      %add3A_100 = arith.addi %add3A_99, %mul3A_98 : i32
      %scan3A_101 = arith.constant 0 : i32
      %mul3A_102 = arith.constant 1 : i32
      %mul3A_103 = arith.muli %scan3A_101, %mul3A_102 : i32
      %add3A_104 = arith.constant 0 : i32
      %add3A_105 = arith.addi %add3A_104, %mul3A_103 : i32
      %broadcast_in_dim3A = arith.constant 0.000000e+00 : f32
      %broadcast_in_dim3A_106 = vector.broadcast %broadcast_in_dim3A : f32 to vector<16xf32>
      %mul3A_107 = arith.constant 16 : i32
      %mul3A_108 = arith.muli %add3A_105, %mul3A_107 : i32
      %swap3A = arith.index_cast %add3A_100 : i32 to index
      %swap3A_109 = arith.index_cast %mul3A_108 : i32 to index
      %swap3A_110 = tpu.vector_load %arg5[%swap3A, %swap3A_109] {strides = array<i32>} : memref<128x16xf32, #tpu.memory_space<vmem>>, vector<16xf32>,
      tpu.vector_store %arg5[%swap3A, %swap3A_109], %broadcast_in_dim3A_106 {strides = array<i32>} : memref<128x16xf32, #tpu.memory_space<vmem>>, vector<16xf32>,
      %scan3A_111 = arith.constant 1 : i32
    }
    %scan3A_4 = arith.constant 128 : i32
    %mul3A_5 = arith.constant 640 : i32
    %mul3A_6 = arith.muli %arg1, %mul3A_5 : i32
    %add3A_7 = arith.constant 0 : i32
    %add3A_8 = arith.addi %mul3A_6, %add3A_7 : i32
    "tpu.region"() ({
      %run_scoped3A = tpu.sem_alloc : memref<!tpu.dma_semaphore, #tpu.memory_space<semaphore_mem>>
      %dma_start3A_96 = arith.constant 0 : i32
      %dma_start3A_97 = tpu.memref_slice %arg9[%add3A_8, %dma_start3A_96] : memref<10240x16xf32, #tpu.memory_space<vmem_shared>> -> memref<128x16xf32, #tpu.memory_space<vmem_shared>>
      %dma_start3A_98 = arith.constant 0 : i32
      %dma_start3A_99 = tpu.memref_slice %arg9[%add3A_8, %dma_start3A_98] : memref<10240x16xf32, #tpu.memory_space<vmem_shared>> -> memref<128x16xf32, #tpu.memory_space<vmem_shared>>
      tpu.enqueue_dma source(%arg5 : memref<128x16xf32, #tpu.memory_space<vmem>>) target(%dma_start3A_99 : memref<128x16xf32, #tpu.memory_space<vmem_shared>>) target_semaphore(%run_scoped3A : memref<!tpu.dma_semaphore, #tpu.memory_space<semaphore_mem>>)
      %dma_wait3A_100 = arith.constant 0 : i32
      %dma_wait3A_101 = tpu.memref_slice %arg9[%add3A_8, %dma_wait3A_100] : memref<10240x16xf32, #tpu.memory_space<vmem_shared>> -> memref<128x16xf32, #tpu.memory_space<vmem_shared>>
      %dma_wait3A_102 = arith.constant 0 : i32
      %dma_wait3A_103 = tpu.memref_slice %arg9[%add3A_8, %dma_wait3A_102] : memref<10240x16xf32, #tpu.memory_space<vmem_shared>> -> memref<128x16xf32, #tpu.memory_space<vmem_shared>>
      tpu.wait_dma2 semaphore(%run_scoped3A : memref<!tpu.dma_semaphore, #tpu.memory_space<semaphore_mem>>) src(%arg5 : memref<128x16xf32, #tpu.memory_space<vmem>>) dst(%dma_wait3A_103 : memref<128x16xf32, #tpu.memory_space<vmem_shared>>)
      tpu.yield
    }) : () -> ()
    %mul3A_9 = arith.constant 640 : i32
    %mul3A_10 = arith.muli %arg1, %mul3A_9 : i32
    %add3A_11 = arith.constant 128 : i32
    %add3A_12 = arith.addi %mul3A_10, %add3A_11 : i32
    "tpu.region"() ({
      %run_scoped3A = tpu.sem_alloc : memref<!tpu.dma_semaphore, #tpu.memory_space<semaphore_mem>>
      %dma_start3A_96 = arith.constant 0 : i32
      %dma_start3A_97 = tpu.memref_slice %arg9[%add3A_12, %dma_start3A_96] : memref<10240x16xf32, #tpu.memory_space<vmem_shared>> -> memref<128x16xf32, #tpu.memory_space<vmem_shared>>
      %dma_start3A_98 = arith.constant 0 : i32
      %dma_start3A_99 = tpu.memref_slice %arg9[%add3A_12, %dma_start3A_98] : memref<10240x16xf32, #tpu.memory_space<vmem_shared>> -> memref<128x16xf32, #tpu.memory_space<vmem_shared>>
      tpu.enqueue_dma source(%arg5 : memref<128x16xf32, #tpu.memory_space<vmem>>) target(%dma_start3A_99 : memref<128x16xf32, #tpu.memory_space<vmem_shared>>) target_semaphore(%run_scoped3A : memref<!tpu.dma_semaphore, #tpu.memory_space<semaphore_mem>>)
      %dma_wait3A_100 = arith.constant 0 : i32
      %dma_wait3A_101 = tpu.memref_slice %arg9[%add3A_12, %dma_wait3A_100] : memref<10240x16xf32, #tpu.memory_space<vmem_shared>> -> memref<128x16xf32, #tpu.memory_space<vmem_shared>>
      %dma_wait3A_102 = arith.constant 0 : i32
      %dma_wait3A_103 = tpu.memref_slice %arg9[%add3A_12, %dma_wait3A_102] : memref<10240x16xf32, #tpu.memory_space<vmem_shared>> -> memref<128x16xf32, #tpu.memory_space<vmem_shared>>
      tpu.wait_dma2 semaphore(%run_scoped3A : memref<!tpu.dma_semaphore, #tpu.memory_space<semaphore_mem>>) src(%arg5 : memref<128x16xf32, #tpu.memory_space<vmem>>) dst(%dma_wait3A_103 : memref<128x16xf32, #tpu.memory_space<vmem_shared>>)
      tpu.yield
    }) : () -> ()
    %mul3A_13 = arith.constant 640 : i32
    %mul3A_14 = arith.muli %arg1, %mul3A_13 : i32
    %add3A_15 = arith.constant 256 : i32
    %add3A_16 = arith.addi %mul3A_14, %add3A_15 : i32
    "tpu.region"() ({
      %run_scoped3A = tpu.sem_alloc : memref<!tpu.dma_semaphore, #tpu.memory_space<semaphore_mem>>
      %dma_start3A_96 = arith.constant 0 : i32
      %dma_start3A_97 = tpu.memref_slice %arg9[%add3A_16, %dma_start3A_96] : memref<10240x16xf32, #tpu.memory_space<vmem_shared>> -> memref<128x16xf32, #tpu.memory_space<vmem_shared>>
      %dma_start3A_98 = arith.constant 0 : i32
      %dma_start3A_99 = tpu.memref_slice %arg9[%add3A_16, %dma_start3A_98] : memref<10240x16xf32, #tpu.memory_space<vmem_shared>> -> memref<128x16xf32, #tpu.memory_space<vmem_shared>>
      tpu.enqueue_dma source(%arg5 : memref<128x16xf32, #tpu.memory_space<vmem>>) target(%dma_start3A_99 : memref<128x16xf32, #tpu.memory_space<vmem_shared>>) target_semaphore(%run_scoped3A : memref<!tpu.dma_semaphore, #tpu.memory_space<semaphore_mem>>)
      %dma_wait3A_100 = arith.constant 0 : i32
      %dma_wait3A_101 = tpu.memref_slice %arg9[%add3A_16, %dma_wait3A_100] : memref<10240x16xf32, #tpu.memory_space<vmem_shared>> -> memref<128x16xf32, #tpu.memory_space<vmem_shared>>
      %dma_wait3A_102 = arith.constant 0 : i32
      %dma_wait3A_103 = tpu.memref_slice %arg9[%add3A_16, %dma_wait3A_102] : memref<10240x16xf32, #tpu.memory_space<vmem_shared>> -> memref<128x16xf32, #tpu.memory_space<vmem_shared>>
      tpu.wait_dma2 semaphore(%run_scoped3A : memref<!tpu.dma_semaphore, #tpu.memory_space<semaphore_mem>>) src(%arg5 : memref<128x16xf32, #tpu.memory_space<vmem>>) dst(%dma_wait3A_103 : memref<128x16xf32, #tpu.memory_space<vmem_shared>>)
      tpu.yield
    }) : () -> ()
    %mul3A_17 = arith.constant 640 : i32
    %mul3A_18 = arith.muli %arg1, %mul3A_17 : i32
    %add3A_19 = arith.constant 384 : i32
    %add3A_20 = arith.addi %mul3A_18, %add3A_19 : i32
    "tpu.region"() ({
      %run_scoped3A = tpu.sem_alloc : memref<!tpu.dma_semaphore, #tpu.memory_space<semaphore_mem>>
      %dma_start3A_96 = arith.constant 0 : i32
      %dma_start3A_97 = tpu.memref_slice %arg9[%add3A_20, %dma_start3A_96] : memref<10240x16xf32, #tpu.memory_space<vmem_shared>> -> memref<128x16xf32, #tpu.memory_space<vmem_shared>>
      %dma_start3A_98 = arith.constant 0 : i32
      %dma_start3A_99 = tpu.memref_slice %arg9[%add3A_20, %dma_start3A_98] : memref<10240x16xf32, #tpu.memory_space<vmem_shared>> -> memref<128x16xf32, #tpu.memory_space<vmem_shared>>
      tpu.enqueue_dma source(%arg5 : memref<128x16xf32, #tpu.memory_space<vmem>>) target(%dma_start3A_99 : memref<128x16xf32, #tpu.memory_space<vmem_shared>>) target_semaphore(%run_scoped3A : memref<!tpu.dma_semaphore, #tpu.memory_space<semaphore_mem>>)
      %dma_wait3A_100 = arith.constant 0 : i32
      %dma_wait3A_101 = tpu.memref_slice %arg9[%add3A_20, %dma_wait3A_100] : memref<10240x16xf32, #tpu.memory_space<vmem_shared>> -> memref<128x16xf32, #tpu.memory_space<vmem_shared>>
      %dma_wait3A_102 = arith.constant 0 : i32
      %dma_wait3A_103 = tpu.memref_slice %arg9[%add3A_20, %dma_wait3A_102] : memref<10240x16xf32, #tpu.memory_space<vmem_shared>> -> memref<128x16xf32, #tpu.memory_space<vmem_shared>>
      tpu.wait_dma2 semaphore(%run_scoped3A : memref<!tpu.dma_semaphore, #tpu.memory_space<semaphore_mem>>) src(%arg5 : memref<128x16xf32, #tpu.memory_space<vmem>>) dst(%dma_wait3A_103 : memref<128x16xf32, #tpu.memory_space<vmem_shared>>)
      tpu.yield
    }) : () -> ()
    %mul3A_21 = arith.constant 640 : i32
    %mul3A_22 = arith.muli %arg1, %mul3A_21 : i32
    %add3A_23 = arith.constant 512 : i32
    %add3A_24 = arith.addi %mul3A_22, %add3A_23 : i32
    "tpu.region"() ({
      %run_scoped3A = tpu.sem_alloc : memref<!tpu.dma_semaphore, #tpu.memory_space<semaphore_mem>>
      %dma_start3A_96 = arith.constant 0 : i32
      %dma_start3A_97 = tpu.memref_slice %arg9[%add3A_24, %dma_start3A_96] : memref<10240x16xf32, #tpu.memory_space<vmem_shared>> -> memref<128x16xf32, #tpu.memory_space<vmem_shared>>
      %dma_start3A_98 = arith.constant 0 : i32
      %dma_start3A_99 = tpu.memref_slice %arg9[%add3A_24, %dma_start3A_98] : memref<10240x16xf32, #tpu.memory_space<vmem_shared>> -> memref<128x16xf32, #tpu.memory_space<vmem_shared>>
      tpu.enqueue_dma source(%arg5 : memref<128x16xf32, #tpu.memory_space<vmem>>) target(%dma_start3A_99 : memref<128x16xf32, #tpu.memory_space<vmem_shared>>) target_semaphore(%run_scoped3A : memref<!tpu.dma_semaphore, #tpu.memory_space<semaphore_mem>>)
      %dma_wait3A_100 = arith.constant 0 : i32
      %dma_wait3A_101 = tpu.memref_slice %arg9[%add3A_24, %dma_wait3A_100] : memref<10240x16xf32, #tpu.memory_space<vmem_shared>> -> memref<128x16xf32, #tpu.memory_space<vmem_shared>>
      %dma_wait3A_102 = arith.constant 0 : i32
      %dma_wait3A_103 = tpu.memref_slice %arg9[%add3A_24, %dma_wait3A_102] : memref<10240x16xf32, #tpu.memory_space<vmem_shared>> -> memref<128x16xf32, #tpu.memory_space<vmem_shared>>
      tpu.wait_dma2 semaphore(%run_scoped3A : memref<!tpu.dma_semaphore, #tpu.memory_space<semaphore_mem>>) src(%arg5 : memref<128x16xf32, #tpu.memory_space<vmem>>) dst(%dma_wait3A_103 : memref<128x16xf32, #tpu.memory_space<vmem_shared>>)
      tpu.yield
    }) : () -> ()
    %scan3A_25 = arith.constant 0 : i32
    %scan3A_26 = arith.constant 128 : i32
    %scan3A_27 = arith.addi %scan3A_25, %scan3A_26 : i32
    %scan3A_28 = arith.constant 1 : i32
    scf.for %scan3A_96 = %scan3A_25 to %scan3A_27 step %scan3A_28  : i32 {
      %mul3A_97 = arith.constant 1 : i32
      %mul3A_98 = arith.muli %scan3A_96, %mul3A_97 : i32
      %add3A_99 = arith.constant 0 : i32
      %add3A_100 = arith.addi %add3A_99, %mul3A_98 : i32
      %broadcast_in_dim3A = arith.constant 1.000000e+00 : f32
      %broadcast_in_dim3A_101 = vector.broadcast %broadcast_in_dim3A : f32 to vector<16xf32>
      %swap3A = arith.index_cast %add3A_100 : i32 to index
      %swap3A_102 = arith.constant 0 : index
      %swap3A_103 = tpu.vector_load %arg5[%swap3A, %swap3A_102] {strides = array<i32>} : memref<128x16xf32, #tpu.memory_space<vmem>>, vector<16xf32>,
      tpu.vector_store %arg5[%swap3A, %swap3A_102], %broadcast_in_dim3A_101 {strides = array<i32>} : memref<128x16xf32, #tpu.memory_space<vmem>>, vector<16xf32>,
    }
    %scan3A_29 = arith.constant 128 : i32
    %mul3A_30 = arith.constant 78 : i32
    %mul3A_31 = arith.muli %mul3A_30, %add3A : i32
    %min3A = arith.constant 4 : i32
    %min3A_32 = arith.minsi %add3A, %min3A : i32
    %add3A_33 = arith.addi %mul3A_31, %min3A_32 : i32
    "tpu.region"() ({
      %run_scoped3A = tpu.sem_alloc : memref<!tpu.dma_semaphore, #tpu.memory_space<semaphore_mem>>
      %dma_start3A_96 = arith.constant 0 : i32
      %dma_start3A_97 = arith.constant 0 : i32
      %dma_start3A_98 = tpu.memref_slice %arg4[%dma_start3A_96, %dma_start3A_97] : memref<79x128xi32, #tpu.memory_space<vmem>> -> memref<78x128xi32, #tpu.memory_space<vmem>>
      %dma_start3A_99 = arith.constant 0 : i32
      %dma_start3A_100 = tpu.memref_slice %arg2[%add3A_33, %dma_start3A_99] : memref<2500x128xi32, #tpu.memory_space<hbm>> -> memref<78x128xi32, #tpu.memory_space<hbm>>
      %dma_start3A_101 = arith.constant 0 : i32
      %dma_start3A_102 = arith.constant 0 : i32
      %dma_start3A_103 = tpu.memref_slice %arg4[%dma_start3A_101, %dma_start3A_102] : memref<79x128xi32, #tpu.memory_space<vmem>> -> memref<78x128xi32, #tpu.memory_space<vmem>>
      %dma_start3A_104 = arith.constant 0 : i32
      %dma_start3A_105 = tpu.memref_slice %arg2[%add3A_33, %dma_start3A_104] : memref<2500x128xi32, #tpu.memory_space<hbm>> -> memref<78x128xi32, #tpu.memory_space<hbm>>
      tpu.enqueue_dma source(%dma_start3A_105 : memref<78x128xi32, #tpu.memory_space<hbm>>) target(%dma_start3A_103 : memref<78x128xi32, #tpu.memory_space<vmem>>) target_semaphore(%run_scoped3A : memref<!tpu.dma_semaphore, #tpu.memory_space<semaphore_mem>>)
      %dma_wait3A_106 = arith.constant 0 : i32
      %dma_wait3A_107 = arith.constant 0 : i32
      %dma_wait3A_108 = tpu.memref_slice %arg4[%dma_wait3A_106, %dma_wait3A_107] : memref<79x128xi32, #tpu.memory_space<vmem>> -> memref<78x128xi32, #tpu.memory_space<vmem>>
      %dma_wait3A_109 = arith.constant 0 : i32
      %dma_wait3A_110 = tpu.memref_slice %arg2[%add3A_33, %dma_wait3A_109] : memref<2500x128xi32, #tpu.memory_space<hbm>> -> memref<78x128xi32, #tpu.memory_space<hbm>>
      %dma_wait3A_111 = arith.constant 0 : i32
      %dma_wait3A_112 = arith.constant 0 : i32
      %dma_wait3A_113 = tpu.memref_slice %arg4[%dma_wait3A_111, %dma_wait3A_112] : memref<79x128xi32, #tpu.memory_space<vmem>> -> memref<78x128xi32, #tpu.memory_space<vmem>>
      %dma_wait3A_114 = arith.constant 0 : i32
      %dma_wait3A_115 = tpu.memref_slice %arg2[%add3A_33, %dma_wait3A_114] : memref<2500x128xi32, #tpu.memory_space<hbm>> -> memref<78x128xi32, #tpu.memory_space<hbm>>
      tpu.wait_dma2 semaphore(%run_scoped3A : memref<!tpu.dma_semaphore, #tpu.memory_space<semaphore_mem>>) src(%dma_wait3A_115 : memref<78x128xi32, #tpu.memory_space<hbm>>) dst(%dma_wait3A_113 : memref<78x128xi32, #tpu.memory_space<vmem>>)
      tpu.yield
    }) : () -> ()
    %lt3A = arith.constant 4 : i32
    %lt3A_34 = arith.cmpi slt, %add3A, %lt3A : i32
    %convert_element_type3A = arith.extui %lt3A_34 : i1 to i32
    %cond3A = arith.constant 0 : i32
    %cond3A_35 = arith.cmpi ne, %convert_element_type3A, %cond3A : i32
    scf.if %cond3A_35 {
      %add3A_96 = arith.constant 78 : i32
      %add3A_97 = arith.addi %add3A_33, %add3A_96 : i32
      "tpu.region"() ({
        %run_scoped3A = tpu.sem_alloc : memref<!tpu.dma_semaphore, #tpu.memory_space<semaphore_mem>>
        %dma_start3A_98 = arith.constant 78 : i32
        %dma_start3A_99 = arith.constant 0 : i32
        %dma_start3A_100 = tpu.memref_slice %arg4[%dma_start3A_98, %dma_start3A_99] : memref<79x128xi32, #tpu.memory_space<vmem>> -> memref<1x128xi32, #tpu.memory_space<vmem>>
        %dma_start3A_101 = arith.constant 0 : i32
        %dma_start3A_102 = tpu.memref_slice %arg2[%add3A_97, %dma_start3A_101] : memref<2500x128xi32, #tpu.memory_space<hbm>> -> memref<1x128xi32, #tpu.memory_space<hbm>>
        %dma_start3A_103 = arith.constant 78 : i32
        %dma_start3A_104 = arith.constant 0 : i32
        %dma_start3A_105 = tpu.memref_slice %arg4[%dma_start3A_103, %dma_start3A_104] : memref<79x128xi32, #tpu.memory_space<vmem>> -> memref<1x128xi32, #tpu.memory_space<vmem>>
        %dma_start3A_106 = arith.constant 0 : i32
        %dma_start3A_107 = tpu.memref_slice %arg2[%add3A_97, %dma_start3A_106] : memref<2500x128xi32, #tpu.memory_space<hbm>> -> memref<1x128xi32, #tpu.memory_space<hbm>>
        tpu.enqueue_dma source(%dma_start3A_107 : memref<1x128xi32, #tpu.memory_space<hbm>>) target(%dma_start3A_105 : memref<1x128xi32, #tpu.memory_space<vmem>>) target_semaphore(%run_scoped3A : memref<!tpu.dma_semaphore, #tpu.memory_space<semaphore_mem>>)
        %dma_wait3A_108 = arith.constant 78 : i32
        %dma_wait3A_109 = arith.constant 0 : i32
        %dma_wait3A_110 = tpu.memref_slice %arg4[%dma_wait3A_108, %dma_wait3A_109] : memref<79x128xi32, #tpu.memory_space<vmem>> -> memref<1x128xi32, #tpu.memory_space<vmem>>
        %dma_wait3A_111 = arith.constant 0 : i32
        %dma_wait3A_112 = tpu.memref_slice %arg2[%add3A_97, %dma_wait3A_111] : memref<2500x128xi32, #tpu.memory_space<hbm>> -> memref<1x128xi32, #tpu.memory_space<hbm>>
        %dma_wait3A_113 = arith.constant 78 : i32
        %dma_wait3A_114 = arith.constant 0 : i32
        %dma_wait3A_115 = tpu.memref_slice %arg4[%dma_wait3A_113, %dma_wait3A_114] : memref<79x128xi32, #tpu.memory_space<vmem>> -> memref<1x128xi32, #tpu.memory_space<vmem>>
        %dma_wait3A_116 = arith.constant 0 : i32
        %dma_wait3A_117 = tpu.memref_slice %arg2[%add3A_97, %dma_wait3A_116] : memref<2500x128xi32, #tpu.memory_space<hbm>> -> memref<1x128xi32, #tpu.memory_space<hbm>>
        tpu.wait_dma2 semaphore(%run_scoped3A : memref<!tpu.dma_semaphore, #tpu.memory_space<semaphore_mem>>) src(%dma_wait3A_117 : memref<1x128xi32, #tpu.memory_space<hbm>>) dst(%dma_wait3A_115 : memref<1x128xi32, #tpu.memory_space<vmem>>)
        tpu.yield
      }) : () -> ()
    } else {
    }
    %barrier3A = arith.constant 0 : index
    tpu.barrier barrier_id(%barrier3A)
    %dma_start3A = arith.constant 0 : i32
    %dma_start3A_36 = arith.constant 0 : i32
    %dma_start3A_37 = tpu.memref_slice %arg4[%dma_start3A, %dma_start3A_36] : memref<79x128xi32, #tpu.memory_space<vmem>> -> memref<1x128xi32, #tpu.memory_space<vmem>>
    %dma_start3A_38 = tpu.memref_squeeze %dma_start3A_37 : memref<1x128xi32, #tpu.memory_space<vmem>> -> memref<128xi32, #tpu.memory_space<vmem>>
    %dma_start3A_39 = arith.constant 0 : i32
    %dma_start3A_40 = arith.constant 0 : i32
    %dma_start3A_41 = tpu.memref_slice %arg9[%dma_start3A_39, %dma_start3A_40] : memref<10240x16xf32, #tpu.memory_space<vmem_shared>> -> memref<10240x16xf32, #tpu.memory_space<vmem_shared>>
    tpu.enqueue_indirect_dma source(%arg5 : memref<128x16xf32, #tpu.memory_space<vmem>>) target(%dma_start3A_41 : memref<10240x16xf32, #tpu.memory_space<vmem_shared>>) offsets(%dma_start3A_38 : memref<128xi32, #tpu.memory_space<vmem>>) semaphore(%arg6 : memref<!tpu.dma_semaphore, #tpu.memory_space<semaphore_mem>>) {add = true}
    %dma_start3A_42 = arith.constant 1 : i32
    %dma_start3A_43 = arith.constant 0 : i32
    %dma_start3A_44 = tpu.memref_slice %arg4[%dma_start3A_42, %dma_start3A_43] : memref<79x128xi32, #tpu.memory_space<vmem>> -> memref<1x128xi32, #tpu.memory_space<vmem>>
    %dma_start3A_45 = tpu.memref_squeeze %dma_start3A_44 : memref<1x128xi32, #tpu.memory_space<vmem>> -> memref<128xi32, #tpu.memory_space<vmem>>
    %dma_start3A_46 = arith.constant 0 : i32
    %dma_start3A_47 = arith.constant 0 : i32
    %dma_start3A_48 = tpu.memref_slice %arg9[%dma_start3A_46, %dma_start3A_47] : memref<10240x16xf32, #tpu.memory_space<vmem_shared>> -> memref<10240x16xf32, #tpu.memory_space<vmem_shared>>
    tpu.enqueue_indirect_dma source(%arg5 : memref<128x16xf32, #tpu.memory_space<vmem>>) target(%dma_start3A_48 : memref<10240x16xf32, #tpu.memory_space<vmem_shared>>) offsets(%dma_start3A_45 : memref<128xi32, #tpu.memory_space<vmem>>) semaphore(%arg7 : memref<!tpu.dma_semaphore, #tpu.memory_space<semaphore_mem>>) {add = true}
    %dma_start3A_49 = arith.constant 2 : i32
    %dma_start3A_50 = arith.constant 0 : i32
    %dma_start3A_51 = tpu.memref_slice %arg4[%dma_start3A_49, %dma_start3A_50] : memref<79x128xi32, #tpu.memory_space<vmem>> -> memref<1x128xi32, #tpu.memory_space<vmem>>
    %dma_start3A_52 = tpu.memref_squeeze %dma_start3A_51 : memref<1x128xi32, #tpu.memory_space<vmem>> -> memref<128xi32, #tpu.memory_space<vmem>>
    %dma_start3A_53 = arith.constant 0 : i32
    %dma_start3A_54 = arith.constant 0 : i32
    %dma_start3A_55 = tpu.memref_slice %arg9[%dma_start3A_53, %dma_start3A_54] : memref<10240x16xf32, #tpu.memory_space<vmem_shared>> -> memref<10240x16xf32, #tpu.memory_space<vmem_shared>>
    tpu.enqueue_indirect_dma source(%arg5 : memref<128x16xf32, #tpu.memory_space<vmem>>) target(%dma_start3A_55 : memref<10240x16xf32, #tpu.memory_space<vmem_shared>>) offsets(%dma_start3A_52 : memref<128xi32, #tpu.memory_space<vmem>>) semaphore(%arg8 : memref<!tpu.dma_semaphore, #tpu.memory_space<semaphore_mem>>) {add = true}
    %scan3A_56 = arith.constant 0 : i32
    %scan3A_57 = arith.constant 25 : i32
    %scan3A_58 = arith.addi %scan3A_56, %scan3A_57 : i32
    %scan3A_59 = arith.constant 1 : i32
    scf.for %scan3A_96 = %scan3A_56 to %scan3A_58 step %scan3A_59  : i32 {
      %mul3A_97 = arith.constant 1 : i32
      %mul3A_98 = arith.muli %scan3A_96, %mul3A_97 : i32
      %add3A_99 = arith.constant 1 : i32
      %add3A_100 = arith.addi %add3A_99, %mul3A_98 : i32
      %dma_wait3A_101 = arith.constant 0 : i32
      %dma_wait3A_102 = arith.constant 0 : i32
      %dma_wait3A_103 = tpu.memref_slice %arg4[%dma_wait3A_101, %dma_wait3A_102] : memref<79x128xi32, #tpu.memory_space<vmem>> -> memref<1x128xi32, #tpu.memory_space<vmem>>
      %dma_wait3A_104 = tpu.memref_squeeze %dma_wait3A_103 : memref<1x128xi32, #tpu.memory_space<vmem>> -> memref<128xi32, #tpu.memory_space<vmem>>
      %dma_wait3A_105 = arith.constant 0 : i32
      %dma_wait3A_106 = arith.constant 0 : i32
      %dma_wait3A_107 = tpu.memref_slice %arg9[%dma_wait3A_105, %dma_wait3A_106] : memref<10240x16xf32, #tpu.memory_space<vmem_shared>> -> memref<10240x16xf32, #tpu.memory_space<vmem_shared>>
      tpu.wait_indirect_dma semaphore(%arg6 : memref<!tpu.dma_semaphore, #tpu.memory_space<semaphore_mem>>) src(%arg5 : memref<128x16xf32, #tpu.memory_space<vmem>>) dst(%dma_wait3A_107 : memref<10240x16xf32, #tpu.memory_space<vmem_shared>>)
      %mul3A_108 = arith.constant 3 : i32
      %mul3A_109 = arith.muli %mul3A_108, %add3A_100 : i32
      %add3A_110 = arith.constant 0 : i32
      %add3A_111 = arith.addi %mul3A_109, %add3A_110 : i32
      %dma_start3A_112 = arith.constant 0 : i32
      %dma_start3A_113 = tpu.memref_slice %arg4[%add3A_111, %dma_start3A_112] : memref<79x128xi32, #tpu.memory_space<vmem>> -> memref<1x128xi32, #tpu.memory_space<vmem>>
      %dma_start3A_114 = tpu.memref_squeeze %dma_start3A_113 : memref<1x128xi32, #tpu.memory_space<vmem>> -> memref<128xi32, #tpu.memory_space<vmem>>
      %dma_start3A_115 = arith.constant 0 : i32
      %dma_start3A_116 = arith.constant 0 : i32
      %dma_start3A_117 = tpu.memref_slice %arg9[%dma_start3A_115, %dma_start3A_116] : memref<10240x16xf32, #tpu.memory_space<vmem_shared>> -> memref<10240x16xf32, #tpu.memory_space<vmem_shared>>
      tpu.enqueue_indirect_dma source(%arg5 : memref<128x16xf32, #tpu.memory_space<vmem>>) target(%dma_start3A_117 : memref<10240x16xf32, #tpu.memory_space<vmem_shared>>) offsets(%dma_start3A_114 : memref<128xi32, #tpu.memory_space<vmem>>) semaphore(%arg6 : memref<!tpu.dma_semaphore, #tpu.memory_space<semaphore_mem>>) {add = true}
      %dma_wait3A_118 = arith.constant 0 : i32
      %dma_wait3A_119 = arith.constant 0 : i32
      %dma_wait3A_120 = tpu.memref_slice %arg4[%dma_wait3A_118, %dma_wait3A_119] : memref<79x128xi32, #tpu.memory_space<vmem>> -> memref<1x128xi32, #tpu.memory_space<vmem>>
      %dma_wait3A_121 = tpu.memref_squeeze %dma_wait3A_120 : memref<1x128xi32, #tpu.memory_space<vmem>> -> memref<128xi32, #tpu.memory_space<vmem>>
      %dma_wait3A_122 = arith.constant 0 : i32
      %dma_wait3A_123 = arith.constant 0 : i32
      %dma_wait3A_124 = tpu.memref_slice %arg9[%dma_wait3A_122, %dma_wait3A_123] : memref<10240x16xf32, #tpu.memory_space<vmem_shared>> -> memref<10240x16xf32, #tpu.memory_space<vmem_shared>>
      tpu.wait_indirect_dma semaphore(%arg7 : memref<!tpu.dma_semaphore, #tpu.memory_space<semaphore_mem>>) src(%arg5 : memref<128x16xf32, #tpu.memory_space<vmem>>) dst(%dma_wait3A_124 : memref<10240x16xf32, #tpu.memory_space<vmem_shared>>)
      %mul3A_125 = arith.constant 3 : i32
      %mul3A_126 = arith.muli %mul3A_125, %add3A_100 : i32
      %add3A_127 = arith.constant 1 : i32
      %add3A_128 = arith.addi %mul3A_126, %add3A_127 : i32
      %dma_start3A_129 = arith.constant 0 : i32
      %dma_start3A_130 = tpu.memref_slice %arg4[%add3A_128, %dma_start3A_129] : memref<79x128xi32, #tpu.memory_space<vmem>> -> memref<1x128xi32, #tpu.memory_space<vmem>>
      %dma_start3A_131 = tpu.memref_squeeze %dma_start3A_130 : memref<1x128xi32, #tpu.memory_space<vmem>> -> memref<128xi32, #tpu.memory_space<vmem>>
      %dma_start3A_132 = arith.constant 0 : i32
      %dma_start3A_133 = arith.constant 0 : i32
      %dma_start3A_134 = tpu.memref_slice %arg9[%dma_start3A_132, %dma_start3A_133] : memref<10240x16xf32, #tpu.memory_space<vmem_shared>> -> memref<10240x16xf32, #tpu.memory_space<vmem_shared>>
      tpu.enqueue_indirect_dma source(%arg5 : memref<128x16xf32, #tpu.memory_space<vmem>>) target(%dma_start3A_134 : memref<10240x16xf32, #tpu.memory_space<vmem_shared>>) offsets(%dma_start3A_131 : memref<128xi32, #tpu.memory_space<vmem>>) semaphore(%arg7 : memref<!tpu.dma_semaphore, #tpu.memory_space<semaphore_mem>>) {add = true}
      %dma_wait3A_135 = arith.constant 0 : i32
      %dma_wait3A_136 = arith.constant 0 : i32
      %dma_wait3A_137 = tpu.memref_slice %arg4[%dma_wait3A_135, %dma_wait3A_136] : memref<79x128xi32, #tpu.memory_space<vmem>> -> memref<1x128xi32, #tpu.memory_space<vmem>>
      %dma_wait3A_138 = tpu.memref_squeeze %dma_wait3A_137 : memref<1x128xi32, #tpu.memory_space<vmem>> -> memref<128xi32, #tpu.memory_space<vmem>>
      %dma_wait3A_139 = arith.constant 0 : i32
      %dma_wait3A_140 = arith.constant 0 : i32
      %dma_wait3A_141 = tpu.memref_slice %arg9[%dma_wait3A_139, %dma_wait3A_140] : memref<10240x16xf32, #tpu.memory_space<vmem_shared>> -> memref<10240x16xf32, #tpu.memory_space<vmem_shared>>
      tpu.wait_indirect_dma semaphore(%arg8 : memref<!tpu.dma_semaphore, #tpu.memory_space<semaphore_mem>>) src(%arg5 : memref<128x16xf32, #tpu.memory_space<vmem>>) dst(%dma_wait3A_141 : memref<10240x16xf32, #tpu.memory_space<vmem_shared>>)
      %mul3A_142 = arith.constant 3 : i32
      %mul3A_143 = arith.muli %mul3A_142, %add3A_100 : i32
      %add3A_144 = arith.constant 2 : i32
      %add3A_145 = arith.addi %mul3A_143, %add3A_144 : i32
      %dma_start3A_146 = arith.constant 0 : i32
      %dma_start3A_147 = tpu.memref_slice %arg4[%add3A_145, %dma_start3A_146] : memref<79x128xi32, #tpu.memory_space<vmem>> -> memref<1x128xi32, #tpu.memory_space<vmem>>
      %dma_start3A_148 = tpu.memref_squeeze %dma_start3A_147 : memref<1x128xi32, #tpu.memory_space<vmem>> -> memref<128xi32, #tpu.memory_space<vmem>>
      %dma_start3A_149 = arith.constant 0 : i32
      %dma_start3A_150 = arith.constant 0 : i32
      %dma_start3A_151 = tpu.memref_slice %arg9[%dma_start3A_149, %dma_start3A_150] : memref<10240x16xf32, #tpu.memory_space<vmem_shared>> -> memref<10240x16xf32, #tpu.memory_space<vmem_shared>>
      tpu.enqueue_indirect_dma source(%arg5 : memref<128x16xf32, #tpu.memory_space<vmem>>) target(%dma_start3A_151 : memref<10240x16xf32, #tpu.memory_space<vmem_shared>>) offsets(%dma_start3A_148 : memref<128xi32, #tpu.memory_space<vmem>>) semaphore(%arg8 : memref<!tpu.dma_semaphore, #tpu.memory_space<semaphore_mem>>) {add = true}
    }
    %scan3A_60 = arith.constant 25 : i32
    %dma_wait3A = arith.constant 0 : i32
    %dma_wait3A_61 = arith.constant 0 : i32
    %dma_wait3A_62 = tpu.memref_slice %arg4[%dma_wait3A, %dma_wait3A_61] : memref<79x128xi32, #tpu.memory_space<vmem>> -> memref<1x128xi32, #tpu.memory_space<vmem>>
    %dma_wait3A_63 = tpu.memref_squeeze %dma_wait3A_62 : memref<1x128xi32, #tpu.memory_space<vmem>> -> memref<128xi32, #tpu.memory_space<vmem>>
    %dma_wait3A_64 = arith.constant 0 : i32
    %dma_wait3A_65 = arith.constant 0 : i32
    %dma_wait3A_66 = tpu.memref_slice %arg9[%dma_wait3A_64, %dma_wait3A_65] : memref<10240x16xf32, #tpu.memory_space<vmem_shared>> -> memref<10240x16xf32, #tpu.memory_space<vmem_shared>>
    tpu.wait_indirect_dma semaphore(%arg6 : memref<!tpu.dma_semaphore, #tpu.memory_space<semaphore_mem>>) src(%arg5 : memref<128x16xf32, #tpu.memory_space<vmem>>) dst(%dma_wait3A_66 : memref<10240x16xf32, #tpu.memory_space<vmem_shared>>)
    %lt3A_67 = arith.constant 4 : i32
    %lt3A_68 = arith.cmpi slt, %add3A, %lt3A_67 : i32
    %convert_element_type3A_69 = arith.extui %lt3A_68 : i1 to i32
    %cond3A_70 = arith.constant 0 : i32
    %cond3A_71 = arith.cmpi ne, %convert_element_type3A_69, %cond3A_70 : i32
    scf.if %cond3A_71 {
      %dma_start3A_96 = arith.constant 78 : i32
      %dma_start3A_97 = arith.constant 0 : i32
      %dma_start3A_98 = tpu.memref_slice %arg4[%dma_start3A_96, %dma_start3A_97] : memref<79x128xi32, #tpu.memory_space<vmem>> -> memref<1x128xi32, #tpu.memory_space<vmem>>
      %dma_start3A_99 = tpu.memref_squeeze %dma_start3A_98 : memref<1x128xi32, #tpu.memory_space<vmem>> -> memref<128xi32, #tpu.memory_space<vmem>>
      %dma_start3A_100 = arith.constant 0 : i32
      %dma_start3A_101 = arith.constant 0 : i32
      %dma_start3A_102 = tpu.memref_slice %arg9[%dma_start3A_100, %dma_start3A_101] : memref<10240x16xf32, #tpu.memory_space<vmem_shared>> -> memref<10240x16xf32, #tpu.memory_space<vmem_shared>>
      tpu.enqueue_indirect_dma source(%arg5 : memref<128x16xf32, #tpu.memory_space<vmem>>) target(%dma_start3A_102 : memref<10240x16xf32, #tpu.memory_space<vmem_shared>>) offsets(%dma_start3A_99 : memref<128xi32, #tpu.memory_space<vmem>>) semaphore(%arg6 : memref<!tpu.dma_semaphore, #tpu.memory_space<semaphore_mem>>) {add = true}
    } else {
    }
    %dma_wait3A_72 = arith.constant 0 : i32
    %dma_wait3A_73 = arith.constant 0 : i32
    %dma_wait3A_74 = tpu.memref_slice %arg4[%dma_wait3A_72, %dma_wait3A_73] : memref<79x128xi32, #tpu.memory_space<vmem>> -> memref<1x128xi32, #tpu.memory_space<vmem>>
    %dma_wait3A_75 = tpu.memref_squeeze %dma_wait3A_74 : memref<1x128xi32, #tpu.memory_space<vmem>> -> memref<128xi32, #tpu.memory_space<vmem>>
    %dma_wait3A_76 = arith.constant 0 : i32
    %dma_wait3A_77 = arith.constant 0 : i32
    %dma_wait3A_78 = tpu.memref_slice %arg9[%dma_wait3A_76, %dma_wait3A_77] : memref<10240x16xf32, #tpu.memory_space<vmem_shared>> -> memref<10240x16xf32, #tpu.memory_space<vmem_shared>>
    tpu.wait_indirect_dma semaphore(%arg7 : memref<!tpu.dma_semaphore, #tpu.memory_space<semaphore_mem>>) src(%arg5 : memref<128x16xf32, #tpu.memory_space<vmem>>) dst(%dma_wait3A_78 : memref<10240x16xf32, #tpu.memory_space<vmem_shared>>)
    %dma_wait3A_79 = arith.constant 0 : i32
    %dma_wait3A_80 = arith.constant 0 : i32
    %dma_wait3A_81 = tpu.memref_slice %arg4[%dma_wait3A_79, %dma_wait3A_80] : memref<79x128xi32, #tpu.memory_space<vmem>> -> memref<1x128xi32, #tpu.memory_space<vmem>>
    %dma_wait3A_82 = tpu.memref_squeeze %dma_wait3A_81 : memref<1x128xi32, #tpu.memory_space<vmem>> -> memref<128xi32, #tpu.memory_space<vmem>>
    %dma_wait3A_83 = arith.constant 0 : i32
    %dma_wait3A_84 = arith.constant 0 : i32
    %dma_wait3A_85 = tpu.memref_slice %arg9[%dma_wait3A_83, %dma_wait3A_84] : memref<10240x16xf32, #tpu.memory_space<vmem_shared>> -> memref<10240x16xf32, #tpu.memory_space<vmem_shared>>
    tpu.wait_indirect_dma semaphore(%arg8 : memref<!tpu.dma_semaphore, #tpu.memory_space<semaphore_mem>>) src(%arg5 : memref<128x16xf32, #tpu.memory_space<vmem>>) dst(%dma_wait3A_85 : memref<10240x16xf32, #tpu.memory_space<vmem_shared>>)
    %lt3A_86 = arith.constant 4 : i32
    %lt3A_87 = arith.cmpi slt, %add3A, %lt3A_86 : i32
    %convert_element_type3A_88 = arith.extui %lt3A_87 : i1 to i32
    %cond3A_89 = arith.constant 0 : i32
    %cond3A_90 = arith.cmpi ne, %convert_element_type3A_88, %cond3A_89 : i32
    scf.if %cond3A_90 {
      %dma_wait3A_96 = arith.constant 0 : i32
      %dma_wait3A_97 = arith.constant 0 : i32
      %dma_wait3A_98 = tpu.memref_slice %arg4[%dma_wait3A_96, %dma_wait3A_97] : memref<79x128xi32, #tpu.memory_space<vmem>> -> memref<1x128xi32, #tpu.memory_space<vmem>>
      %dma_wait3A_99 = tpu.memref_squeeze %dma_wait3A_98 : memref<1x128xi32, #tpu.memory_space<vmem>> -> memref<128xi32, #tpu.memory_space<vmem>>
      %dma_wait3A_100 = arith.constant 0 : i32
      %dma_wait3A_101 = arith.constant 0 : i32
      %dma_wait3A_102 = tpu.memref_slice %arg9[%dma_wait3A_100, %dma_wait3A_101] : memref<10240x16xf32, #tpu.memory_space<vmem_shared>> -> memref<10240x16xf32, #tpu.memory_space<vmem_shared>>
      tpu.wait_indirect_dma semaphore(%arg6 : memref<!tpu.dma_semaphore, #tpu.memory_space<semaphore_mem>>) src(%arg5 : memref<128x16xf32, #tpu.memory_space<vmem>>) dst(%dma_wait3A_102 : memref<10240x16xf32, #tpu.memory_space<vmem_shared>>)
    } else {
    }
    %barrier3A_91 = arith.constant 0 : index
    tpu.barrier barrier_id(%barrier3A_91)
    %mul3A_92 = arith.constant 640 : i32
    %mul3A_93 = arith.muli %arg1, %mul3A_92 : i32
    %mul3A_94 = arith.constant 640 : i32
    %mul3A_95 = arith.muli %arg1, %mul3A_94 : i32
    "tpu.region"() ({
      %run_scoped3A = tpu.sem_alloc : memref<!tpu.dma_semaphore, #tpu.memory_space<semaphore_mem>>
      %dma_start3A_96 = arith.constant 0 : i32
      %dma_start3A_97 = tpu.memref_slice %arg3[%arg0, %mul3A_95, %dma_start3A_96] : memref<2x10240x16xf32, #tpu.memory_space<hbm>> -> memref<1x640x16xf32, #tpu.memory_space<hbm>>
      %dma_start3A_98 = tpu.memref_squeeze %dma_start3A_97 : memref<1x640x16xf32, #tpu.memory_space<hbm>> -> memref<640x16xf32, #tpu.memory_space<hbm>>
      %dma_start3A_99 = arith.constant 0 : i32
      %dma_start3A_100 = tpu.memref_slice %arg9[%mul3A_93, %dma_start3A_99] : memref<10240x16xf32, #tpu.memory_space<vmem_shared>> -> memref<640x16xf32, #tpu.memory_space<vmem_shared>>
      tpu.enqueue_dma source(%dma_start3A_100 : memref<640x16xf32, #tpu.memory_space<vmem_shared>>) target(%dma_start3A_98 : memref<640x16xf32, #tpu.memory_space<hbm>>) target_semaphore(%run_scoped3A : memref<!tpu.dma_semaphore, #tpu.memory_space<semaphore_mem>>)
      %dma_wait3A_101 = arith.constant 0 : i32
      %dma_wait3A_102 = tpu.memref_slice %arg3[%arg0, %mul3A_95, %dma_wait3A_101] : memref<2x10240x16xf32, #tpu.memory_space<hbm>> -> memref<1x640x16xf32, #tpu.memory_space<hbm>>
      %dma_wait3A_103 = tpu.memref_squeeze %dma_wait3A_102 : memref<1x640x16xf32, #tpu.memory_space<hbm>> -> memref<640x16xf32, #tpu.memory_space<hbm>>
      %dma_wait3A_104 = arith.constant 0 : i32
      %dma_wait3A_105 = tpu.memref_slice %arg9[%mul3A_93, %dma_wait3A_104] : memref<10240x16xf32, #tpu.memory_space<vmem_shared>> -> memref<640x16xf32, #tpu.memory_space<vmem_shared>>
      tpu.wait_dma2 semaphore(%run_scoped3A : memref<!tpu.dma_semaphore, #tpu.memory_space<semaphore_mem>>) src(%dma_wait3A_105 : memref<640x16xf32, #tpu.memory_space<vmem_shared>>) dst(%dma_wait3A_103 : memref<640x16xf32, #tpu.memory_space<hbm>>)
      tpu.yield
    }) : () -> ()
    return
  }
}

#map = affine_map<(d0, d1) -> (0, 0)>
#map1 = affine_map<(d0, d1) -> (0, 0, 0)>
module attributes {stable_mosaic.version = 14 : i64} {
  func.func @agg3_kernel(%arg0: i32, %arg1: i32, %arg2: memref<10240x128xf32, #tpu.memory_space<hbm>>, %arg3: memref<6400x50xi32, #tpu.memory_space<hbm>>, %arg4: memref<6400x50xi32, #tpu.memory_space<hbm>>, %arg5: memref<2x10240x128xf32, #tpu.memory_space<hbm>>, %arg6: memref<201x50xi32, #tpu.memory_space<vmem>>, %arg7: memref<201x50xi32, #tpu.memory_space<vmem>>, %arg8: memref<50x128xf32, #tpu.memory_space<vmem>>, %arg9: memref<50x128xf32, #tpu.memory_space<vmem>>, %arg10: memref<50x128xf32, #tpu.memory_space<vmem>>, %arg11: memref<50x128xf32, #tpu.memory_space<vmem>>, %arg12: memref<!tpu.dma_semaphore, #tpu.memory_space<semaphore_mem>>, %arg13: memref<!tpu.dma_semaphore, #tpu.memory_space<semaphore_mem>>, %arg14: memref<!tpu.dma_semaphore, #tpu.memory_space<semaphore_mem>>, %arg15: memref<!tpu.dma_semaphore, #tpu.memory_space<semaphore_mem>>, %arg16: memref<!tpu.dma_semaphore, #tpu.memory_space<semaphore_mem>>, %arg17: memref<!tpu.dma_semaphore, #tpu.memory_space<semaphore_mem>>, %arg18: memref<!tpu.dma_semaphore, #tpu.memory_space<semaphore_mem>>, %arg19: memref<!tpu.dma_semaphore, #tpu.memory_space<semaphore_mem>>, %arg20: memref<10240x128xf32, #tpu.memory_space<vmem_shared>>) attributes {dimension_semantics = [#tpu.dimension_semantics<core_parallel>, #tpu.dimension_semantics<subcore_parallel>], iteration_bounds = array<i64: 2, 16>, scalar_prefetch = 0 : i64, scratch_operands = 15 : i64, tpu.core_type = #tpu.core_type<sc_vector_subcore>, window_params = [{transform_indices = #map}, {transform_indices = #map}, {transform_indices = #map}, {transform_indices = #map1}]} {
    %mul3A = arith.constant 2 : i32
    %mul3A_0 = arith.muli %arg1, %mul3A : i32
    %add3A = arith.addi %mul3A_0, %arg0 : i32
    %scan3A = arith.constant 0 : i32
    %scan3A_1 = arith.constant 50 : i32
    %scan3A_2 = arith.addi %scan3A, %scan3A_1 : i32
    %scan3A_3 = arith.constant 1 : i32
    scf.for %scan3A_199 = %scan3A to %scan3A_2 step %scan3A_3  : i32 {
      %mul3A_200 = arith.constant 1 : i32
      %mul3A_201 = arith.muli %scan3A_199, %mul3A_200 : i32
      %add3A_202 = arith.constant 0 : i32
      %add3A_203 = arith.addi %add3A_202, %mul3A_201 : i32
      %scan3A_204 = arith.constant 0 : i32
      %scan3A_205 = arith.constant 8 : i32
      %scan3A_206 = arith.addi %scan3A_204, %scan3A_205 : i32
      %scan3A_207 = arith.constant 1 : i32
      scf.for %scan3A_209 = %scan3A_204 to %scan3A_206 step %scan3A_207  : i32 {
        %mul3A_210 = arith.constant 1 : i32
        %mul3A_211 = arith.muli %scan3A_209, %mul3A_210 : i32
        %add3A_212 = arith.constant 0 : i32
        %add3A_213 = arith.addi %add3A_212, %mul3A_211 : i32
        %broadcast_in_dim3A = arith.constant 0.000000e+00 : f32
        %broadcast_in_dim3A_214 = vector.broadcast %broadcast_in_dim3A : f32 to vector<16xf32>
        %mul3A_215 = arith.constant 16 : i32
        %mul3A_216 = arith.muli %add3A_213, %mul3A_215 : i32
        %swap3A = arith.index_cast %add3A_203 : i32 to index
        %swap3A_217 = arith.index_cast %mul3A_216 : i32 to index
        %swap3A_218 = tpu.vector_load %arg8[%swap3A, %swap3A_217] {strides = array<i32>} : memref<50x128xf32, #tpu.memory_space<vmem>>, vector<16xf32>,
        tpu.vector_store %arg8[%swap3A, %swap3A_217], %broadcast_in_dim3A_214 {strides = array<i32>} : memref<50x128xf32, #tpu.memory_space<vmem>>, vector<16xf32>,
      }
      %scan3A_208 = arith.constant 8 : i32
    }
    %scan3A_4 = arith.constant 50 : i32
    %mul3A_5 = arith.constant 640 : i32
    %mul3A_6 = arith.muli %arg1, %mul3A_5 : i32
    %add3A_7 = arith.constant 0 : i32
    %add3A_8 = arith.addi %mul3A_6, %add3A_7 : i32
    "tpu.region"() ({
      %run_scoped3A = tpu.sem_alloc : memref<!tpu.dma_semaphore, #tpu.memory_space<semaphore_mem>>
      %dma_start3A_199 = arith.constant 0 : i32
      %dma_start3A_200 = tpu.memref_slice %arg20[%add3A_8, %dma_start3A_199] : memref<10240x128xf32, #tpu.memory_space<vmem_shared>> -> memref<50x128xf32, #tpu.memory_space<vmem_shared>>
      %dma_start3A_201 = arith.constant 0 : i32
      %dma_start3A_202 = tpu.memref_slice %arg20[%add3A_8, %dma_start3A_201] : memref<10240x128xf32, #tpu.memory_space<vmem_shared>> -> memref<50x128xf32, #tpu.memory_space<vmem_shared>>
      tpu.enqueue_dma source(%arg8 : memref<50x128xf32, #tpu.memory_space<vmem>>) target(%dma_start3A_202 : memref<50x128xf32, #tpu.memory_space<vmem_shared>>) target_semaphore(%run_scoped3A : memref<!tpu.dma_semaphore, #tpu.memory_space<semaphore_mem>>)
      %dma_wait3A_203 = arith.constant 0 : i32
      %dma_wait3A_204 = tpu.memref_slice %arg20[%add3A_8, %dma_wait3A_203] : memref<10240x128xf32, #tpu.memory_space<vmem_shared>> -> memref<50x128xf32, #tpu.memory_space<vmem_shared>>
      %dma_wait3A_205 = arith.constant 0 : i32
      %dma_wait3A_206 = tpu.memref_slice %arg20[%add3A_8, %dma_wait3A_205] : memref<10240x128xf32, #tpu.memory_space<vmem_shared>> -> memref<50x128xf32, #tpu.memory_space<vmem_shared>>
      tpu.wait_dma2 semaphore(%run_scoped3A : memref<!tpu.dma_semaphore, #tpu.memory_space<semaphore_mem>>) src(%arg8 : memref<50x128xf32, #tpu.memory_space<vmem>>) dst(%dma_wait3A_206 : memref<50x128xf32, #tpu.memory_space<vmem_shared>>)
      tpu.yield
    }) : () -> ()
    %mul3A_9 = arith.constant 640 : i32
    %mul3A_10 = arith.muli %arg1, %mul3A_9 : i32
    %add3A_11 = arith.constant 50 : i32
    %add3A_12 = arith.addi %mul3A_10, %add3A_11 : i32
    "tpu.region"() ({
      %run_scoped3A = tpu.sem_alloc : memref<!tpu.dma_semaphore, #tpu.memory_space<semaphore_mem>>
      %dma_start3A_199 = arith.constant 0 : i32
      %dma_start3A_200 = tpu.memref_slice %arg20[%add3A_12, %dma_start3A_199] : memref<10240x128xf32, #tpu.memory_space<vmem_shared>> -> memref<50x128xf32, #tpu.memory_space<vmem_shared>>
      %dma_start3A_201 = arith.constant 0 : i32
      %dma_start3A_202 = tpu.memref_slice %arg20[%add3A_12, %dma_start3A_201] : memref<10240x128xf32, #tpu.memory_space<vmem_shared>> -> memref<50x128xf32, #tpu.memory_space<vmem_shared>>
      tpu.enqueue_dma source(%arg8 : memref<50x128xf32, #tpu.memory_space<vmem>>) target(%dma_start3A_202 : memref<50x128xf32, #tpu.memory_space<vmem_shared>>) target_semaphore(%run_scoped3A : memref<!tpu.dma_semaphore, #tpu.memory_space<semaphore_mem>>)
      %dma_wait3A_203 = arith.constant 0 : i32
      %dma_wait3A_204 = tpu.memref_slice %arg20[%add3A_12, %dma_wait3A_203] : memref<10240x128xf32, #tpu.memory_space<vmem_shared>> -> memref<50x128xf32, #tpu.memory_space<vmem_shared>>
      %dma_wait3A_205 = arith.constant 0 : i32
      %dma_wait3A_206 = tpu.memref_slice %arg20[%add3A_12, %dma_wait3A_205] : memref<10240x128xf32, #tpu.memory_space<vmem_shared>> -> memref<50x128xf32, #tpu.memory_space<vmem_shared>>
      tpu.wait_dma2 semaphore(%run_scoped3A : memref<!tpu.dma_semaphore, #tpu.memory_space<semaphore_mem>>) src(%arg8 : memref<50x128xf32, #tpu.memory_space<vmem>>) dst(%dma_wait3A_206 : memref<50x128xf32, #tpu.memory_space<vmem_shared>>)
      tpu.yield
    }) : () -> ()
    %mul3A_13 = arith.constant 640 : i32
    %mul3A_14 = arith.muli %arg1, %mul3A_13 : i32
    %add3A_15 = arith.constant 100 : i32
    %add3A_16 = arith.addi %mul3A_14, %add3A_15 : i32
    "tpu.region"() ({
      %run_scoped3A = tpu.sem_alloc : memref<!tpu.dma_semaphore, #tpu.memory_space<semaphore_mem>>
      %dma_start3A_199 = arith.constant 0 : i32
      %dma_start3A_200 = tpu.memref_slice %arg20[%add3A_16, %dma_start3A_199] : memref<10240x128xf32, #tpu.memory_space<vmem_shared>> -> memref<50x128xf32, #tpu.memory_space<vmem_shared>>
      %dma_start3A_201 = arith.constant 0 : i32
      %dma_start3A_202 = tpu.memref_slice %arg20[%add3A_16, %dma_start3A_201] : memref<10240x128xf32, #tpu.memory_space<vmem_shared>> -> memref<50x128xf32, #tpu.memory_space<vmem_shared>>
      tpu.enqueue_dma source(%arg8 : memref<50x128xf32, #tpu.memory_space<vmem>>) target(%dma_start3A_202 : memref<50x128xf32, #tpu.memory_space<vmem_shared>>) target_semaphore(%run_scoped3A : memref<!tpu.dma_semaphore, #tpu.memory_space<semaphore_mem>>)
      %dma_wait3A_203 = arith.constant 0 : i32
      %dma_wait3A_204 = tpu.memref_slice %arg20[%add3A_16, %dma_wait3A_203] : memref<10240x128xf32, #tpu.memory_space<vmem_shared>> -> memref<50x128xf32, #tpu.memory_space<vmem_shared>>
      %dma_wait3A_205 = arith.constant 0 : i32
      %dma_wait3A_206 = tpu.memref_slice %arg20[%add3A_16, %dma_wait3A_205] : memref<10240x128xf32, #tpu.memory_space<vmem_shared>> -> memref<50x128xf32, #tpu.memory_space<vmem_shared>>
      tpu.wait_dma2 semaphore(%run_scoped3A : memref<!tpu.dma_semaphore, #tpu.memory_space<semaphore_mem>>) src(%arg8 : memref<50x128xf32, #tpu.memory_space<vmem>>) dst(%dma_wait3A_206 : memref<50x128xf32, #tpu.memory_space<vmem_shared>>)
      tpu.yield
    }) : () -> ()
    %mul3A_17 = arith.constant 640 : i32
    %mul3A_18 = arith.muli %arg1, %mul3A_17 : i32
    %add3A_19 = arith.constant 150 : i32
    %add3A_20 = arith.addi %mul3A_18, %add3A_19 : i32
    "tpu.region"() ({
      %run_scoped3A = tpu.sem_alloc : memref<!tpu.dma_semaphore, #tpu.memory_space<semaphore_mem>>
      %dma_start3A_199 = arith.constant 0 : i32
      %dma_start3A_200 = tpu.memref_slice %arg20[%add3A_20, %dma_start3A_199] : memref<10240x128xf32, #tpu.memory_space<vmem_shared>> -> memref<50x128xf32, #tpu.memory_space<vmem_shared>>
      %dma_start3A_201 = arith.constant 0 : i32
      %dma_start3A_202 = tpu.memref_slice %arg20[%add3A_20, %dma_start3A_201] : memref<10240x128xf32, #tpu.memory_space<vmem_shared>> -> memref<50x128xf32, #tpu.memory_space<vmem_shared>>
      tpu.enqueue_dma source(%arg8 : memref<50x128xf32, #tpu.memory_space<vmem>>) target(%dma_start3A_202 : memref<50x128xf32, #tpu.memory_space<vmem_shared>>) target_semaphore(%run_scoped3A : memref<!tpu.dma_semaphore, #tpu.memory_space<semaphore_mem>>)
      %dma_wait3A_203 = arith.constant 0 : i32
      %dma_wait3A_204 = tpu.memref_slice %arg20[%add3A_20, %dma_wait3A_203] : memref<10240x128xf32, #tpu.memory_space<vmem_shared>> -> memref<50x128xf32, #tpu.memory_space<vmem_shared>>
      %dma_wait3A_205 = arith.constant 0 : i32
      %dma_wait3A_206 = tpu.memref_slice %arg20[%add3A_20, %dma_wait3A_205] : memref<10240x128xf32, #tpu.memory_space<vmem_shared>> -> memref<50x128xf32, #tpu.memory_space<vmem_shared>>
      tpu.wait_dma2 semaphore(%run_scoped3A : memref<!tpu.dma_semaphore, #tpu.memory_space<semaphore_mem>>) src(%arg8 : memref<50x128xf32, #tpu.memory_space<vmem>>) dst(%dma_wait3A_206 : memref<50x128xf32, #tpu.memory_space<vmem_shared>>)
      tpu.yield
    }) : () -> ()
    %mul3A_21 = arith.constant 640 : i32
    %mul3A_22 = arith.muli %arg1, %mul3A_21 : i32
    %add3A_23 = arith.constant 200 : i32
    %add3A_24 = arith.addi %mul3A_22, %add3A_23 : i32
    "tpu.region"() ({
      %run_scoped3A = tpu.sem_alloc : memref<!tpu.dma_semaphore, #tpu.memory_space<semaphore_mem>>
      %dma_start3A_199 = arith.constant 0 : i32
      %dma_start3A_200 = tpu.memref_slice %arg20[%add3A_24, %dma_start3A_199] : memref<10240x128xf32, #tpu.memory_space<vmem_shared>> -> memref<50x128xf32, #tpu.memory_space<vmem_shared>>
      %dma_start3A_201 = arith.constant 0 : i32
      %dma_start3A_202 = tpu.memref_slice %arg20[%add3A_24, %dma_start3A_201] : memref<10240x128xf32, #tpu.memory_space<vmem_shared>> -> memref<50x128xf32, #tpu.memory_space<vmem_shared>>
      tpu.enqueue_dma source(%arg8 : memref<50x128xf32, #tpu.memory_space<vmem>>) target(%dma_start3A_202 : memref<50x128xf32, #tpu.memory_space<vmem_shared>>) target_semaphore(%run_scoped3A : memref<!tpu.dma_semaphore, #tpu.memory_space<semaphore_mem>>)
      %dma_wait3A_203 = arith.constant 0 : i32
      %dma_wait3A_204 = tpu.memref_slice %arg20[%add3A_24, %dma_wait3A_203] : memref<10240x128xf32, #tpu.memory_space<vmem_shared>> -> memref<50x128xf32, #tpu.memory_space<vmem_shared>>
      %dma_wait3A_205 = arith.constant 0 : i32
      %dma_wait3A_206 = tpu.memref_slice %arg20[%add3A_24, %dma_wait3A_205] : memref<10240x128xf32, #tpu.memory_space<vmem_shared>> -> memref<50x128xf32, #tpu.memory_space<vmem_shared>>
      tpu.wait_dma2 semaphore(%run_scoped3A : memref<!tpu.dma_semaphore, #tpu.memory_space<semaphore_mem>>) src(%arg8 : memref<50x128xf32, #tpu.memory_space<vmem>>) dst(%dma_wait3A_206 : memref<50x128xf32, #tpu.memory_space<vmem_shared>>)
      tpu.yield
    }) : () -> ()
    %mul3A_25 = arith.constant 640 : i32
    %mul3A_26 = arith.muli %arg1, %mul3A_25 : i32
    %add3A_27 = arith.constant 250 : i32
    %add3A_28 = arith.addi %mul3A_26, %add3A_27 : i32
    "tpu.region"() ({
      %run_scoped3A = tpu.sem_alloc : memref<!tpu.dma_semaphore, #tpu.memory_space<semaphore_mem>>
      %dma_start3A_199 = arith.constant 0 : i32
      %dma_start3A_200 = tpu.memref_slice %arg20[%add3A_28, %dma_start3A_199] : memref<10240x128xf32, #tpu.memory_space<vmem_shared>> -> memref<50x128xf32, #tpu.memory_space<vmem_shared>>
      %dma_start3A_201 = arith.constant 0 : i32
      %dma_start3A_202 = tpu.memref_slice %arg20[%add3A_28, %dma_start3A_201] : memref<10240x128xf32, #tpu.memory_space<vmem_shared>> -> memref<50x128xf32, #tpu.memory_space<vmem_shared>>
      tpu.enqueue_dma source(%arg8 : memref<50x128xf32, #tpu.memory_space<vmem>>) target(%dma_start3A_202 : memref<50x128xf32, #tpu.memory_space<vmem_shared>>) target_semaphore(%run_scoped3A : memref<!tpu.dma_semaphore, #tpu.memory_space<semaphore_mem>>)
      %dma_wait3A_203 = arith.constant 0 : i32
      %dma_wait3A_204 = tpu.memref_slice %arg20[%add3A_28, %dma_wait3A_203] : memref<10240x128xf32, #tpu.memory_space<vmem_shared>> -> memref<50x128xf32, #tpu.memory_space<vmem_shared>>
      %dma_wait3A_205 = arith.constant 0 : i32
      %dma_wait3A_206 = tpu.memref_slice %arg20[%add3A_28, %dma_wait3A_205] : memref<10240x128xf32, #tpu.memory_space<vmem_shared>> -> memref<50x128xf32, #tpu.memory_space<vmem_shared>>
      tpu.wait_dma2 semaphore(%run_scoped3A : memref<!tpu.dma_semaphore, #tpu.memory_space<semaphore_mem>>) src(%arg8 : memref<50x128xf32, #tpu.memory_space<vmem>>) dst(%dma_wait3A_206 : memref<50x128xf32, #tpu.memory_space<vmem_shared>>)
      tpu.yield
    }) : () -> ()
    %mul3A_29 = arith.constant 640 : i32
    %mul3A_30 = arith.muli %arg1, %mul3A_29 : i32
    %add3A_31 = arith.constant 300 : i32
    %add3A_32 = arith.addi %mul3A_30, %add3A_31 : i32
    "tpu.region"() ({
      %run_scoped3A = tpu.sem_alloc : memref<!tpu.dma_semaphore, #tpu.memory_space<semaphore_mem>>
      %dma_start3A_199 = arith.constant 0 : i32
      %dma_start3A_200 = tpu.memref_slice %arg20[%add3A_32, %dma_start3A_199] : memref<10240x128xf32, #tpu.memory_space<vmem_shared>> -> memref<50x128xf32, #tpu.memory_space<vmem_shared>>
      %dma_start3A_201 = arith.constant 0 : i32
      %dma_start3A_202 = tpu.memref_slice %arg20[%add3A_32, %dma_start3A_201] : memref<10240x128xf32, #tpu.memory_space<vmem_shared>> -> memref<50x128xf32, #tpu.memory_space<vmem_shared>>
      tpu.enqueue_dma source(%arg8 : memref<50x128xf32, #tpu.memory_space<vmem>>) target(%dma_start3A_202 : memref<50x128xf32, #tpu.memory_space<vmem_shared>>) target_semaphore(%run_scoped3A : memref<!tpu.dma_semaphore, #tpu.memory_space<semaphore_mem>>)
      %dma_wait3A_203 = arith.constant 0 : i32
      %dma_wait3A_204 = tpu.memref_slice %arg20[%add3A_32, %dma_wait3A_203] : memref<10240x128xf32, #tpu.memory_space<vmem_shared>> -> memref<50x128xf32, #tpu.memory_space<vmem_shared>>
      %dma_wait3A_205 = arith.constant 0 : i32
      %dma_wait3A_206 = tpu.memref_slice %arg20[%add3A_32, %dma_wait3A_205] : memref<10240x128xf32, #tpu.memory_space<vmem_shared>> -> memref<50x128xf32, #tpu.memory_space<vmem_shared>>
      tpu.wait_dma2 semaphore(%run_scoped3A : memref<!tpu.dma_semaphore, #tpu.memory_space<semaphore_mem>>) src(%arg8 : memref<50x128xf32, #tpu.memory_space<vmem>>) dst(%dma_wait3A_206 : memref<50x128xf32, #tpu.memory_space<vmem_shared>>)
      tpu.yield
    }) : () -> ()
    %mul3A_33 = arith.constant 640 : i32
    %mul3A_34 = arith.muli %arg1, %mul3A_33 : i32
    %add3A_35 = arith.constant 350 : i32
    %add3A_36 = arith.addi %mul3A_34, %add3A_35 : i32
    "tpu.region"() ({
      %run_scoped3A = tpu.sem_alloc : memref<!tpu.dma_semaphore, #tpu.memory_space<semaphore_mem>>
      %dma_start3A_199 = arith.constant 0 : i32
      %dma_start3A_200 = tpu.memref_slice %arg20[%add3A_36, %dma_start3A_199] : memref<10240x128xf32, #tpu.memory_space<vmem_shared>> -> memref<50x128xf32, #tpu.memory_space<vmem_shared>>
      %dma_start3A_201 = arith.constant 0 : i32
      %dma_start3A_202 = tpu.memref_slice %arg20[%add3A_36, %dma_start3A_201] : memref<10240x128xf32, #tpu.memory_space<vmem_shared>> -> memref<50x128xf32, #tpu.memory_space<vmem_shared>>
      tpu.enqueue_dma source(%arg8 : memref<50x128xf32, #tpu.memory_space<vmem>>) target(%dma_start3A_202 : memref<50x128xf32, #tpu.memory_space<vmem_shared>>) target_semaphore(%run_scoped3A : memref<!tpu.dma_semaphore, #tpu.memory_space<semaphore_mem>>)
      %dma_wait3A_203 = arith.constant 0 : i32
      %dma_wait3A_204 = tpu.memref_slice %arg20[%add3A_36, %dma_wait3A_203] : memref<10240x128xf32, #tpu.memory_space<vmem_shared>> -> memref<50x128xf32, #tpu.memory_space<vmem_shared>>
      %dma_wait3A_205 = arith.constant 0 : i32
      %dma_wait3A_206 = tpu.memref_slice %arg20[%add3A_36, %dma_wait3A_205] : memref<10240x128xf32, #tpu.memory_space<vmem_shared>> -> memref<50x128xf32, #tpu.memory_space<vmem_shared>>
      tpu.wait_dma2 semaphore(%run_scoped3A : memref<!tpu.dma_semaphore, #tpu.memory_space<semaphore_mem>>) src(%arg8 : memref<50x128xf32, #tpu.memory_space<vmem>>) dst(%dma_wait3A_206 : memref<50x128xf32, #tpu.memory_space<vmem_shared>>)
      tpu.yield
    }) : () -> ()
    %mul3A_37 = arith.constant 640 : i32
    %mul3A_38 = arith.muli %arg1, %mul3A_37 : i32
    %add3A_39 = arith.constant 400 : i32
    %add3A_40 = arith.addi %mul3A_38, %add3A_39 : i32
    "tpu.region"() ({
      %run_scoped3A = tpu.sem_alloc : memref<!tpu.dma_semaphore, #tpu.memory_space<semaphore_mem>>
      %dma_start3A_199 = arith.constant 0 : i32
      %dma_start3A_200 = tpu.memref_slice %arg20[%add3A_40, %dma_start3A_199] : memref<10240x128xf32, #tpu.memory_space<vmem_shared>> -> memref<50x128xf32, #tpu.memory_space<vmem_shared>>
      %dma_start3A_201 = arith.constant 0 : i32
      %dma_start3A_202 = tpu.memref_slice %arg20[%add3A_40, %dma_start3A_201] : memref<10240x128xf32, #tpu.memory_space<vmem_shared>> -> memref<50x128xf32, #tpu.memory_space<vmem_shared>>
      tpu.enqueue_dma source(%arg8 : memref<50x128xf32, #tpu.memory_space<vmem>>) target(%dma_start3A_202 : memref<50x128xf32, #tpu.memory_space<vmem_shared>>) target_semaphore(%run_scoped3A : memref<!tpu.dma_semaphore, #tpu.memory_space<semaphore_mem>>)
      %dma_wait3A_203 = arith.constant 0 : i32
      %dma_wait3A_204 = tpu.memref_slice %arg20[%add3A_40, %dma_wait3A_203] : memref<10240x128xf32, #tpu.memory_space<vmem_shared>> -> memref<50x128xf32, #tpu.memory_space<vmem_shared>>
      %dma_wait3A_205 = arith.constant 0 : i32
      %dma_wait3A_206 = tpu.memref_slice %arg20[%add3A_40, %dma_wait3A_205] : memref<10240x128xf32, #tpu.memory_space<vmem_shared>> -> memref<50x128xf32, #tpu.memory_space<vmem_shared>>
      tpu.wait_dma2 semaphore(%run_scoped3A : memref<!tpu.dma_semaphore, #tpu.memory_space<semaphore_mem>>) src(%arg8 : memref<50x128xf32, #tpu.memory_space<vmem>>) dst(%dma_wait3A_206 : memref<50x128xf32, #tpu.memory_space<vmem_shared>>)
      tpu.yield
    }) : () -> ()
    %mul3A_41 = arith.constant 640 : i32
    %mul3A_42 = arith.muli %arg1, %mul3A_41 : i32
    %add3A_43 = arith.constant 450 : i32
    %add3A_44 = arith.addi %mul3A_42, %add3A_43 : i32
    "tpu.region"() ({
      %run_scoped3A = tpu.sem_alloc : memref<!tpu.dma_semaphore, #tpu.memory_space<semaphore_mem>>
      %dma_start3A_199 = arith.constant 0 : i32
      %dma_start3A_200 = tpu.memref_slice %arg20[%add3A_44, %dma_start3A_199] : memref<10240x128xf32, #tpu.memory_space<vmem_shared>> -> memref<50x128xf32, #tpu.memory_space<vmem_shared>>
      %dma_start3A_201 = arith.constant 0 : i32
      %dma_start3A_202 = tpu.memref_slice %arg20[%add3A_44, %dma_start3A_201] : memref<10240x128xf32, #tpu.memory_space<vmem_shared>> -> memref<50x128xf32, #tpu.memory_space<vmem_shared>>
      tpu.enqueue_dma source(%arg8 : memref<50x128xf32, #tpu.memory_space<vmem>>) target(%dma_start3A_202 : memref<50x128xf32, #tpu.memory_space<vmem_shared>>) target_semaphore(%run_scoped3A : memref<!tpu.dma_semaphore, #tpu.memory_space<semaphore_mem>>)
      %dma_wait3A_203 = arith.constant 0 : i32
      %dma_wait3A_204 = tpu.memref_slice %arg20[%add3A_44, %dma_wait3A_203] : memref<10240x128xf32, #tpu.memory_space<vmem_shared>> -> memref<50x128xf32, #tpu.memory_space<vmem_shared>>
      %dma_wait3A_205 = arith.constant 0 : i32
      %dma_wait3A_206 = tpu.memref_slice %arg20[%add3A_44, %dma_wait3A_205] : memref<10240x128xf32, #tpu.memory_space<vmem_shared>> -> memref<50x128xf32, #tpu.memory_space<vmem_shared>>
      tpu.wait_dma2 semaphore(%run_scoped3A : memref<!tpu.dma_semaphore, #tpu.memory_space<semaphore_mem>>) src(%arg8 : memref<50x128xf32, #tpu.memory_space<vmem>>) dst(%dma_wait3A_206 : memref<50x128xf32, #tpu.memory_space<vmem_shared>>)
      tpu.yield
    }) : () -> ()
    %mul3A_45 = arith.constant 640 : i32
    %mul3A_46 = arith.muli %arg1, %mul3A_45 : i32
    %add3A_47 = arith.constant 500 : i32
    %add3A_48 = arith.addi %mul3A_46, %add3A_47 : i32
    "tpu.region"() ({
      %run_scoped3A = tpu.sem_alloc : memref<!tpu.dma_semaphore, #tpu.memory_space<semaphore_mem>>
      %dma_start3A_199 = arith.constant 0 : i32
      %dma_start3A_200 = tpu.memref_slice %arg20[%add3A_48, %dma_start3A_199] : memref<10240x128xf32, #tpu.memory_space<vmem_shared>> -> memref<50x128xf32, #tpu.memory_space<vmem_shared>>
      %dma_start3A_201 = arith.constant 0 : i32
      %dma_start3A_202 = tpu.memref_slice %arg20[%add3A_48, %dma_start3A_201] : memref<10240x128xf32, #tpu.memory_space<vmem_shared>> -> memref<50x128xf32, #tpu.memory_space<vmem_shared>>
      tpu.enqueue_dma source(%arg8 : memref<50x128xf32, #tpu.memory_space<vmem>>) target(%dma_start3A_202 : memref<50x128xf32, #tpu.memory_space<vmem_shared>>) target_semaphore(%run_scoped3A : memref<!tpu.dma_semaphore, #tpu.memory_space<semaphore_mem>>)
      %dma_wait3A_203 = arith.constant 0 : i32
      %dma_wait3A_204 = tpu.memref_slice %arg20[%add3A_48, %dma_wait3A_203] : memref<10240x128xf32, #tpu.memory_space<vmem_shared>> -> memref<50x128xf32, #tpu.memory_space<vmem_shared>>
      %dma_wait3A_205 = arith.constant 0 : i32
      %dma_wait3A_206 = tpu.memref_slice %arg20[%add3A_48, %dma_wait3A_205] : memref<10240x128xf32, #tpu.memory_space<vmem_shared>> -> memref<50x128xf32, #tpu.memory_space<vmem_shared>>
      tpu.wait_dma2 semaphore(%run_scoped3A : memref<!tpu.dma_semaphore, #tpu.memory_space<semaphore_mem>>) src(%arg8 : memref<50x128xf32, #tpu.memory_space<vmem>>) dst(%dma_wait3A_206 : memref<50x128xf32, #tpu.memory_space<vmem_shared>>)
      tpu.yield
    }) : () -> ()
    %mul3A_49 = arith.constant 640 : i32
    %mul3A_50 = arith.muli %arg1, %mul3A_49 : i32
    %add3A_51 = arith.constant 550 : i32
    %add3A_52 = arith.addi %mul3A_50, %add3A_51 : i32
    "tpu.region"() ({
      %run_scoped3A = tpu.sem_alloc : memref<!tpu.dma_semaphore, #tpu.memory_space<semaphore_mem>>
      %dma_start3A_199 = arith.constant 0 : i32
      %dma_start3A_200 = tpu.memref_slice %arg20[%add3A_52, %dma_start3A_199] : memref<10240x128xf32, #tpu.memory_space<vmem_shared>> -> memref<50x128xf32, #tpu.memory_space<vmem_shared>>
      %dma_start3A_201 = arith.constant 0 : i32
      %dma_start3A_202 = tpu.memref_slice %arg20[%add3A_52, %dma_start3A_201] : memref<10240x128xf32, #tpu.memory_space<vmem_shared>> -> memref<50x128xf32, #tpu.memory_space<vmem_shared>>
      tpu.enqueue_dma source(%arg8 : memref<50x128xf32, #tpu.memory_space<vmem>>) target(%dma_start3A_202 : memref<50x128xf32, #tpu.memory_space<vmem_shared>>) target_semaphore(%run_scoped3A : memref<!tpu.dma_semaphore, #tpu.memory_space<semaphore_mem>>)
      %dma_wait3A_203 = arith.constant 0 : i32
      %dma_wait3A_204 = tpu.memref_slice %arg20[%add3A_52, %dma_wait3A_203] : memref<10240x128xf32, #tpu.memory_space<vmem_shared>> -> memref<50x128xf32, #tpu.memory_space<vmem_shared>>
      %dma_wait3A_205 = arith.constant 0 : i32
      %dma_wait3A_206 = tpu.memref_slice %arg20[%add3A_52, %dma_wait3A_205] : memref<10240x128xf32, #tpu.memory_space<vmem_shared>> -> memref<50x128xf32, #tpu.memory_space<vmem_shared>>
      tpu.wait_dma2 semaphore(%run_scoped3A : memref<!tpu.dma_semaphore, #tpu.memory_space<semaphore_mem>>) src(%arg8 : memref<50x128xf32, #tpu.memory_space<vmem>>) dst(%dma_wait3A_206 : memref<50x128xf32, #tpu.memory_space<vmem_shared>>)
      tpu.yield
    }) : () -> ()
    %mul3A_53 = arith.constant 200 : i32
    %mul3A_54 = arith.muli %mul3A_53, %add3A : i32
    %min3A = arith.constant 0 : i32
    %min3A_55 = arith.minsi %add3A, %min3A : i32
    %add3A_56 = arith.addi %mul3A_54, %min3A_55 : i32
    "tpu.region"() ({
      %run_scoped3A = tpu.sem_alloc : memref<!tpu.dma_semaphore, #tpu.memory_space<semaphore_mem>>
      %dma_start3A_199 = arith.constant 0 : i32
      %dma_start3A_200 = arith.constant 0 : i32
      %dma_start3A_201 = tpu.memref_slice %arg6[%dma_start3A_199, %dma_start3A_200] : memref<201x50xi32, #tpu.memory_space<vmem>> -> memref<200x50xi32, #tpu.memory_space<vmem>>
      %dma_start3A_202 = arith.constant 0 : i32
      %dma_start3A_203 = tpu.memref_slice %arg3[%add3A_56, %dma_start3A_202] : memref<6400x50xi32, #tpu.memory_space<hbm>> -> memref<200x50xi32, #tpu.memory_space<hbm>>
      %dma_start3A_204 = arith.constant 0 : i32
      %dma_start3A_205 = arith.constant 0 : i32
      %dma_start3A_206 = tpu.memref_slice %arg6[%dma_start3A_204, %dma_start3A_205] : memref<201x50xi32, #tpu.memory_space<vmem>> -> memref<200x50xi32, #tpu.memory_space<vmem>>
      %dma_start3A_207 = arith.constant 0 : i32
      %dma_start3A_208 = tpu.memref_slice %arg3[%add3A_56, %dma_start3A_207] : memref<6400x50xi32, #tpu.memory_space<hbm>> -> memref<200x50xi32, #tpu.memory_space<hbm>>
      tpu.enqueue_dma source(%dma_start3A_208 : memref<200x50xi32, #tpu.memory_space<hbm>>) target(%dma_start3A_206 : memref<200x50xi32, #tpu.memory_space<vmem>>) target_semaphore(%run_scoped3A : memref<!tpu.dma_semaphore, #tpu.memory_space<semaphore_mem>>)
      %dma_wait3A_209 = arith.constant 0 : i32
      %dma_wait3A_210 = arith.constant 0 : i32
      %dma_wait3A_211 = tpu.memref_slice %arg6[%dma_wait3A_209, %dma_wait3A_210] : memref<201x50xi32, #tpu.memory_space<vmem>> -> memref<200x50xi32, #tpu.memory_space<vmem>>
      %dma_wait3A_212 = arith.constant 0 : i32
      %dma_wait3A_213 = tpu.memref_slice %arg3[%add3A_56, %dma_wait3A_212] : memref<6400x50xi32, #tpu.memory_space<hbm>> -> memref<200x50xi32, #tpu.memory_space<hbm>>
      %dma_wait3A_214 = arith.constant 0 : i32
      %dma_wait3A_215 = arith.constant 0 : i32
      %dma_wait3A_216 = tpu.memref_slice %arg6[%dma_wait3A_214, %dma_wait3A_215] : memref<201x50xi32, #tpu.memory_space<vmem>> -> memref<200x50xi32, #tpu.memory_space<vmem>>
      %dma_wait3A_217 = arith.constant 0 : i32
      %dma_wait3A_218 = tpu.memref_slice %arg3[%add3A_56, %dma_wait3A_217] : memref<6400x50xi32, #tpu.memory_space<hbm>> -> memref<200x50xi32, #tpu.memory_space<hbm>>
      tpu.wait_dma2 semaphore(%run_scoped3A : memref<!tpu.dma_semaphore, #tpu.memory_space<semaphore_mem>>) src(%dma_wait3A_218 : memref<200x50xi32, #tpu.memory_space<hbm>>) dst(%dma_wait3A_216 : memref<200x50xi32, #tpu.memory_space<vmem>>)
      tpu.yield
    }) : () -> ()
    %lt3A = arith.constant 0 : i32
    %lt3A_57 = arith.cmpi slt, %add3A, %lt3A : i32
    %convert_element_type3A = arith.extui %lt3A_57 : i1 to i32
    %cond3A = arith.constant 0 : i32
    %cond3A_58 = arith.cmpi ne, %convert_element_type3A, %cond3A : i32
    scf.if %cond3A_58 {
      %add3A_199 = arith.constant 200 : i32
      %add3A_200 = arith.addi %add3A_56, %add3A_199 : i32
      "tpu.region"() ({
        %run_scoped3A = tpu.sem_alloc : memref<!tpu.dma_semaphore, #tpu.memory_space<semaphore_mem>>
        %dma_start3A_201 = arith.constant 200 : i32
        %dma_start3A_202 = arith.constant 0 : i32
        %dma_start3A_203 = tpu.memref_slice %arg6[%dma_start3A_201, %dma_start3A_202] : memref<201x50xi32, #tpu.memory_space<vmem>> -> memref<1x50xi32, #tpu.memory_space<vmem>>
        %dma_start3A_204 = arith.constant 0 : i32
        %dma_start3A_205 = tpu.memref_slice %arg3[%add3A_200, %dma_start3A_204] : memref<6400x50xi32, #tpu.memory_space<hbm>> -> memref<1x50xi32, #tpu.memory_space<hbm>>
        %dma_start3A_206 = arith.constant 200 : i32
        %dma_start3A_207 = arith.constant 0 : i32
        %dma_start3A_208 = tpu.memref_slice %arg6[%dma_start3A_206, %dma_start3A_207] : memref<201x50xi32, #tpu.memory_space<vmem>> -> memref<1x50xi32, #tpu.memory_space<vmem>>
        %dma_start3A_209 = arith.constant 0 : i32
        %dma_start3A_210 = tpu.memref_slice %arg3[%add3A_200, %dma_start3A_209] : memref<6400x50xi32, #tpu.memory_space<hbm>> -> memref<1x50xi32, #tpu.memory_space<hbm>>
        tpu.enqueue_dma source(%dma_start3A_210 : memref<1x50xi32, #tpu.memory_space<hbm>>) target(%dma_start3A_208 : memref<1x50xi32, #tpu.memory_space<vmem>>) target_semaphore(%run_scoped3A : memref<!tpu.dma_semaphore, #tpu.memory_space<semaphore_mem>>)
        %dma_wait3A_211 = arith.constant 200 : i32
        %dma_wait3A_212 = arith.constant 0 : i32
        %dma_wait3A_213 = tpu.memref_slice %arg6[%dma_wait3A_211, %dma_wait3A_212] : memref<201x50xi32, #tpu.memory_space<vmem>> -> memref<1x50xi32, #tpu.memory_space<vmem>>
        %dma_wait3A_214 = arith.constant 0 : i32
        %dma_wait3A_215 = tpu.memref_slice %arg3[%add3A_200, %dma_wait3A_214] : memref<6400x50xi32, #tpu.memory_space<hbm>> -> memref<1x50xi32, #tpu.memory_space<hbm>>
        %dma_wait3A_216 = arith.constant 200 : i32
        %dma_wait3A_217 = arith.constant 0 : i32
        %dma_wait3A_218 = tpu.memref_slice %arg6[%dma_wait3A_216, %dma_wait3A_217] : memref<201x50xi32, #tpu.memory_space<vmem>> -> memref<1x50xi32, #tpu.memory_space<vmem>>
        %dma_wait3A_219 = arith.constant 0 : i32
        %dma_wait3A_220 = tpu.memref_slice %arg3[%add3A_200, %dma_wait3A_219] : memref<6400x50xi32, #tpu.memory_space<hbm>> -> memref<1x50xi32, #tpu.memory_space<hbm>>
        tpu.wait_dma2 semaphore(%run_scoped3A : memref<!tpu.dma_semaphore, #tpu.memory_space<semaphore_mem>>) src(%dma_wait3A_220 : memref<1x50xi32, #tpu.memory_space<hbm>>) dst(%dma_wait3A_218 : memref<1x50xi32, #tpu.memory_space<vmem>>)
        tpu.yield
      }) : () -> ()
    } else {
    }
    %mul3A_59 = arith.constant 200 : i32
    %mul3A_60 = arith.muli %mul3A_59, %add3A : i32
    %min3A_61 = arith.constant 0 : i32
    %min3A_62 = arith.minsi %add3A, %min3A_61 : i32
    %add3A_63 = arith.addi %mul3A_60, %min3A_62 : i32
    "tpu.region"() ({
      %run_scoped3A = tpu.sem_alloc : memref<!tpu.dma_semaphore, #tpu.memory_space<semaphore_mem>>
      %dma_start3A_199 = arith.constant 0 : i32
      %dma_start3A_200 = arith.constant 0 : i32
      %dma_start3A_201 = tpu.memref_slice %arg7[%dma_start3A_199, %dma_start3A_200] : memref<201x50xi32, #tpu.memory_space<vmem>> -> memref<200x50xi32, #tpu.memory_space<vmem>>
      %dma_start3A_202 = arith.constant 0 : i32
      %dma_start3A_203 = tpu.memref_slice %arg4[%add3A_63, %dma_start3A_202] : memref<6400x50xi32, #tpu.memory_space<hbm>> -> memref<200x50xi32, #tpu.memory_space<hbm>>
      %dma_start3A_204 = arith.constant 0 : i32
      %dma_start3A_205 = arith.constant 0 : i32
      %dma_start3A_206 = tpu.memref_slice %arg7[%dma_start3A_204, %dma_start3A_205] : memref<201x50xi32, #tpu.memory_space<vmem>> -> memref<200x50xi32, #tpu.memory_space<vmem>>
      %dma_start3A_207 = arith.constant 0 : i32
      %dma_start3A_208 = tpu.memref_slice %arg4[%add3A_63, %dma_start3A_207] : memref<6400x50xi32, #tpu.memory_space<hbm>> -> memref<200x50xi32, #tpu.memory_space<hbm>>
      tpu.enqueue_dma source(%dma_start3A_208 : memref<200x50xi32, #tpu.memory_space<hbm>>) target(%dma_start3A_206 : memref<200x50xi32, #tpu.memory_space<vmem>>) target_semaphore(%run_scoped3A : memref<!tpu.dma_semaphore, #tpu.memory_space<semaphore_mem>>)
      %dma_wait3A_209 = arith.constant 0 : i32
      %dma_wait3A_210 = arith.constant 0 : i32
      %dma_wait3A_211 = tpu.memref_slice %arg7[%dma_wait3A_209, %dma_wait3A_210] : memref<201x50xi32, #tpu.memory_space<vmem>> -> memref<200x50xi32, #tpu.memory_space<vmem>>
      %dma_wait3A_212 = arith.constant 0 : i32
      %dma_wait3A_213 = tpu.memref_slice %arg4[%add3A_63, %dma_wait3A_212] : memref<6400x50xi32, #tpu.memory_space<hbm>> -> memref<200x50xi32, #tpu.memory_space<hbm>>
      %dma_wait3A_214 = arith.constant 0 : i32
      %dma_wait3A_215 = arith.constant 0 : i32
      %dma_wait3A_216 = tpu.memref_slice %arg7[%dma_wait3A_214, %dma_wait3A_215] : memref<201x50xi32, #tpu.memory_space<vmem>> -> memref<200x50xi32, #tpu.memory_space<vmem>>
      %dma_wait3A_217 = arith.constant 0 : i32
      %dma_wait3A_218 = tpu.memref_slice %arg4[%add3A_63, %dma_wait3A_217] : memref<6400x50xi32, #tpu.memory_space<hbm>> -> memref<200x50xi32, #tpu.memory_space<hbm>>
      tpu.wait_dma2 semaphore(%run_scoped3A : memref<!tpu.dma_semaphore, #tpu.memory_space<semaphore_mem>>) src(%dma_wait3A_218 : memref<200x50xi32, #tpu.memory_space<hbm>>) dst(%dma_wait3A_216 : memref<200x50xi32, #tpu.memory_space<vmem>>)
      tpu.yield
    }) : () -> ()
    %lt3A_64 = arith.constant 0 : i32
    %lt3A_65 = arith.cmpi slt, %add3A, %lt3A_64 : i32
    %convert_element_type3A_66 = arith.extui %lt3A_65 : i1 to i32
    %cond3A_67 = arith.constant 0 : i32
    %cond3A_68 = arith.cmpi ne, %convert_element_type3A_66, %cond3A_67 : i32
    scf.if %cond3A_68 {
      %add3A_199 = arith.constant 200 : i32
      %add3A_200 = arith.addi %add3A_63, %add3A_199 : i32
      "tpu.region"() ({
        %run_scoped3A = tpu.sem_alloc : memref<!tpu.dma_semaphore, #tpu.memory_space<semaphore_mem>>
        %dma_start3A_201 = arith.constant 200 : i32
        %dma_start3A_202 = arith.constant 0 : i32
        %dma_start3A_203 = tpu.memref_slice %arg7[%dma_start3A_201, %dma_start3A_202] : memref<201x50xi32, #tpu.memory_space<vmem>> -> memref<1x50xi32, #tpu.memory_space<vmem>>
        %dma_start3A_204 = arith.constant 0 : i32
        %dma_start3A_205 = tpu.memref_slice %arg4[%add3A_200, %dma_start3A_204] : memref<6400x50xi32, #tpu.memory_space<hbm>> -> memref<1x50xi32, #tpu.memory_space<hbm>>
        %dma_start3A_206 = arith.constant 200 : i32
        %dma_start3A_207 = arith.constant 0 : i32
        %dma_start3A_208 = tpu.memref_slice %arg7[%dma_start3A_206, %dma_start3A_207] : memref<201x50xi32, #tpu.memory_space<vmem>> -> memref<1x50xi32, #tpu.memory_space<vmem>>
        %dma_start3A_209 = arith.constant 0 : i32
        %dma_start3A_210 = tpu.memref_slice %arg4[%add3A_200, %dma_start3A_209] : memref<6400x50xi32, #tpu.memory_space<hbm>> -> memref<1x50xi32, #tpu.memory_space<hbm>>
        tpu.enqueue_dma source(%dma_start3A_210 : memref<1x50xi32, #tpu.memory_space<hbm>>) target(%dma_start3A_208 : memref<1x50xi32, #tpu.memory_space<vmem>>) target_semaphore(%run_scoped3A : memref<!tpu.dma_semaphore, #tpu.memory_space<semaphore_mem>>)
        %dma_wait3A_211 = arith.constant 200 : i32
        %dma_wait3A_212 = arith.constant 0 : i32
        %dma_wait3A_213 = tpu.memref_slice %arg7[%dma_wait3A_211, %dma_wait3A_212] : memref<201x50xi32, #tpu.memory_space<vmem>> -> memref<1x50xi32, #tpu.memory_space<vmem>>
        %dma_wait3A_214 = arith.constant 0 : i32
        %dma_wait3A_215 = tpu.memref_slice %arg4[%add3A_200, %dma_wait3A_214] : memref<6400x50xi32, #tpu.memory_space<hbm>> -> memref<1x50xi32, #tpu.memory_space<hbm>>
        %dma_wait3A_216 = arith.constant 200 : i32
        %dma_wait3A_217 = arith.constant 0 : i32
        %dma_wait3A_218 = tpu.memref_slice %arg7[%dma_wait3A_216, %dma_wait3A_217] : memref<201x50xi32, #tpu.memory_space<vmem>> -> memref<1x50xi32, #tpu.memory_space<vmem>>
        %dma_wait3A_219 = arith.constant 0 : i32
        %dma_wait3A_220 = tpu.memref_slice %arg4[%add3A_200, %dma_wait3A_219] : memref<6400x50xi32, #tpu.memory_space<hbm>> -> memref<1x50xi32, #tpu.memory_space<hbm>>
        tpu.wait_dma2 semaphore(%run_scoped3A : memref<!tpu.dma_semaphore, #tpu.memory_space<semaphore_mem>>) src(%dma_wait3A_220 : memref<1x50xi32, #tpu.memory_space<hbm>>) dst(%dma_wait3A_218 : memref<1x50xi32, #tpu.memory_space<vmem>>)
        tpu.yield
      }) : () -> ()
    } else {
    }
    %barrier3A = arith.constant 0 : index
    tpu.barrier barrier_id(%barrier3A)
    %dma_start3A = arith.constant 0 : i32
    %dma_start3A_69 = arith.constant 0 : i32
    %dma_start3A_70 = tpu.memref_slice %arg6[%dma_start3A, %dma_start3A_69] : memref<201x50xi32, #tpu.memory_space<vmem>> -> memref<1x50xi32, #tpu.memory_space<vmem>>
    %dma_start3A_71 = tpu.memref_squeeze %dma_start3A_70 : memref<1x50xi32, #tpu.memory_space<vmem>> -> memref<50xi32, #tpu.memory_space<vmem>>
    %dma_start3A_72 = arith.constant 0 : i32
    %dma_start3A_73 = arith.constant 0 : i32
    %dma_start3A_74 = tpu.memref_slice %arg2[%dma_start3A_72, %dma_start3A_73] : memref<10240x128xf32, #tpu.memory_space<hbm>> -> memref<10240x128xf32, #tpu.memory_space<hbm>>
    tpu.enqueue_indirect_dma source(%dma_start3A_74 : memref<10240x128xf32, #tpu.memory_space<hbm>>) target(%arg8 : memref<50x128xf32, #tpu.memory_space<vmem>>) offsets(%dma_start3A_71 : memref<50xi32, #tpu.memory_space<vmem>>) semaphore(%arg12 : memref<!tpu.dma_semaphore, #tpu.memory_space<semaphore_mem>>)
    %dma_start3A_75 = arith.constant 1 : i32
    %dma_start3A_76 = arith.constant 0 : i32
    %dma_start3A_77 = tpu.memref_slice %arg6[%dma_start3A_75, %dma_start3A_76] : memref<201x50xi32, #tpu.memory_space<vmem>> -> memref<1x50xi32, #tpu.memory_space<vmem>>
    %dma_start3A_78 = tpu.memref_squeeze %dma_start3A_77 : memref<1x50xi32, #tpu.memory_space<vmem>> -> memref<50xi32, #tpu.memory_space<vmem>>
    %dma_start3A_79 = arith.constant 0 : i32
    %dma_start3A_80 = arith.constant 0 : i32
    %dma_start3A_81 = tpu.memref_slice %arg2[%dma_start3A_79, %dma_start3A_80] : memref<10240x128xf32, #tpu.memory_space<hbm>> -> memref<10240x128xf32, #tpu.memory_space<hbm>>
    tpu.enqueue_indirect_dma source(%dma_start3A_81 : memref<10240x128xf32, #tpu.memory_space<hbm>>) target(%arg9 : memref<50x128xf32, #tpu.memory_space<vmem>>) offsets(%dma_start3A_78 : memref<50xi32, #tpu.memory_space<vmem>>) semaphore(%arg13 : memref<!tpu.dma_semaphore, #tpu.memory_space<semaphore_mem>>)
    %dma_start3A_82 = arith.constant 2 : i32
    %dma_start3A_83 = arith.constant 0 : i32
    %dma_start3A_84 = tpu.memref_slice %arg6[%dma_start3A_82, %dma_start3A_83] : memref<201x50xi32, #tpu.memory_space<vmem>> -> memref<1x50xi32, #tpu.memory_space<vmem>>
    %dma_start3A_85 = tpu.memref_squeeze %dma_start3A_84 : memref<1x50xi32, #tpu.memory_space<vmem>> -> memref<50xi32, #tpu.memory_space<vmem>>
    %dma_start3A_86 = arith.constant 0 : i32
    %dma_start3A_87 = arith.constant 0 : i32
    %dma_start3A_88 = tpu.memref_slice %arg2[%dma_start3A_86, %dma_start3A_87] : memref<10240x128xf32, #tpu.memory_space<hbm>> -> memref<10240x128xf32, #tpu.memory_space<hbm>>
    tpu.enqueue_indirect_dma source(%dma_start3A_88 : memref<10240x128xf32, #tpu.memory_space<hbm>>) target(%arg10 : memref<50x128xf32, #tpu.memory_space<vmem>>) offsets(%dma_start3A_85 : memref<50xi32, #tpu.memory_space<vmem>>) semaphore(%arg14 : memref<!tpu.dma_semaphore, #tpu.memory_space<semaphore_mem>>)
    %dma_start3A_89 = arith.constant 3 : i32
    %dma_start3A_90 = arith.constant 0 : i32
    %dma_start3A_91 = tpu.memref_slice %arg6[%dma_start3A_89, %dma_start3A_90] : memref<201x50xi32, #tpu.memory_space<vmem>> -> memref<1x50xi32, #tpu.memory_space<vmem>>
    %dma_start3A_92 = tpu.memref_squeeze %dma_start3A_91 : memref<1x50xi32, #tpu.memory_space<vmem>> -> memref<50xi32, #tpu.memory_space<vmem>>
    %dma_start3A_93 = arith.constant 0 : i32
    %dma_start3A_94 = arith.constant 0 : i32
    %dma_start3A_95 = tpu.memref_slice %arg2[%dma_start3A_93, %dma_start3A_94] : memref<10240x128xf32, #tpu.memory_space<hbm>> -> memref<10240x128xf32, #tpu.memory_space<hbm>>
    tpu.enqueue_indirect_dma source(%dma_start3A_95 : memref<10240x128xf32, #tpu.memory_space<hbm>>) target(%arg11 : memref<50x128xf32, #tpu.memory_space<vmem>>) offsets(%dma_start3A_92 : memref<50xi32, #tpu.memory_space<vmem>>) semaphore(%arg15 : memref<!tpu.dma_semaphore, #tpu.memory_space<semaphore_mem>>)
    %scan3A_96 = arith.constant 0 : i32
    %scan3A_97 = arith.constant 49 : i32
    %scan3A_98 = arith.addi %scan3A_96, %scan3A_97 : i32
    %scan3A_99 = arith.constant 1 : i32
    scf.for %scan3A_199 = %scan3A_96 to %scan3A_98 step %scan3A_99  : i32 {
      %mul3A_200 = arith.constant 1 : i32
      %mul3A_201 = arith.muli %scan3A_199, %mul3A_200 : i32
      %add3A_202 = arith.constant 0 : i32
      %add3A_203 = arith.addi %add3A_202, %mul3A_201 : i32
      %dma_wait3A_204 = arith.constant 0 : i32
      %dma_wait3A_205 = arith.constant 0 : i32
      %dma_wait3A_206 = tpu.memref_slice %arg6[%dma_wait3A_204, %dma_wait3A_205] : memref<201x50xi32, #tpu.memory_space<vmem>> -> memref<1x50xi32, #tpu.memory_space<vmem>>
      %dma_wait3A_207 = tpu.memref_squeeze %dma_wait3A_206 : memref<1x50xi32, #tpu.memory_space<vmem>> -> memref<50xi32, #tpu.memory_space<vmem>>
      %dma_wait3A_208 = arith.constant 0 : i32
      %dma_wait3A_209 = arith.constant 0 : i32
      %dma_wait3A_210 = tpu.memref_slice %arg2[%dma_wait3A_208, %dma_wait3A_209] : memref<10240x128xf32, #tpu.memory_space<hbm>> -> memref<10240x128xf32, #tpu.memory_space<hbm>>
      tpu.wait_indirect_dma semaphore(%arg12 : memref<!tpu.dma_semaphore, #tpu.memory_space<semaphore_mem>>) src(%dma_wait3A_210 : memref<10240x128xf32, #tpu.memory_space<hbm>>) dst(%arg8 : memref<50x128xf32, #tpu.memory_space<vmem>>)
      %mul3A_211 = arith.constant 4 : i32
      %mul3A_212 = arith.muli %mul3A_211, %add3A_203 : i32
      %add3A_213 = arith.constant 0 : i32
      %add3A_214 = arith.addi %mul3A_212, %add3A_213 : i32
      %dma_start3A_215 = arith.constant 0 : i32
      %dma_start3A_216 = tpu.memref_slice %arg7[%add3A_214, %dma_start3A_215] : memref<201x50xi32, #tpu.memory_space<vmem>> -> memref<1x50xi32, #tpu.memory_space<vmem>>
      %dma_start3A_217 = tpu.memref_squeeze %dma_start3A_216 : memref<1x50xi32, #tpu.memory_space<vmem>> -> memref<50xi32, #tpu.memory_space<vmem>>
      %dma_start3A_218 = arith.constant 0 : i32
      %dma_start3A_219 = arith.constant 0 : i32
      %dma_start3A_220 = tpu.memref_slice %arg20[%dma_start3A_218, %dma_start3A_219] : memref<10240x128xf32, #tpu.memory_space<vmem_shared>> -> memref<10240x128xf32, #tpu.memory_space<vmem_shared>>
      tpu.enqueue_indirect_dma source(%arg8 : memref<50x128xf32, #tpu.memory_space<vmem>>) target(%dma_start3A_220 : memref<10240x128xf32, #tpu.memory_space<vmem_shared>>) offsets(%dma_start3A_217 : memref<50xi32, #tpu.memory_space<vmem>>) semaphore(%arg16 : memref<!tpu.dma_semaphore, #tpu.memory_space<semaphore_mem>>) {add = true}
      %dma_wait3A_221 = arith.constant 0 : i32
      %dma_wait3A_222 = arith.constant 0 : i32
      %dma_wait3A_223 = tpu.memref_slice %arg6[%dma_wait3A_221, %dma_wait3A_222] : memref<201x50xi32, #tpu.memory_space<vmem>> -> memref<1x50xi32, #tpu.memory_space<vmem>>
      %dma_wait3A_224 = tpu.memref_squeeze %dma_wait3A_223 : memref<1x50xi32, #tpu.memory_space<vmem>> -> memref<50xi32, #tpu.memory_space<vmem>>
      %dma_wait3A_225 = arith.constant 0 : i32
      %dma_wait3A_226 = arith.constant 0 : i32
      %dma_wait3A_227 = tpu.memref_slice %arg2[%dma_wait3A_225, %dma_wait3A_226] : memref<10240x128xf32, #tpu.memory_space<hbm>> -> memref<10240x128xf32, #tpu.memory_space<hbm>>
      tpu.wait_indirect_dma semaphore(%arg13 : memref<!tpu.dma_semaphore, #tpu.memory_space<semaphore_mem>>) src(%dma_wait3A_227 : memref<10240x128xf32, #tpu.memory_space<hbm>>) dst(%arg9 : memref<50x128xf32, #tpu.memory_space<vmem>>)
      %mul3A_228 = arith.constant 4 : i32
      %mul3A_229 = arith.muli %mul3A_228, %add3A_203 : i32
      %add3A_230 = arith.constant 1 : i32
      %add3A_231 = arith.addi %mul3A_229, %add3A_230 : i32
      %dma_start3A_232 = arith.constant 0 : i32
      %dma_start3A_233 = tpu.memref_slice %arg7[%add3A_231, %dma_start3A_232] : memref<201x50xi32, #tpu.memory_space<vmem>> -> memref<1x50xi32, #tpu.memory_space<vmem>>
      %dma_start3A_234 = tpu.memref_squeeze %dma_start3A_233 : memref<1x50xi32, #tpu.memory_space<vmem>> -> memref<50xi32, #tpu.memory_space<vmem>>
      %dma_start3A_235 = arith.constant 0 : i32
      %dma_start3A_236 = arith.constant 0 : i32
      %dma_start3A_237 = tpu.memref_slice %arg20[%dma_start3A_235, %dma_start3A_236] : memref<10240x128xf32, #tpu.memory_space<vmem_shared>> -> memref<10240x128xf32, #tpu.memory_space<vmem_shared>>
      tpu.enqueue_indirect_dma source(%arg9 : memref<50x128xf32, #tpu.memory_space<vmem>>) target(%dma_start3A_237 : memref<10240x128xf32, #tpu.memory_space<vmem_shared>>) offsets(%dma_start3A_234 : memref<50xi32, #tpu.memory_space<vmem>>) semaphore(%arg17 : memref<!tpu.dma_semaphore, #tpu.memory_space<semaphore_mem>>) {add = true}
      %dma_wait3A_238 = arith.constant 0 : i32
      %dma_wait3A_239 = arith.constant 0 : i32
      %dma_wait3A_240 = tpu.memref_slice %arg6[%dma_wait3A_238, %dma_wait3A_239] : memref<201x50xi32, #tpu.memory_space<vmem>> -> memref<1x50xi32, #tpu.memory_space<vmem>>
      %dma_wait3A_241 = tpu.memref_squeeze %dma_wait3A_240 : memref<1x50xi32, #tpu.memory_space<vmem>> -> memref<50xi32, #tpu.memory_space<vmem>>
      %dma_wait3A_242 = arith.constant 0 : i32
      %dma_wait3A_243 = arith.constant 0 : i32
      %dma_wait3A_244 = tpu.memref_slice %arg2[%dma_wait3A_242, %dma_wait3A_243] : memref<10240x128xf32, #tpu.memory_space<hbm>> -> memref<10240x128xf32, #tpu.memory_space<hbm>>
      tpu.wait_indirect_dma semaphore(%arg14 : memref<!tpu.dma_semaphore, #tpu.memory_space<semaphore_mem>>) src(%dma_wait3A_244 : memref<10240x128xf32, #tpu.memory_space<hbm>>) dst(%arg10 : memref<50x128xf32, #tpu.memory_space<vmem>>)
      %mul3A_245 = arith.constant 4 : i32
      %mul3A_246 = arith.muli %mul3A_245, %add3A_203 : i32
      %add3A_247 = arith.constant 2 : i32
      %add3A_248 = arith.addi %mul3A_246, %add3A_247 : i32
      %dma_start3A_249 = arith.constant 0 : i32
      %dma_start3A_250 = tpu.memref_slice %arg7[%add3A_248, %dma_start3A_249] : memref<201x50xi32, #tpu.memory_space<vmem>> -> memref<1x50xi32, #tpu.memory_space<vmem>>
      %dma_start3A_251 = tpu.memref_squeeze %dma_start3A_250 : memref<1x50xi32, #tpu.memory_space<vmem>> -> memref<50xi32, #tpu.memory_space<vmem>>
      %dma_start3A_252 = arith.constant 0 : i32
      %dma_start3A_253 = arith.constant 0 : i32
      %dma_start3A_254 = tpu.memref_slice %arg20[%dma_start3A_252, %dma_start3A_253] : memref<10240x128xf32, #tpu.memory_space<vmem_shared>> -> memref<10240x128xf32, #tpu.memory_space<vmem_shared>>
      tpu.enqueue_indirect_dma source(%arg10 : memref<50x128xf32, #tpu.memory_space<vmem>>) target(%dma_start3A_254 : memref<10240x128xf32, #tpu.memory_space<vmem_shared>>) offsets(%dma_start3A_251 : memref<50xi32, #tpu.memory_space<vmem>>) semaphore(%arg18 : memref<!tpu.dma_semaphore, #tpu.memory_space<semaphore_mem>>) {add = true}
      %dma_wait3A_255 = arith.constant 0 : i32
      %dma_wait3A_256 = arith.constant 0 : i32
      %dma_wait3A_257 = tpu.memref_slice %arg6[%dma_wait3A_255, %dma_wait3A_256] : memref<201x50xi32, #tpu.memory_space<vmem>> -> memref<1x50xi32, #tpu.memory_space<vmem>>
      %dma_wait3A_258 = tpu.memref_squeeze %dma_wait3A_257 : memref<1x50xi32, #tpu.memory_space<vmem>> -> memref<50xi32, #tpu.memory_space<vmem>>
      %dma_wait3A_259 = arith.constant 0 : i32
      %dma_wait3A_260 = arith.constant 0 : i32
      %dma_wait3A_261 = tpu.memref_slice %arg2[%dma_wait3A_259, %dma_wait3A_260] : memref<10240x128xf32, #tpu.memory_space<hbm>> -> memref<10240x128xf32, #tpu.memory_space<hbm>>
      tpu.wait_indirect_dma semaphore(%arg15 : memref<!tpu.dma_semaphore, #tpu.memory_space<semaphore_mem>>) src(%dma_wait3A_261 : memref<10240x128xf32, #tpu.memory_space<hbm>>) dst(%arg11 : memref<50x128xf32, #tpu.memory_space<vmem>>)
      %mul3A_262 = arith.constant 4 : i32
      %mul3A_263 = arith.muli %mul3A_262, %add3A_203 : i32
      %add3A_264 = arith.constant 3 : i32
      %add3A_265 = arith.addi %mul3A_263, %add3A_264 : i32
      %dma_start3A_266 = arith.constant 0 : i32
      %dma_start3A_267 = tpu.memref_slice %arg7[%add3A_265, %dma_start3A_266] : memref<201x50xi32, #tpu.memory_space<vmem>> -> memref<1x50xi32, #tpu.memory_space<vmem>>
      %dma_start3A_268 = tpu.memref_squeeze %dma_start3A_267 : memref<1x50xi32, #tpu.memory_space<vmem>> -> memref<50xi32, #tpu.memory_space<vmem>>
      %dma_start3A_269 = arith.constant 0 : i32
      %dma_start3A_270 = arith.constant 0 : i32
      %dma_start3A_271 = tpu.memref_slice %arg20[%dma_start3A_269, %dma_start3A_270] : memref<10240x128xf32, #tpu.memory_space<vmem_shared>> -> memref<10240x128xf32, #tpu.memory_space<vmem_shared>>
      tpu.enqueue_indirect_dma source(%arg11 : memref<50x128xf32, #tpu.memory_space<vmem>>) target(%dma_start3A_271 : memref<10240x128xf32, #tpu.memory_space<vmem_shared>>) offsets(%dma_start3A_268 : memref<50xi32, #tpu.memory_space<vmem>>) semaphore(%arg19 : memref<!tpu.dma_semaphore, #tpu.memory_space<semaphore_mem>>) {add = true}
      %dma_wait3A_272 = arith.constant 0 : i32
      %dma_wait3A_273 = arith.constant 0 : i32
      %dma_wait3A_274 = tpu.memref_slice %arg7[%dma_wait3A_272, %dma_wait3A_273] : memref<201x50xi32, #tpu.memory_space<vmem>> -> memref<1x50xi32, #tpu.memory_space<vmem>>
      %dma_wait3A_275 = tpu.memref_squeeze %dma_wait3A_274 : memref<1x50xi32, #tpu.memory_space<vmem>> -> memref<50xi32, #tpu.memory_space<vmem>>
      %dma_wait3A_276 = arith.constant 0 : i32
      %dma_wait3A_277 = arith.constant 0 : i32
      %dma_wait3A_278 = tpu.memref_slice %arg20[%dma_wait3A_276, %dma_wait3A_277] : memref<10240x128xf32, #tpu.memory_space<vmem_shared>> -> memref<10240x128xf32, #tpu.memory_space<vmem_shared>>
      tpu.wait_indirect_dma semaphore(%arg16 : memref<!tpu.dma_semaphore, #tpu.memory_space<semaphore_mem>>) src(%arg8 : memref<50x128xf32, #tpu.memory_space<vmem>>) dst(%dma_wait3A_278 : memref<10240x128xf32, #tpu.memory_space<vmem_shared>>)
      %mul3A_279 = arith.constant 4 : i32
      %mul3A_280 = arith.muli %mul3A_279, %add3A_203 : i32
      %add3A_281 = arith.constant 4 : i32
      %add3A_282 = arith.addi %mul3A_280, %add3A_281 : i32
      %add3A_283 = arith.constant 0 : i32
      %add3A_284 = arith.addi %add3A_282, %add3A_283 : i32
      %dma_start3A_285 = arith.constant 0 : i32
      %dma_start3A_286 = tpu.memref_slice %arg6[%add3A_284, %dma_start3A_285] : memref<201x50xi32, #tpu.memory_space<vmem>> -> memref<1x50xi32, #tpu.memory_space<vmem>>
      %dma_start3A_287 = tpu.memref_squeeze %dma_start3A_286 : memref<1x50xi32, #tpu.memory_space<vmem>> -> memref<50xi32, #tpu.memory_space<vmem>>
      %dma_start3A_288 = arith.constant 0 : i32
      %dma_start3A_289 = arith.constant 0 : i32
      %dma_start3A_290 = tpu.memref_slice %arg2[%dma_start3A_288, %dma_start3A_289] : memref<10240x128xf32, #tpu.memory_space<hbm>> -> memref<10240x128xf32, #tpu.memory_space<hbm>>
      tpu.enqueue_indirect_dma source(%dma_start3A_290 : memref<10240x128xf32, #tpu.memory_space<hbm>>) target(%arg8 : memref<50x128xf32, #tpu.memory_space<vmem>>) offsets(%dma_start3A_287 : memref<50xi32, #tpu.memory_space<vmem>>) semaphore(%arg12 : memref<!tpu.dma_semaphore, #tpu.memory_space<semaphore_mem>>)
      %dma_wait3A_291 = arith.constant 0 : i32
      %dma_wait3A_292 = arith.constant 0 : i32
      %dma_wait3A_293 = tpu.memref_slice %arg7[%dma_wait3A_291, %dma_wait3A_292] : memref<201x50xi32, #tpu.memory_space<vmem>> -> memref<1x50xi32, #tpu.memory_space<vmem>>
      %dma_wait3A_294 = tpu.memref_squeeze %dma_wait3A_293 : memref<1x50xi32, #tpu.memory_space<vmem>> -> memref<50xi32, #tpu.memory_space<vmem>>
      %dma_wait3A_295 = arith.constant 0 : i32
      %dma_wait3A_296 = arith.constant 0 : i32
      %dma_wait3A_297 = tpu.memref_slice %arg20[%dma_wait3A_295, %dma_wait3A_296] : memref<10240x128xf32, #tpu.memory_space<vmem_shared>> -> memref<10240x128xf32, #tpu.memory_space<vmem_shared>>
      tpu.wait_indirect_dma semaphore(%arg17 : memref<!tpu.dma_semaphore, #tpu.memory_space<semaphore_mem>>) src(%arg8 : memref<50x128xf32, #tpu.memory_space<vmem>>) dst(%dma_wait3A_297 : memref<10240x128xf32, #tpu.memory_space<vmem_shared>>)
      %mul3A_298 = arith.constant 4 : i32
      %mul3A_299 = arith.muli %mul3A_298, %add3A_203 : i32
      %add3A_300 = arith.constant 4 : i32
      %add3A_301 = arith.addi %mul3A_299, %add3A_300 : i32
      %add3A_302 = arith.constant 1 : i32
      %add3A_303 = arith.addi %add3A_301, %add3A_302 : i32
      %dma_start3A_304 = arith.constant 0 : i32
      %dma_start3A_305 = tpu.memref_slice %arg6[%add3A_303, %dma_start3A_304] : memref<201x50xi32, #tpu.memory_space<vmem>> -> memref<1x50xi32, #tpu.memory_space<vmem>>
      %dma_start3A_306 = tpu.memref_squeeze %dma_start3A_305 : memref<1x50xi32, #tpu.memory_space<vmem>> -> memref<50xi32, #tpu.memory_space<vmem>>
      %dma_start3A_307 = arith.constant 0 : i32
      %dma_start3A_308 = arith.constant 0 : i32
      %dma_start3A_309 = tpu.memref_slice %arg2[%dma_start3A_307, %dma_start3A_308] : memref<10240x128xf32, #tpu.memory_space<hbm>> -> memref<10240x128xf32, #tpu.memory_space<hbm>>
      tpu.enqueue_indirect_dma source(%dma_start3A_309 : memref<10240x128xf32, #tpu.memory_space<hbm>>) target(%arg9 : memref<50x128xf32, #tpu.memory_space<vmem>>) offsets(%dma_start3A_306 : memref<50xi32, #tpu.memory_space<vmem>>) semaphore(%arg13 : memref<!tpu.dma_semaphore, #tpu.memory_space<semaphore_mem>>)
      %dma_wait3A_310 = arith.constant 0 : i32
      %dma_wait3A_311 = arith.constant 0 : i32
      %dma_wait3A_312 = tpu.memref_slice %arg7[%dma_wait3A_310, %dma_wait3A_311] : memref<201x50xi32, #tpu.memory_space<vmem>> -> memref<1x50xi32, #tpu.memory_space<vmem>>
      %dma_wait3A_313 = tpu.memref_squeeze %dma_wait3A_312 : memref<1x50xi32, #tpu.memory_space<vmem>> -> memref<50xi32, #tpu.memory_space<vmem>>
      %dma_wait3A_314 = arith.constant 0 : i32
      %dma_wait3A_315 = arith.constant 0 : i32
      %dma_wait3A_316 = tpu.memref_slice %arg20[%dma_wait3A_314, %dma_wait3A_315] : memref<10240x128xf32, #tpu.memory_space<vmem_shared>> -> memref<10240x128xf32, #tpu.memory_space<vmem_shared>>
      tpu.wait_indirect_dma semaphore(%arg18 : memref<!tpu.dma_semaphore, #tpu.memory_space<semaphore_mem>>) src(%arg8 : memref<50x128xf32, #tpu.memory_space<vmem>>) dst(%dma_wait3A_316 : memref<10240x128xf32, #tpu.memory_space<vmem_shared>>)
      %mul3A_317 = arith.constant 4 : i32
      %mul3A_318 = arith.muli %mul3A_317, %add3A_203 : i32
      %add3A_319 = arith.constant 4 : i32
      %add3A_320 = arith.addi %mul3A_318, %add3A_319 : i32
      %add3A_321 = arith.constant 2 : i32
      %add3A_322 = arith.addi %add3A_320, %add3A_321 : i32
      %dma_start3A_323 = arith.constant 0 : i32
      %dma_start3A_324 = tpu.memref_slice %arg6[%add3A_322, %dma_start3A_323] : memref<201x50xi32, #tpu.memory_space<vmem>> -> memref<1x50xi32, #tpu.memory_space<vmem>>
      %dma_start3A_325 = tpu.memref_squeeze %dma_start3A_324 : memref<1x50xi32, #tpu.memory_space<vmem>> -> memref<50xi32, #tpu.memory_space<vmem>>
      %dma_start3A_326 = arith.constant 0 : i32
      %dma_start3A_327 = arith.constant 0 : i32
      %dma_start3A_328 = tpu.memref_slice %arg2[%dma_start3A_326, %dma_start3A_327] : memref<10240x128xf32, #tpu.memory_space<hbm>> -> memref<10240x128xf32, #tpu.memory_space<hbm>>
      tpu.enqueue_indirect_dma source(%dma_start3A_328 : memref<10240x128xf32, #tpu.memory_space<hbm>>) target(%arg10 : memref<50x128xf32, #tpu.memory_space<vmem>>) offsets(%dma_start3A_325 : memref<50xi32, #tpu.memory_space<vmem>>) semaphore(%arg14 : memref<!tpu.dma_semaphore, #tpu.memory_space<semaphore_mem>>)
      %dma_wait3A_329 = arith.constant 0 : i32
      %dma_wait3A_330 = arith.constant 0 : i32
      %dma_wait3A_331 = tpu.memref_slice %arg7[%dma_wait3A_329, %dma_wait3A_330] : memref<201x50xi32, #tpu.memory_space<vmem>> -> memref<1x50xi32, #tpu.memory_space<vmem>>
      %dma_wait3A_332 = tpu.memref_squeeze %dma_wait3A_331 : memref<1x50xi32, #tpu.memory_space<vmem>> -> memref<50xi32, #tpu.memory_space<vmem>>
      %dma_wait3A_333 = arith.constant 0 : i32
      %dma_wait3A_334 = arith.constant 0 : i32
      %dma_wait3A_335 = tpu.memref_slice %arg20[%dma_wait3A_333, %dma_wait3A_334] : memref<10240x128xf32, #tpu.memory_space<vmem_shared>> -> memref<10240x128xf32, #tpu.memory_space<vmem_shared>>
      tpu.wait_indirect_dma semaphore(%arg19 : memref<!tpu.dma_semaphore, #tpu.memory_space<semaphore_mem>>) src(%arg8 : memref<50x128xf32, #tpu.memory_space<vmem>>) dst(%dma_wait3A_335 : memref<10240x128xf32, #tpu.memory_space<vmem_shared>>)
      %mul3A_336 = arith.constant 4 : i32
      %mul3A_337 = arith.muli %mul3A_336, %add3A_203 : i32
      %add3A_338 = arith.constant 4 : i32
      %add3A_339 = arith.addi %mul3A_337, %add3A_338 : i32
      %add3A_340 = arith.constant 3 : i32
      %add3A_341 = arith.addi %add3A_339, %add3A_340 : i32
      %dma_start3A_342 = arith.constant 0 : i32
      %dma_start3A_343 = tpu.memref_slice %arg6[%add3A_341, %dma_start3A_342] : memref<201x50xi32, #tpu.memory_space<vmem>> -> memref<1x50xi32, #tpu.memory_space<vmem>>
      %dma_start3A_344 = tpu.memref_squeeze %dma_start3A_343 : memref<1x50xi32, #tpu.memory_space<vmem>> -> memref<50xi32, #tpu.memory_space<vmem>>
      %dma_start3A_345 = arith.constant 0 : i32
      %dma_start3A_346 = arith.constant 0 : i32
      %dma_start3A_347 = tpu.memref_slice %arg2[%dma_start3A_345, %dma_start3A_346] : memref<10240x128xf32, #tpu.memory_space<hbm>> -> memref<10240x128xf32, #tpu.memory_space<hbm>>
      tpu.enqueue_indirect_dma source(%dma_start3A_347 : memref<10240x128xf32, #tpu.memory_space<hbm>>) target(%arg11 : memref<50x128xf32, #tpu.memory_space<vmem>>) offsets(%dma_start3A_344 : memref<50xi32, #tpu.memory_space<vmem>>) semaphore(%arg15 : memref<!tpu.dma_semaphore, #tpu.memory_space<semaphore_mem>>)
    }
    %scan3A_100 = arith.constant 49 : i32
    %dma_wait3A = arith.constant 0 : i32
    %dma_wait3A_101 = arith.constant 0 : i32
    %dma_wait3A_102 = tpu.memref_slice %arg6[%dma_wait3A, %dma_wait3A_101] : memref<201x50xi32, #tpu.memory_space<vmem>> -> memref<1x50xi32, #tpu.memory_space<vmem>>
    %dma_wait3A_103 = tpu.memref_squeeze %dma_wait3A_102 : memref<1x50xi32, #tpu.memory_space<vmem>> -> memref<50xi32, #tpu.memory_space<vmem>>
    %dma_wait3A_104 = arith.constant 0 : i32
    %dma_wait3A_105 = arith.constant 0 : i32
    %dma_wait3A_106 = tpu.memref_slice %arg2[%dma_wait3A_104, %dma_wait3A_105] : memref<10240x128xf32, #tpu.memory_space<hbm>> -> memref<10240x128xf32, #tpu.memory_space<hbm>>
    tpu.wait_indirect_dma semaphore(%arg12 : memref<!tpu.dma_semaphore, #tpu.memory_space<semaphore_mem>>) src(%dma_wait3A_106 : memref<10240x128xf32, #tpu.memory_space<hbm>>) dst(%arg8 : memref<50x128xf32, #tpu.memory_space<vmem>>)
    %dma_start3A_107 = arith.constant 196 : i32
    %dma_start3A_108 = arith.constant 0 : i32
    %dma_start3A_109 = tpu.memref_slice %arg7[%dma_start3A_107, %dma_start3A_108] : memref<201x50xi32, #tpu.memory_space<vmem>> -> memref<1x50xi32, #tpu.memory_space<vmem>>
    %dma_start3A_110 = tpu.memref_squeeze %dma_start3A_109 : memref<1x50xi32, #tpu.memory_space<vmem>> -> memref<50xi32, #tpu.memory_space<vmem>>
    %dma_start3A_111 = arith.constant 0 : i32
    %dma_start3A_112 = arith.constant 0 : i32
    %dma_start3A_113 = tpu.memref_slice %arg20[%dma_start3A_111, %dma_start3A_112] : memref<10240x128xf32, #tpu.memory_space<vmem_shared>> -> memref<10240x128xf32, #tpu.memory_space<vmem_shared>>
    tpu.enqueue_indirect_dma source(%arg8 : memref<50x128xf32, #tpu.memory_space<vmem>>) target(%dma_start3A_113 : memref<10240x128xf32, #tpu.memory_space<vmem_shared>>) offsets(%dma_start3A_110 : memref<50xi32, #tpu.memory_space<vmem>>) semaphore(%arg16 : memref<!tpu.dma_semaphore, #tpu.memory_space<semaphore_mem>>) {add = true}
    %dma_wait3A_114 = arith.constant 0 : i32
    %dma_wait3A_115 = arith.constant 0 : i32
    %dma_wait3A_116 = tpu.memref_slice %arg6[%dma_wait3A_114, %dma_wait3A_115] : memref<201x50xi32, #tpu.memory_space<vmem>> -> memref<1x50xi32, #tpu.memory_space<vmem>>
    %dma_wait3A_117 = tpu.memref_squeeze %dma_wait3A_116 : memref<1x50xi32, #tpu.memory_space<vmem>> -> memref<50xi32, #tpu.memory_space<vmem>>
    %dma_wait3A_118 = arith.constant 0 : i32
    %dma_wait3A_119 = arith.constant 0 : i32
    %dma_wait3A_120 = tpu.memref_slice %arg2[%dma_wait3A_118, %dma_wait3A_119] : memref<10240x128xf32, #tpu.memory_space<hbm>> -> memref<10240x128xf32, #tpu.memory_space<hbm>>
    tpu.wait_indirect_dma semaphore(%arg13 : memref<!tpu.dma_semaphore, #tpu.memory_space<semaphore_mem>>) src(%dma_wait3A_120 : memref<10240x128xf32, #tpu.memory_space<hbm>>) dst(%arg9 : memref<50x128xf32, #tpu.memory_space<vmem>>)
    %dma_start3A_121 = arith.constant 197 : i32
    %dma_start3A_122 = arith.constant 0 : i32
    %dma_start3A_123 = tpu.memref_slice %arg7[%dma_start3A_121, %dma_start3A_122] : memref<201x50xi32, #tpu.memory_space<vmem>> -> memref<1x50xi32, #tpu.memory_space<vmem>>
    %dma_start3A_124 = tpu.memref_squeeze %dma_start3A_123 : memref<1x50xi32, #tpu.memory_space<vmem>> -> memref<50xi32, #tpu.memory_space<vmem>>
    %dma_start3A_125 = arith.constant 0 : i32
    %dma_start3A_126 = arith.constant 0 : i32
    %dma_start3A_127 = tpu.memref_slice %arg20[%dma_start3A_125, %dma_start3A_126] : memref<10240x128xf32, #tpu.memory_space<vmem_shared>> -> memref<10240x128xf32, #tpu.memory_space<vmem_shared>>
    tpu.enqueue_indirect_dma source(%arg9 : memref<50x128xf32, #tpu.memory_space<vmem>>) target(%dma_start3A_127 : memref<10240x128xf32, #tpu.memory_space<vmem_shared>>) offsets(%dma_start3A_124 : memref<50xi32, #tpu.memory_space<vmem>>) semaphore(%arg17 : memref<!tpu.dma_semaphore, #tpu.memory_space<semaphore_mem>>) {add = true}
    %dma_wait3A_128 = arith.constant 0 : i32
    %dma_wait3A_129 = arith.constant 0 : i32
    %dma_wait3A_130 = tpu.memref_slice %arg6[%dma_wait3A_128, %dma_wait3A_129] : memref<201x50xi32, #tpu.memory_space<vmem>> -> memref<1x50xi32, #tpu.memory_space<vmem>>
    %dma_wait3A_131 = tpu.memref_squeeze %dma_wait3A_130 : memref<1x50xi32, #tpu.memory_space<vmem>> -> memref<50xi32, #tpu.memory_space<vmem>>
    %dma_wait3A_132 = arith.constant 0 : i32
    %dma_wait3A_133 = arith.constant 0 : i32
    %dma_wait3A_134 = tpu.memref_slice %arg2[%dma_wait3A_132, %dma_wait3A_133] : memref<10240x128xf32, #tpu.memory_space<hbm>> -> memref<10240x128xf32, #tpu.memory_space<hbm>>
    tpu.wait_indirect_dma semaphore(%arg14 : memref<!tpu.dma_semaphore, #tpu.memory_space<semaphore_mem>>) src(%dma_wait3A_134 : memref<10240x128xf32, #tpu.memory_space<hbm>>) dst(%arg10 : memref<50x128xf32, #tpu.memory_space<vmem>>)
    %dma_start3A_135 = arith.constant 198 : i32
    %dma_start3A_136 = arith.constant 0 : i32
    %dma_start3A_137 = tpu.memref_slice %arg7[%dma_start3A_135, %dma_start3A_136] : memref<201x50xi32, #tpu.memory_space<vmem>> -> memref<1x50xi32, #tpu.memory_space<vmem>>
    %dma_start3A_138 = tpu.memref_squeeze %dma_start3A_137 : memref<1x50xi32, #tpu.memory_space<vmem>> -> memref<50xi32, #tpu.memory_space<vmem>>
    %dma_start3A_139 = arith.constant 0 : i32
    %dma_start3A_140 = arith.constant 0 : i32
    %dma_start3A_141 = tpu.memref_slice %arg20[%dma_start3A_139, %dma_start3A_140] : memref<10240x128xf32, #tpu.memory_space<vmem_shared>> -> memref<10240x128xf32, #tpu.memory_space<vmem_shared>>
    tpu.enqueue_indirect_dma source(%arg10 : memref<50x128xf32, #tpu.memory_space<vmem>>) target(%dma_start3A_141 : memref<10240x128xf32, #tpu.memory_space<vmem_shared>>) offsets(%dma_start3A_138 : memref<50xi32, #tpu.memory_space<vmem>>) semaphore(%arg18 : memref<!tpu.dma_semaphore, #tpu.memory_space<semaphore_mem>>) {add = true}
    %dma_wait3A_142 = arith.constant 0 : i32
    %dma_wait3A_143 = arith.constant 0 : i32
    %dma_wait3A_144 = tpu.memref_slice %arg6[%dma_wait3A_142, %dma_wait3A_143] : memref<201x50xi32, #tpu.memory_space<vmem>> -> memref<1x50xi32, #tpu.memory_space<vmem>>
    %dma_wait3A_145 = tpu.memref_squeeze %dma_wait3A_144 : memref<1x50xi32, #tpu.memory_space<vmem>> -> memref<50xi32, #tpu.memory_space<vmem>>
    %dma_wait3A_146 = arith.constant 0 : i32
    %dma_wait3A_147 = arith.constant 0 : i32
    %dma_wait3A_148 = tpu.memref_slice %arg2[%dma_wait3A_146, %dma_wait3A_147] : memref<10240x128xf32, #tpu.memory_space<hbm>> -> memref<10240x128xf32, #tpu.memory_space<hbm>>
    tpu.wait_indirect_dma semaphore(%arg15 : memref<!tpu.dma_semaphore, #tpu.memory_space<semaphore_mem>>) src(%dma_wait3A_148 : memref<10240x128xf32, #tpu.memory_space<hbm>>) dst(%arg11 : memref<50x128xf32, #tpu.memory_space<vmem>>)
    %dma_start3A_149 = arith.constant 199 : i32
    %dma_start3A_150 = arith.constant 0 : i32
    %dma_start3A_151 = tpu.memref_slice %arg7[%dma_start3A_149, %dma_start3A_150] : memref<201x50xi32, #tpu.memory_space<vmem>> -> memref<1x50xi32, #tpu.memory_space<vmem>>
    %dma_start3A_152 = tpu.memref_squeeze %dma_start3A_151 : memref<1x50xi32, #tpu.memory_space<vmem>> -> memref<50xi32, #tpu.memory_space<vmem>>
    %dma_start3A_153 = arith.constant 0 : i32
    %dma_start3A_154 = arith.constant 0 : i32
    %dma_start3A_155 = tpu.memref_slice %arg20[%dma_start3A_153, %dma_start3A_154] : memref<10240x128xf32, #tpu.memory_space<vmem_shared>> -> memref<10240x128xf32, #tpu.memory_space<vmem_shared>>
    tpu.enqueue_indirect_dma source(%arg11 : memref<50x128xf32, #tpu.memory_space<vmem>>) target(%dma_start3A_155 : memref<10240x128xf32, #tpu.memory_space<vmem_shared>>) offsets(%dma_start3A_152 : memref<50xi32, #tpu.memory_space<vmem>>) semaphore(%arg19 : memref<!tpu.dma_semaphore, #tpu.memory_space<semaphore_mem>>) {add = true}
    %dma_wait3A_156 = arith.constant 0 : i32
    %dma_wait3A_157 = arith.constant 0 : i32
    %dma_wait3A_158 = tpu.memref_slice %arg7[%dma_wait3A_156, %dma_wait3A_157] : memref<201x50xi32, #tpu.memory_space<vmem>> -> memref<1x50xi32, #tpu.memory_space<vmem>>
    %dma_wait3A_159 = tpu.memref_squeeze %dma_wait3A_158 : memref<1x50xi32, #tpu.memory_space<vmem>> -> memref<50xi32, #tpu.memory_space<vmem>>
    %dma_wait3A_160 = arith.constant 0 : i32
    %dma_wait3A_161 = arith.constant 0 : i32
    %dma_wait3A_162 = tpu.memref_slice %arg20[%dma_wait3A_160, %dma_wait3A_161] : memref<10240x128xf32, #tpu.memory_space<vmem_shared>> -> memref<10240x128xf32, #tpu.memory_space<vmem_shared>>
    tpu.wait_indirect_dma semaphore(%arg16 : memref<!tpu.dma_semaphore, #tpu.memory_space<semaphore_mem>>) src(%arg8 : memref<50x128xf32, #tpu.memory_space<vmem>>) dst(%dma_wait3A_162 : memref<10240x128xf32, #tpu.memory_space<vmem_shared>>)
    %lt3A_163 = arith.constant 0 : i32
    %lt3A_164 = arith.cmpi slt, %add3A, %lt3A_163 : i32
    %convert_element_type3A_165 = arith.extui %lt3A_164 : i1 to i32
    %cond3A_166 = arith.constant 0 : i32
    %cond3A_167 = arith.cmpi ne, %convert_element_type3A_165, %cond3A_166 : i32
    scf.if %cond3A_167 {
      %dma_start3A_199 = arith.constant 200 : i32
      %dma_start3A_200 = arith.constant 0 : i32
      %dma_start3A_201 = tpu.memref_slice %arg6[%dma_start3A_199, %dma_start3A_200] : memref<201x50xi32, #tpu.memory_space<vmem>> -> memref<1x50xi32, #tpu.memory_space<vmem>>
      %dma_start3A_202 = tpu.memref_squeeze %dma_start3A_201 : memref<1x50xi32, #tpu.memory_space<vmem>> -> memref<50xi32, #tpu.memory_space<vmem>>
      %dma_start3A_203 = arith.constant 0 : i32
      %dma_start3A_204 = arith.constant 0 : i32
      %dma_start3A_205 = tpu.memref_slice %arg2[%dma_start3A_203, %dma_start3A_204] : memref<10240x128xf32, #tpu.memory_space<hbm>> -> memref<10240x128xf32, #tpu.memory_space<hbm>>
      tpu.enqueue_indirect_dma source(%dma_start3A_205 : memref<10240x128xf32, #tpu.memory_space<hbm>>) target(%arg8 : memref<50x128xf32, #tpu.memory_space<vmem>>) offsets(%dma_start3A_202 : memref<50xi32, #tpu.memory_space<vmem>>) semaphore(%arg12 : memref<!tpu.dma_semaphore, #tpu.memory_space<semaphore_mem>>)
      %dma_wait3A_206 = arith.constant 0 : i32
      %dma_wait3A_207 = arith.constant 0 : i32
      %dma_wait3A_208 = tpu.memref_slice %arg6[%dma_wait3A_206, %dma_wait3A_207] : memref<201x50xi32, #tpu.memory_space<vmem>> -> memref<1x50xi32, #tpu.memory_space<vmem>>
      %dma_wait3A_209 = tpu.memref_squeeze %dma_wait3A_208 : memref<1x50xi32, #tpu.memory_space<vmem>> -> memref<50xi32, #tpu.memory_space<vmem>>
      %dma_wait3A_210 = arith.constant 0 : i32
      %dma_wait3A_211 = arith.constant 0 : i32
      %dma_wait3A_212 = tpu.memref_slice %arg2[%dma_wait3A_210, %dma_wait3A_211] : memref<10240x128xf32, #tpu.memory_space<hbm>> -> memref<10240x128xf32, #tpu.memory_space<hbm>>
      tpu.wait_indirect_dma semaphore(%arg12 : memref<!tpu.dma_semaphore, #tpu.memory_space<semaphore_mem>>) src(%dma_wait3A_212 : memref<10240x128xf32, #tpu.memory_space<hbm>>) dst(%arg8 : memref<50x128xf32, #tpu.memory_space<vmem>>)
      %dma_start3A_213 = arith.constant 200 : i32
      %dma_start3A_214 = arith.constant 0 : i32
      %dma_start3A_215 = tpu.memref_slice %arg7[%dma_start3A_213, %dma_start3A_214] : memref<201x50xi32, #tpu.memory_space<vmem>> -> memref<1x50xi32, #tpu.memory_space<vmem>>
      %dma_start3A_216 = tpu.memref_squeeze %dma_start3A_215 : memref<1x50xi32, #tpu.memory_space<vmem>> -> memref<50xi32, #tpu.memory_space<vmem>>
      %dma_start3A_217 = arith.constant 0 : i32
      %dma_start3A_218 = arith.constant 0 : i32
      %dma_start3A_219 = tpu.memref_slice %arg20[%dma_start3A_217, %dma_start3A_218] : memref<10240x128xf32, #tpu.memory_space<vmem_shared>> -> memref<10240x128xf32, #tpu.memory_space<vmem_shared>>
      tpu.enqueue_indirect_dma source(%arg8 : memref<50x128xf32, #tpu.memory_space<vmem>>) target(%dma_start3A_219 : memref<10240x128xf32, #tpu.memory_space<vmem_shared>>) offsets(%dma_start3A_216 : memref<50xi32, #tpu.memory_space<vmem>>) semaphore(%arg16 : memref<!tpu.dma_semaphore, #tpu.memory_space<semaphore_mem>>) {add = true}
    } else {
    }
    %dma_wait3A_168 = arith.constant 0 : i32
    %dma_wait3A_169 = arith.constant 0 : i32
    %dma_wait3A_170 = tpu.memref_slice %arg7[%dma_wait3A_168, %dma_wait3A_169] : memref<201x50xi32, #tpu.memory_space<vmem>> -> memref<1x50xi32, #tpu.memory_space<vmem>>
    %dma_wait3A_171 = tpu.memref_squeeze %dma_wait3A_170 : memref<1x50xi32, #tpu.memory_space<vmem>> -> memref<50xi32, #tpu.memory_space<vmem>>
    %dma_wait3A_172 = arith.constant 0 : i32
    %dma_wait3A_173 = arith.constant 0 : i32
    %dma_wait3A_174 = tpu.memref_slice %arg20[%dma_wait3A_172, %dma_wait3A_173] : memref<10240x128xf32, #tpu.memory_space<vmem_shared>> -> memref<10240x128xf32, #tpu.memory_space<vmem_shared>>
    tpu.wait_indirect_dma semaphore(%arg17 : memref<!tpu.dma_semaphore, #tpu.memory_space<semaphore_mem>>) src(%arg8 : memref<50x128xf32, #tpu.memory_space<vmem>>) dst(%dma_wait3A_174 : memref<10240x128xf32, #tpu.memory_space<vmem_shared>>)
    %dma_wait3A_175 = arith.constant 0 : i32
    %dma_wait3A_176 = arith.constant 0 : i32
    %dma_wait3A_177 = tpu.memref_slice %arg7[%dma_wait3A_175, %dma_wait3A_176] : memref<201x50xi32, #tpu.memory_space<vmem>> -> memref<1x50xi32, #tpu.memory_space<vmem>>
    %dma_wait3A_178 = tpu.memref_squeeze %dma_wait3A_177 : memref<1x50xi32, #tpu.memory_space<vmem>> -> memref<50xi32, #tpu.memory_space<vmem>>
    %dma_wait3A_179 = arith.constant 0 : i32
    %dma_wait3A_180 = arith.constant 0 : i32
    %dma_wait3A_181 = tpu.memref_slice %arg20[%dma_wait3A_179, %dma_wait3A_180] : memref<10240x128xf32, #tpu.memory_space<vmem_shared>> -> memref<10240x128xf32, #tpu.memory_space<vmem_shared>>
    tpu.wait_indirect_dma semaphore(%arg18 : memref<!tpu.dma_semaphore, #tpu.memory_space<semaphore_mem>>) src(%arg8 : memref<50x128xf32, #tpu.memory_space<vmem>>) dst(%dma_wait3A_181 : memref<10240x128xf32, #tpu.memory_space<vmem_shared>>)
    %dma_wait3A_182 = arith.constant 0 : i32
    %dma_wait3A_183 = arith.constant 0 : i32
    %dma_wait3A_184 = tpu.memref_slice %arg7[%dma_wait3A_182, %dma_wait3A_183] : memref<201x50xi32, #tpu.memory_space<vmem>> -> memref<1x50xi32, #tpu.memory_space<vmem>>
    %dma_wait3A_185 = tpu.memref_squeeze %dma_wait3A_184 : memref<1x50xi32, #tpu.memory_space<vmem>> -> memref<50xi32, #tpu.memory_space<vmem>>
    %dma_wait3A_186 = arith.constant 0 : i32
    %dma_wait3A_187 = arith.constant 0 : i32
    %dma_wait3A_188 = tpu.memref_slice %arg20[%dma_wait3A_186, %dma_wait3A_187] : memref<10240x128xf32, #tpu.memory_space<vmem_shared>> -> memref<10240x128xf32, #tpu.memory_space<vmem_shared>>
    tpu.wait_indirect_dma semaphore(%arg19 : memref<!tpu.dma_semaphore, #tpu.memory_space<semaphore_mem>>) src(%arg8 : memref<50x128xf32, #tpu.memory_space<vmem>>) dst(%dma_wait3A_188 : memref<10240x128xf32, #tpu.memory_space<vmem_shared>>)
    %lt3A_189 = arith.constant 0 : i32
    %lt3A_190 = arith.cmpi slt, %add3A, %lt3A_189 : i32
    %convert_element_type3A_191 = arith.extui %lt3A_190 : i1 to i32
    %cond3A_192 = arith.constant 0 : i32
    %cond3A_193 = arith.cmpi ne, %convert_element_type3A_191, %cond3A_192 : i32
    scf.if %cond3A_193 {
      %dma_wait3A_199 = arith.constant 0 : i32
      %dma_wait3A_200 = arith.constant 0 : i32
      %dma_wait3A_201 = tpu.memref_slice %arg7[%dma_wait3A_199, %dma_wait3A_200] : memref<201x50xi32, #tpu.memory_space<vmem>> -> memref<1x50xi32, #tpu.memory_space<vmem>>
      %dma_wait3A_202 = tpu.memref_squeeze %dma_wait3A_201 : memref<1x50xi32, #tpu.memory_space<vmem>> -> memref<50xi32, #tpu.memory_space<vmem>>
      %dma_wait3A_203 = arith.constant 0 : i32
      %dma_wait3A_204 = arith.constant 0 : i32
      %dma_wait3A_205 = tpu.memref_slice %arg20[%dma_wait3A_203, %dma_wait3A_204] : memref<10240x128xf32, #tpu.memory_space<vmem_shared>> -> memref<10240x128xf32, #tpu.memory_space<vmem_shared>>
      tpu.wait_indirect_dma semaphore(%arg16 : memref<!tpu.dma_semaphore, #tpu.memory_space<semaphore_mem>>) src(%arg8 : memref<50x128xf32, #tpu.memory_space<vmem>>) dst(%dma_wait3A_205 : memref<10240x128xf32, #tpu.memory_space<vmem_shared>>)
    } else {
    }
    %barrier3A_194 = arith.constant 0 : index
    tpu.barrier barrier_id(%barrier3A_194)
    %mul3A_195 = arith.constant 640 : i32
    %mul3A_196 = arith.muli %arg1, %mul3A_195 : i32
    %mul3A_197 = arith.constant 640 : i32
    %mul3A_198 = arith.muli %arg1, %mul3A_197 : i32
    "tpu.region"() ({
      %run_scoped3A = tpu.sem_alloc : memref<!tpu.dma_semaphore, #tpu.memory_space<semaphore_mem>>
      %dma_start3A_199 = arith.constant 0 : i32
      %dma_start3A_200 = tpu.memref_slice %arg5[%arg0, %mul3A_198, %dma_start3A_199] : memref<2x10240x128xf32, #tpu.memory_space<hbm>> -> memref<1x640x128xf32, #tpu.memory_space<hbm>>
      %dma_start3A_201 = tpu.memref_squeeze %dma_start3A_200 : memref<1x640x128xf32, #tpu.memory_space<hbm>> -> memref<640x128xf32, #tpu.memory_space<hbm>>
      %dma_start3A_202 = arith.constant 0 : i32
      %dma_start3A_203 = tpu.memref_slice %arg20[%mul3A_196, %dma_start3A_202] : memref<10240x128xf32, #tpu.memory_space<vmem_shared>> -> memref<640x128xf32, #tpu.memory_space<vmem_shared>>
      tpu.enqueue_dma source(%dma_start3A_203 : memref<640x128xf32, #tpu.memory_space<vmem_shared>>) target(%dma_start3A_201 : memref<640x128xf32, #tpu.memory_space<hbm>>) target_semaphore(%run_scoped3A : memref<!tpu.dma_semaphore, #tpu.memory_space<semaphore_mem>>)
      %dma_wait3A_204 = arith.constant 0 : i32
      %dma_wait3A_205 = tpu.memref_slice %arg5[%arg0, %mul3A_198, %dma_wait3A_204] : memref<2x10240x128xf32, #tpu.memory_space<hbm>> -> memref<1x640x128xf32, #tpu.memory_space<hbm>>
      %dma_wait3A_206 = tpu.memref_squeeze %dma_wait3A_205 : memref<1x640x128xf32, #tpu.memory_space<hbm>> -> memref<640x128xf32, #tpu.memory_space<hbm>>
      %dma_wait3A_207 = arith.constant 0 : i32
      %dma_wait3A_208 = tpu.memref_slice %arg20[%mul3A_196, %dma_wait3A_207] : memref<10240x128xf32, #tpu.memory_space<vmem_shared>> -> memref<640x128xf32, #tpu.memory_space<vmem_shared>>
      tpu.wait_dma2 semaphore(%run_scoped3A : memref<!tpu.dma_semaphore, #tpu.memory_space<semaphore_mem>>) src(%dma_wait3A_208 : memref<640x128xf32, #tpu.memory_space<vmem_shared>>) dst(%dma_wait3A_206 : memref<640x128xf32, #tpu.memory_space<hbm>>)
      tpu.yield
    }) : () -> ()
    return
  }
}

#map = affine_map<(d0, d1) -> (0, 0)>
#map1 = affine_map<(d0, d1) -> (0, 0, 0)>
module attributes {stable_mosaic.version = 14 : i64} {
  func.func @agg3_kernel(%arg0: i32, %arg1: i32, %arg2: memref<10240x16xf32, #tpu.memory_space<hbm>>, %arg3: memref<2500x128xi32, #tpu.memory_space<hbm>>, %arg4: memref<2500x128xi32, #tpu.memory_space<hbm>>, %arg5: memref<2x10240x16xf32, #tpu.memory_space<hbm>>, %arg6: memref<79x128xi32, #tpu.memory_space<vmem>>, %arg7: memref<79x128xi32, #tpu.memory_space<vmem>>, %arg8: memref<128x16xf32, #tpu.memory_space<vmem>>, %arg9: memref<128x16xf32, #tpu.memory_space<vmem>>, %arg10: memref<128x16xf32, #tpu.memory_space<vmem>>, %arg11: memref<!tpu.dma_semaphore, #tpu.memory_space<semaphore_mem>>, %arg12: memref<!tpu.dma_semaphore, #tpu.memory_space<semaphore_mem>>, %arg13: memref<!tpu.dma_semaphore, #tpu.memory_space<semaphore_mem>>, %arg14: memref<!tpu.dma_semaphore, #tpu.memory_space<semaphore_mem>>, %arg15: memref<!tpu.dma_semaphore, #tpu.memory_space<semaphore_mem>>, %arg16: memref<!tpu.dma_semaphore, #tpu.memory_space<semaphore_mem>>, %arg17: memref<10240x16xf32, #tpu.memory_space<vmem_shared>>, %arg18: memref<10240x16xf32, #tpu.memory_space<vmem_shared>>) attributes {dimension_semantics = [#tpu.dimension_semantics<core_parallel>, #tpu.dimension_semantics<subcore_parallel>], iteration_bounds = array<i64: 2, 16>, scalar_prefetch = 0 : i64, scratch_operands = 13 : i64, tpu.core_type = #tpu.core_type<sc_vector_subcore>, window_params = [{transform_indices = #map}, {transform_indices = #map}, {transform_indices = #map}, {transform_indices = #map1}]} {
    %mul3A = arith.constant 2 : i32
    %mul3A_0 = arith.muli %arg1, %mul3A : i32
    %add3A = arith.addi %mul3A_0, %arg0 : i32
    %scan3A = arith.constant 0 : i32
    %scan3A_1 = arith.constant 128 : i32
    %scan3A_2 = arith.addi %scan3A, %scan3A_1 : i32
    %scan3A_3 = arith.constant 1 : i32
    scf.for %scan3A_147 = %scan3A to %scan3A_2 step %scan3A_3  : i32 {
      %mul3A_148 = arith.constant 1 : i32
      %mul3A_149 = arith.muli %scan3A_147, %mul3A_148 : i32
      %add3A_150 = arith.constant 0 : i32
      %add3A_151 = arith.addi %add3A_150, %mul3A_149 : i32
      %scan3A_152 = arith.constant 0 : i32
      %mul3A_153 = arith.constant 1 : i32
      %mul3A_154 = arith.muli %scan3A_152, %mul3A_153 : i32
      %add3A_155 = arith.constant 0 : i32
      %add3A_156 = arith.addi %add3A_155, %mul3A_154 : i32
      %broadcast_in_dim3A = arith.constant 0.000000e+00 : f32
      %broadcast_in_dim3A_157 = vector.broadcast %broadcast_in_dim3A : f32 to vector<16xf32>
      %mul3A_158 = arith.constant 16 : i32
      %mul3A_159 = arith.muli %add3A_156, %mul3A_158 : i32
      %swap3A = arith.index_cast %add3A_151 : i32 to index
      %swap3A_160 = arith.index_cast %mul3A_159 : i32 to index
      %swap3A_161 = tpu.vector_load %arg8[%swap3A, %swap3A_160] {strides = array<i32>} : memref<128x16xf32, #tpu.memory_space<vmem>>, vector<16xf32>,
      tpu.vector_store %arg8[%swap3A, %swap3A_160], %broadcast_in_dim3A_157 {strides = array<i32>} : memref<128x16xf32, #tpu.memory_space<vmem>>, vector<16xf32>,
      %scan3A_162 = arith.constant 1 : i32
    }
    %scan3A_4 = arith.constant 128 : i32
    %mul3A_5 = arith.constant 640 : i32
    %mul3A_6 = arith.muli %arg1, %mul3A_5 : i32
    %add3A_7 = arith.constant 0 : i32
    %add3A_8 = arith.addi %mul3A_6, %add3A_7 : i32
    "tpu.region"() ({
      %run_scoped3A = tpu.sem_alloc : memref<!tpu.dma_semaphore, #tpu.memory_space<semaphore_mem>>
      %dma_start3A_147 = arith.constant 0 : i32
      %dma_start3A_148 = tpu.memref_slice %arg17[%add3A_8, %dma_start3A_147] : memref<10240x16xf32, #tpu.memory_space<vmem_shared>> -> memref<128x16xf32, #tpu.memory_space<vmem_shared>>
      %dma_start3A_149 = arith.constant 0 : i32
      %dma_start3A_150 = tpu.memref_slice %arg17[%add3A_8, %dma_start3A_149] : memref<10240x16xf32, #tpu.memory_space<vmem_shared>> -> memref<128x16xf32, #tpu.memory_space<vmem_shared>>
      tpu.enqueue_dma source(%arg8 : memref<128x16xf32, #tpu.memory_space<vmem>>) target(%dma_start3A_150 : memref<128x16xf32, #tpu.memory_space<vmem_shared>>) target_semaphore(%run_scoped3A : memref<!tpu.dma_semaphore, #tpu.memory_space<semaphore_mem>>)
      %dma_wait3A_151 = arith.constant 0 : i32
      %dma_wait3A_152 = tpu.memref_slice %arg17[%add3A_8, %dma_wait3A_151] : memref<10240x16xf32, #tpu.memory_space<vmem_shared>> -> memref<128x16xf32, #tpu.memory_space<vmem_shared>>
      %dma_wait3A_153 = arith.constant 0 : i32
      %dma_wait3A_154 = tpu.memref_slice %arg17[%add3A_8, %dma_wait3A_153] : memref<10240x16xf32, #tpu.memory_space<vmem_shared>> -> memref<128x16xf32, #tpu.memory_space<vmem_shared>>
      tpu.wait_dma2 semaphore(%run_scoped3A : memref<!tpu.dma_semaphore, #tpu.memory_space<semaphore_mem>>) src(%arg8 : memref<128x16xf32, #tpu.memory_space<vmem>>) dst(%dma_wait3A_154 : memref<128x16xf32, #tpu.memory_space<vmem_shared>>)
      tpu.yield
    }) : () -> ()
    %mul3A_9 = arith.constant 640 : i32
    %mul3A_10 = arith.muli %arg1, %mul3A_9 : i32
    %add3A_11 = arith.constant 128 : i32
    %add3A_12 = arith.addi %mul3A_10, %add3A_11 : i32
    "tpu.region"() ({
      %run_scoped3A = tpu.sem_alloc : memref<!tpu.dma_semaphore, #tpu.memory_space<semaphore_mem>>
      %dma_start3A_147 = arith.constant 0 : i32
      %dma_start3A_148 = tpu.memref_slice %arg17[%add3A_12, %dma_start3A_147] : memref<10240x16xf32, #tpu.memory_space<vmem_shared>> -> memref<128x16xf32, #tpu.memory_space<vmem_shared>>
      %dma_start3A_149 = arith.constant 0 : i32
      %dma_start3A_150 = tpu.memref_slice %arg17[%add3A_12, %dma_start3A_149] : memref<10240x16xf32, #tpu.memory_space<vmem_shared>> -> memref<128x16xf32, #tpu.memory_space<vmem_shared>>
      tpu.enqueue_dma source(%arg8 : memref<128x16xf32, #tpu.memory_space<vmem>>) target(%dma_start3A_150 : memref<128x16xf32, #tpu.memory_space<vmem_shared>>) target_semaphore(%run_scoped3A : memref<!tpu.dma_semaphore, #tpu.memory_space<semaphore_mem>>)
      %dma_wait3A_151 = arith.constant 0 : i32
      %dma_wait3A_152 = tpu.memref_slice %arg17[%add3A_12, %dma_wait3A_151] : memref<10240x16xf32, #tpu.memory_space<vmem_shared>> -> memref<128x16xf32, #tpu.memory_space<vmem_shared>>
      %dma_wait3A_153 = arith.constant 0 : i32
      %dma_wait3A_154 = tpu.memref_slice %arg17[%add3A_12, %dma_wait3A_153] : memref<10240x16xf32, #tpu.memory_space<vmem_shared>> -> memref<128x16xf32, #tpu.memory_space<vmem_shared>>
      tpu.wait_dma2 semaphore(%run_scoped3A : memref<!tpu.dma_semaphore, #tpu.memory_space<semaphore_mem>>) src(%arg8 : memref<128x16xf32, #tpu.memory_space<vmem>>) dst(%dma_wait3A_154 : memref<128x16xf32, #tpu.memory_space<vmem_shared>>)
      tpu.yield
    }) : () -> ()
    %mul3A_13 = arith.constant 640 : i32
    %mul3A_14 = arith.muli %arg1, %mul3A_13 : i32
    %add3A_15 = arith.constant 256 : i32
    %add3A_16 = arith.addi %mul3A_14, %add3A_15 : i32
    "tpu.region"() ({
      %run_scoped3A = tpu.sem_alloc : memref<!tpu.dma_semaphore, #tpu.memory_space<semaphore_mem>>
      %dma_start3A_147 = arith.constant 0 : i32
      %dma_start3A_148 = tpu.memref_slice %arg17[%add3A_16, %dma_start3A_147] : memref<10240x16xf32, #tpu.memory_space<vmem_shared>> -> memref<128x16xf32, #tpu.memory_space<vmem_shared>>
      %dma_start3A_149 = arith.constant 0 : i32
      %dma_start3A_150 = tpu.memref_slice %arg17[%add3A_16, %dma_start3A_149] : memref<10240x16xf32, #tpu.memory_space<vmem_shared>> -> memref<128x16xf32, #tpu.memory_space<vmem_shared>>
      tpu.enqueue_dma source(%arg8 : memref<128x16xf32, #tpu.memory_space<vmem>>) target(%dma_start3A_150 : memref<128x16xf32, #tpu.memory_space<vmem_shared>>) target_semaphore(%run_scoped3A : memref<!tpu.dma_semaphore, #tpu.memory_space<semaphore_mem>>)
      %dma_wait3A_151 = arith.constant 0 : i32
      %dma_wait3A_152 = tpu.memref_slice %arg17[%add3A_16, %dma_wait3A_151] : memref<10240x16xf32, #tpu.memory_space<vmem_shared>> -> memref<128x16xf32, #tpu.memory_space<vmem_shared>>
      %dma_wait3A_153 = arith.constant 0 : i32
      %dma_wait3A_154 = tpu.memref_slice %arg17[%add3A_16, %dma_wait3A_153] : memref<10240x16xf32, #tpu.memory_space<vmem_shared>> -> memref<128x16xf32, #tpu.memory_space<vmem_shared>>
      tpu.wait_dma2 semaphore(%run_scoped3A : memref<!tpu.dma_semaphore, #tpu.memory_space<semaphore_mem>>) src(%arg8 : memref<128x16xf32, #tpu.memory_space<vmem>>) dst(%dma_wait3A_154 : memref<128x16xf32, #tpu.memory_space<vmem_shared>>)
      tpu.yield
    }) : () -> ()
    %mul3A_17 = arith.constant 640 : i32
    %mul3A_18 = arith.muli %arg1, %mul3A_17 : i32
    %add3A_19 = arith.constant 384 : i32
    %add3A_20 = arith.addi %mul3A_18, %add3A_19 : i32
    "tpu.region"() ({
      %run_scoped3A = tpu.sem_alloc : memref<!tpu.dma_semaphore, #tpu.memory_space<semaphore_mem>>
      %dma_start3A_147 = arith.constant 0 : i32
      %dma_start3A_148 = tpu.memref_slice %arg17[%add3A_20, %dma_start3A_147] : memref<10240x16xf32, #tpu.memory_space<vmem_shared>> -> memref<128x16xf32, #tpu.memory_space<vmem_shared>>
      %dma_start3A_149 = arith.constant 0 : i32
      %dma_start3A_150 = tpu.memref_slice %arg17[%add3A_20, %dma_start3A_149] : memref<10240x16xf32, #tpu.memory_space<vmem_shared>> -> memref<128x16xf32, #tpu.memory_space<vmem_shared>>
      tpu.enqueue_dma source(%arg8 : memref<128x16xf32, #tpu.memory_space<vmem>>) target(%dma_start3A_150 : memref<128x16xf32, #tpu.memory_space<vmem_shared>>) target_semaphore(%run_scoped3A : memref<!tpu.dma_semaphore, #tpu.memory_space<semaphore_mem>>)
      %dma_wait3A_151 = arith.constant 0 : i32
      %dma_wait3A_152 = tpu.memref_slice %arg17[%add3A_20, %dma_wait3A_151] : memref<10240x16xf32, #tpu.memory_space<vmem_shared>> -> memref<128x16xf32, #tpu.memory_space<vmem_shared>>
      %dma_wait3A_153 = arith.constant 0 : i32
      %dma_wait3A_154 = tpu.memref_slice %arg17[%add3A_20, %dma_wait3A_153] : memref<10240x16xf32, #tpu.memory_space<vmem_shared>> -> memref<128x16xf32, #tpu.memory_space<vmem_shared>>
      tpu.wait_dma2 semaphore(%run_scoped3A : memref<!tpu.dma_semaphore, #tpu.memory_space<semaphore_mem>>) src(%arg8 : memref<128x16xf32, #tpu.memory_space<vmem>>) dst(%dma_wait3A_154 : memref<128x16xf32, #tpu.memory_space<vmem_shared>>)
      tpu.yield
    }) : () -> ()
    %mul3A_21 = arith.constant 640 : i32
    %mul3A_22 = arith.muli %arg1, %mul3A_21 : i32
    %add3A_23 = arith.constant 512 : i32
    %add3A_24 = arith.addi %mul3A_22, %add3A_23 : i32
    "tpu.region"() ({
      %run_scoped3A = tpu.sem_alloc : memref<!tpu.dma_semaphore, #tpu.memory_space<semaphore_mem>>
      %dma_start3A_147 = arith.constant 0 : i32
      %dma_start3A_148 = tpu.memref_slice %arg17[%add3A_24, %dma_start3A_147] : memref<10240x16xf32, #tpu.memory_space<vmem_shared>> -> memref<128x16xf32, #tpu.memory_space<vmem_shared>>
      %dma_start3A_149 = arith.constant 0 : i32
      %dma_start3A_150 = tpu.memref_slice %arg17[%add3A_24, %dma_start3A_149] : memref<10240x16xf32, #tpu.memory_space<vmem_shared>> -> memref<128x16xf32, #tpu.memory_space<vmem_shared>>
      tpu.enqueue_dma source(%arg8 : memref<128x16xf32, #tpu.memory_space<vmem>>) target(%dma_start3A_150 : memref<128x16xf32, #tpu.memory_space<vmem_shared>>) target_semaphore(%run_scoped3A : memref<!tpu.dma_semaphore, #tpu.memory_space<semaphore_mem>>)
      %dma_wait3A_151 = arith.constant 0 : i32
      %dma_wait3A_152 = tpu.memref_slice %arg17[%add3A_24, %dma_wait3A_151] : memref<10240x16xf32, #tpu.memory_space<vmem_shared>> -> memref<128x16xf32, #tpu.memory_space<vmem_shared>>
      %dma_wait3A_153 = arith.constant 0 : i32
      %dma_wait3A_154 = tpu.memref_slice %arg17[%add3A_24, %dma_wait3A_153] : memref<10240x16xf32, #tpu.memory_space<vmem_shared>> -> memref<128x16xf32, #tpu.memory_space<vmem_shared>>
      tpu.wait_dma2 semaphore(%run_scoped3A : memref<!tpu.dma_semaphore, #tpu.memory_space<semaphore_mem>>) src(%arg8 : memref<128x16xf32, #tpu.memory_space<vmem>>) dst(%dma_wait3A_154 : memref<128x16xf32, #tpu.memory_space<vmem_shared>>)
      tpu.yield
    }) : () -> ()
    %mul3A_25 = arith.constant 640 : i32
    %mul3A_26 = arith.muli %arg1, %mul3A_25 : i32
    %mul3A_27 = arith.constant 640 : i32
    %mul3A_28 = arith.muli %arg1, %mul3A_27 : i32
    "tpu.region"() ({
      %run_scoped3A = tpu.sem_alloc : memref<!tpu.dma_semaphore, #tpu.memory_space<semaphore_mem>>
      %dma_start3A_147 = arith.constant 0 : i32
      %dma_start3A_148 = tpu.memref_slice %arg18[%mul3A_28, %dma_start3A_147] : memref<10240x16xf32, #tpu.memory_space<vmem_shared>> -> memref<640x16xf32, #tpu.memory_space<vmem_shared>>
      %dma_start3A_149 = arith.constant 0 : i32
      %dma_start3A_150 = tpu.memref_slice %arg2[%mul3A_26, %dma_start3A_149] : memref<10240x16xf32, #tpu.memory_space<hbm>> -> memref<640x16xf32, #tpu.memory_space<hbm>>
      tpu.enqueue_dma source(%dma_start3A_150 : memref<640x16xf32, #tpu.memory_space<hbm>>) target(%dma_start3A_148 : memref<640x16xf32, #tpu.memory_space<vmem_shared>>) target_semaphore(%run_scoped3A : memref<!tpu.dma_semaphore, #tpu.memory_space<semaphore_mem>>)
      %dma_wait3A_151 = arith.constant 0 : i32
      %dma_wait3A_152 = tpu.memref_slice %arg18[%mul3A_28, %dma_wait3A_151] : memref<10240x16xf32, #tpu.memory_space<vmem_shared>> -> memref<640x16xf32, #tpu.memory_space<vmem_shared>>
      %dma_wait3A_153 = arith.constant 0 : i32
      %dma_wait3A_154 = tpu.memref_slice %arg2[%mul3A_26, %dma_wait3A_153] : memref<10240x16xf32, #tpu.memory_space<hbm>> -> memref<640x16xf32, #tpu.memory_space<hbm>>
      tpu.wait_dma2 semaphore(%run_scoped3A : memref<!tpu.dma_semaphore, #tpu.memory_space<semaphore_mem>>) src(%dma_wait3A_154 : memref<640x16xf32, #tpu.memory_space<hbm>>) dst(%dma_wait3A_152 : memref<640x16xf32, #tpu.memory_space<vmem_shared>>)
      tpu.yield
    }) : () -> ()
    %mul3A_29 = arith.constant 78 : i32
    %mul3A_30 = arith.muli %mul3A_29, %add3A : i32
    %min3A = arith.constant 4 : i32
    %min3A_31 = arith.minsi %add3A, %min3A : i32
    %add3A_32 = arith.addi %mul3A_30, %min3A_31 : i32
    "tpu.region"() ({
      %run_scoped3A = tpu.sem_alloc : memref<!tpu.dma_semaphore, #tpu.memory_space<semaphore_mem>>
      %dma_start3A_147 = arith.constant 0 : i32
      %dma_start3A_148 = arith.constant 0 : i32
      %dma_start3A_149 = tpu.memref_slice %arg6[%dma_start3A_147, %dma_start3A_148] : memref<79x128xi32, #tpu.memory_space<vmem>> -> memref<78x128xi32, #tpu.memory_space<vmem>>
      %dma_start3A_150 = arith.constant 0 : i32
      %dma_start3A_151 = tpu.memref_slice %arg3[%add3A_32, %dma_start3A_150] : memref<2500x128xi32, #tpu.memory_space<hbm>> -> memref<78x128xi32, #tpu.memory_space<hbm>>
      %dma_start3A_152 = arith.constant 0 : i32
      %dma_start3A_153 = arith.constant 0 : i32
      %dma_start3A_154 = tpu.memref_slice %arg6[%dma_start3A_152, %dma_start3A_153] : memref<79x128xi32, #tpu.memory_space<vmem>> -> memref<78x128xi32, #tpu.memory_space<vmem>>
      %dma_start3A_155 = arith.constant 0 : i32
      %dma_start3A_156 = tpu.memref_slice %arg3[%add3A_32, %dma_start3A_155] : memref<2500x128xi32, #tpu.memory_space<hbm>> -> memref<78x128xi32, #tpu.memory_space<hbm>>
      tpu.enqueue_dma source(%dma_start3A_156 : memref<78x128xi32, #tpu.memory_space<hbm>>) target(%dma_start3A_154 : memref<78x128xi32, #tpu.memory_space<vmem>>) target_semaphore(%run_scoped3A : memref<!tpu.dma_semaphore, #tpu.memory_space<semaphore_mem>>)
      %dma_wait3A_157 = arith.constant 0 : i32
      %dma_wait3A_158 = arith.constant 0 : i32
      %dma_wait3A_159 = tpu.memref_slice %arg6[%dma_wait3A_157, %dma_wait3A_158] : memref<79x128xi32, #tpu.memory_space<vmem>> -> memref<78x128xi32, #tpu.memory_space<vmem>>
      %dma_wait3A_160 = arith.constant 0 : i32
      %dma_wait3A_161 = tpu.memref_slice %arg3[%add3A_32, %dma_wait3A_160] : memref<2500x128xi32, #tpu.memory_space<hbm>> -> memref<78x128xi32, #tpu.memory_space<hbm>>
      %dma_wait3A_162 = arith.constant 0 : i32
      %dma_wait3A_163 = arith.constant 0 : i32
      %dma_wait3A_164 = tpu.memref_slice %arg6[%dma_wait3A_162, %dma_wait3A_163] : memref<79x128xi32, #tpu.memory_space<vmem>> -> memref<78x128xi32, #tpu.memory_space<vmem>>
      %dma_wait3A_165 = arith.constant 0 : i32
      %dma_wait3A_166 = tpu.memref_slice %arg3[%add3A_32, %dma_wait3A_165] : memref<2500x128xi32, #tpu.memory_space<hbm>> -> memref<78x128xi32, #tpu.memory_space<hbm>>
      tpu.wait_dma2 semaphore(%run_scoped3A : memref<!tpu.dma_semaphore, #tpu.memory_space<semaphore_mem>>) src(%dma_wait3A_166 : memref<78x128xi32, #tpu.memory_space<hbm>>) dst(%dma_wait3A_164 : memref<78x128xi32, #tpu.memory_space<vmem>>)
      tpu.yield
    }) : () -> ()
    %lt3A = arith.constant 4 : i32
    %lt3A_33 = arith.cmpi slt, %add3A, %lt3A : i32
    %convert_element_type3A = arith.extui %lt3A_33 : i1 to i32
    %cond3A = arith.constant 0 : i32
    %cond3A_34 = arith.cmpi ne, %convert_element_type3A, %cond3A : i32
    scf.if %cond3A_34 {
      %add3A_147 = arith.constant 78 : i32
      %add3A_148 = arith.addi %add3A_32, %add3A_147 : i32
      "tpu.region"() ({
        %run_scoped3A = tpu.sem_alloc : memref<!tpu.dma_semaphore, #tpu.memory_space<semaphore_mem>>
        %dma_start3A_149 = arith.constant 78 : i32
        %dma_start3A_150 = arith.constant 0 : i32
        %dma_start3A_151 = tpu.memref_slice %arg6[%dma_start3A_149, %dma_start3A_150] : memref<79x128xi32, #tpu.memory_space<vmem>> -> memref<1x128xi32, #tpu.memory_space<vmem>>
        %dma_start3A_152 = arith.constant 0 : i32
        %dma_start3A_153 = tpu.memref_slice %arg3[%add3A_148, %dma_start3A_152] : memref<2500x128xi32, #tpu.memory_space<hbm>> -> memref<1x128xi32, #tpu.memory_space<hbm>>
        %dma_start3A_154 = arith.constant 78 : i32
        %dma_start3A_155 = arith.constant 0 : i32
        %dma_start3A_156 = tpu.memref_slice %arg6[%dma_start3A_154, %dma_start3A_155] : memref<79x128xi32, #tpu.memory_space<vmem>> -> memref<1x128xi32, #tpu.memory_space<vmem>>
        %dma_start3A_157 = arith.constant 0 : i32
        %dma_start3A_158 = tpu.memref_slice %arg3[%add3A_148, %dma_start3A_157] : memref<2500x128xi32, #tpu.memory_space<hbm>> -> memref<1x128xi32, #tpu.memory_space<hbm>>
        tpu.enqueue_dma source(%dma_start3A_158 : memref<1x128xi32, #tpu.memory_space<hbm>>) target(%dma_start3A_156 : memref<1x128xi32, #tpu.memory_space<vmem>>) target_semaphore(%run_scoped3A : memref<!tpu.dma_semaphore, #tpu.memory_space<semaphore_mem>>)
        %dma_wait3A_159 = arith.constant 78 : i32
        %dma_wait3A_160 = arith.constant 0 : i32
        %dma_wait3A_161 = tpu.memref_slice %arg6[%dma_wait3A_159, %dma_wait3A_160] : memref<79x128xi32, #tpu.memory_space<vmem>> -> memref<1x128xi32, #tpu.memory_space<vmem>>
        %dma_wait3A_162 = arith.constant 0 : i32
        %dma_wait3A_163 = tpu.memref_slice %arg3[%add3A_148, %dma_wait3A_162] : memref<2500x128xi32, #tpu.memory_space<hbm>> -> memref<1x128xi32, #tpu.memory_space<hbm>>
        %dma_wait3A_164 = arith.constant 78 : i32
        %dma_wait3A_165 = arith.constant 0 : i32
        %dma_wait3A_166 = tpu.memref_slice %arg6[%dma_wait3A_164, %dma_wait3A_165] : memref<79x128xi32, #tpu.memory_space<vmem>> -> memref<1x128xi32, #tpu.memory_space<vmem>>
        %dma_wait3A_167 = arith.constant 0 : i32
        %dma_wait3A_168 = tpu.memref_slice %arg3[%add3A_148, %dma_wait3A_167] : memref<2500x128xi32, #tpu.memory_space<hbm>> -> memref<1x128xi32, #tpu.memory_space<hbm>>
        tpu.wait_dma2 semaphore(%run_scoped3A : memref<!tpu.dma_semaphore, #tpu.memory_space<semaphore_mem>>) src(%dma_wait3A_168 : memref<1x128xi32, #tpu.memory_space<hbm>>) dst(%dma_wait3A_166 : memref<1x128xi32, #tpu.memory_space<vmem>>)
        tpu.yield
      }) : () -> ()
    } else {
    }
    %mul3A_35 = arith.constant 78 : i32
    %mul3A_36 = arith.muli %mul3A_35, %add3A : i32
    %min3A_37 = arith.constant 4 : i32
    %min3A_38 = arith.minsi %add3A, %min3A_37 : i32
    %add3A_39 = arith.addi %mul3A_36, %min3A_38 : i32
    "tpu.region"() ({
      %run_scoped3A = tpu.sem_alloc : memref<!tpu.dma_semaphore, #tpu.memory_space<semaphore_mem>>
      %dma_start3A_147 = arith.constant 0 : i32
      %dma_start3A_148 = arith.constant 0 : i32
      %dma_start3A_149 = tpu.memref_slice %arg7[%dma_start3A_147, %dma_start3A_148] : memref<79x128xi32, #tpu.memory_space<vmem>> -> memref<78x128xi32, #tpu.memory_space<vmem>>
      %dma_start3A_150 = arith.constant 0 : i32
      %dma_start3A_151 = tpu.memref_slice %arg4[%add3A_39, %dma_start3A_150] : memref<2500x128xi32, #tpu.memory_space<hbm>> -> memref<78x128xi32, #tpu.memory_space<hbm>>
      %dma_start3A_152 = arith.constant 0 : i32
      %dma_start3A_153 = arith.constant 0 : i32
      %dma_start3A_154 = tpu.memref_slice %arg7[%dma_start3A_152, %dma_start3A_153] : memref<79x128xi32, #tpu.memory_space<vmem>> -> memref<78x128xi32, #tpu.memory_space<vmem>>
      %dma_start3A_155 = arith.constant 0 : i32
      %dma_start3A_156 = tpu.memref_slice %arg4[%add3A_39, %dma_start3A_155] : memref<2500x128xi32, #tpu.memory_space<hbm>> -> memref<78x128xi32, #tpu.memory_space<hbm>>
      tpu.enqueue_dma source(%dma_start3A_156 : memref<78x128xi32, #tpu.memory_space<hbm>>) target(%dma_start3A_154 : memref<78x128xi32, #tpu.memory_space<vmem>>) target_semaphore(%run_scoped3A : memref<!tpu.dma_semaphore, #tpu.memory_space<semaphore_mem>>)
      %dma_wait3A_157 = arith.constant 0 : i32
      %dma_wait3A_158 = arith.constant 0 : i32
      %dma_wait3A_159 = tpu.memref_slice %arg7[%dma_wait3A_157, %dma_wait3A_158] : memref<79x128xi32, #tpu.memory_space<vmem>> -> memref<78x128xi32, #tpu.memory_space<vmem>>
      %dma_wait3A_160 = arith.constant 0 : i32
      %dma_wait3A_161 = tpu.memref_slice %arg4[%add3A_39, %dma_wait3A_160] : memref<2500x128xi32, #tpu.memory_space<hbm>> -> memref<78x128xi32, #tpu.memory_space<hbm>>
      %dma_wait3A_162 = arith.constant 0 : i32
      %dma_wait3A_163 = arith.constant 0 : i32
      %dma_wait3A_164 = tpu.memref_slice %arg7[%dma_wait3A_162, %dma_wait3A_163] : memref<79x128xi32, #tpu.memory_space<vmem>> -> memref<78x128xi32, #tpu.memory_space<vmem>>
      %dma_wait3A_165 = arith.constant 0 : i32
      %dma_wait3A_166 = tpu.memref_slice %arg4[%add3A_39, %dma_wait3A_165] : memref<2500x128xi32, #tpu.memory_space<hbm>> -> memref<78x128xi32, #tpu.memory_space<hbm>>
      tpu.wait_dma2 semaphore(%run_scoped3A : memref<!tpu.dma_semaphore, #tpu.memory_space<semaphore_mem>>) src(%dma_wait3A_166 : memref<78x128xi32, #tpu.memory_space<hbm>>) dst(%dma_wait3A_164 : memref<78x128xi32, #tpu.memory_space<vmem>>)
      tpu.yield
    }) : () -> ()
    %lt3A_40 = arith.constant 4 : i32
    %lt3A_41 = arith.cmpi slt, %add3A, %lt3A_40 : i32
    %convert_element_type3A_42 = arith.extui %lt3A_41 : i1 to i32
    %cond3A_43 = arith.constant 0 : i32
    %cond3A_44 = arith.cmpi ne, %convert_element_type3A_42, %cond3A_43 : i32
    scf.if %cond3A_44 {
      %add3A_147 = arith.constant 78 : i32
      %add3A_148 = arith.addi %add3A_39, %add3A_147 : i32
      "tpu.region"() ({
        %run_scoped3A = tpu.sem_alloc : memref<!tpu.dma_semaphore, #tpu.memory_space<semaphore_mem>>
        %dma_start3A_149 = arith.constant 78 : i32
        %dma_start3A_150 = arith.constant 0 : i32
        %dma_start3A_151 = tpu.memref_slice %arg7[%dma_start3A_149, %dma_start3A_150] : memref<79x128xi32, #tpu.memory_space<vmem>> -> memref<1x128xi32, #tpu.memory_space<vmem>>
        %dma_start3A_152 = arith.constant 0 : i32
        %dma_start3A_153 = tpu.memref_slice %arg4[%add3A_148, %dma_start3A_152] : memref<2500x128xi32, #tpu.memory_space<hbm>> -> memref<1x128xi32, #tpu.memory_space<hbm>>
        %dma_start3A_154 = arith.constant 78 : i32
        %dma_start3A_155 = arith.constant 0 : i32
        %dma_start3A_156 = tpu.memref_slice %arg7[%dma_start3A_154, %dma_start3A_155] : memref<79x128xi32, #tpu.memory_space<vmem>> -> memref<1x128xi32, #tpu.memory_space<vmem>>
        %dma_start3A_157 = arith.constant 0 : i32
        %dma_start3A_158 = tpu.memref_slice %arg4[%add3A_148, %dma_start3A_157] : memref<2500x128xi32, #tpu.memory_space<hbm>> -> memref<1x128xi32, #tpu.memory_space<hbm>>
        tpu.enqueue_dma source(%dma_start3A_158 : memref<1x128xi32, #tpu.memory_space<hbm>>) target(%dma_start3A_156 : memref<1x128xi32, #tpu.memory_space<vmem>>) target_semaphore(%run_scoped3A : memref<!tpu.dma_semaphore, #tpu.memory_space<semaphore_mem>>)
        %dma_wait3A_159 = arith.constant 78 : i32
        %dma_wait3A_160 = arith.constant 0 : i32
        %dma_wait3A_161 = tpu.memref_slice %arg7[%dma_wait3A_159, %dma_wait3A_160] : memref<79x128xi32, #tpu.memory_space<vmem>> -> memref<1x128xi32, #tpu.memory_space<vmem>>
        %dma_wait3A_162 = arith.constant 0 : i32
        %dma_wait3A_163 = tpu.memref_slice %arg4[%add3A_148, %dma_wait3A_162] : memref<2500x128xi32, #tpu.memory_space<hbm>> -> memref<1x128xi32, #tpu.memory_space<hbm>>
        %dma_wait3A_164 = arith.constant 78 : i32
        %dma_wait3A_165 = arith.constant 0 : i32
        %dma_wait3A_166 = tpu.memref_slice %arg7[%dma_wait3A_164, %dma_wait3A_165] : memref<79x128xi32, #tpu.memory_space<vmem>> -> memref<1x128xi32, #tpu.memory_space<vmem>>
        %dma_wait3A_167 = arith.constant 0 : i32
        %dma_wait3A_168 = tpu.memref_slice %arg4[%add3A_148, %dma_wait3A_167] : memref<2500x128xi32, #tpu.memory_space<hbm>> -> memref<1x128xi32, #tpu.memory_space<hbm>>
        tpu.wait_dma2 semaphore(%run_scoped3A : memref<!tpu.dma_semaphore, #tpu.memory_space<semaphore_mem>>) src(%dma_wait3A_168 : memref<1x128xi32, #tpu.memory_space<hbm>>) dst(%dma_wait3A_166 : memref<1x128xi32, #tpu.memory_space<vmem>>)
        tpu.yield
      }) : () -> ()
    } else {
    }
    %barrier3A = arith.constant 0 : index
    tpu.barrier barrier_id(%barrier3A)
    %dma_start3A = arith.constant 0 : i32
    %dma_start3A_45 = arith.constant 0 : i32
    %dma_start3A_46 = tpu.memref_slice %arg6[%dma_start3A, %dma_start3A_45] : memref<79x128xi32, #tpu.memory_space<vmem>> -> memref<1x128xi32, #tpu.memory_space<vmem>>
    %dma_start3A_47 = tpu.memref_squeeze %dma_start3A_46 : memref<1x128xi32, #tpu.memory_space<vmem>> -> memref<128xi32, #tpu.memory_space<vmem>>
    %dma_start3A_48 = arith.constant 0 : i32
    %dma_start3A_49 = arith.constant 0 : i32
    %dma_start3A_50 = tpu.memref_slice %arg18[%dma_start3A_48, %dma_start3A_49] : memref<10240x16xf32, #tpu.memory_space<vmem_shared>> -> memref<10240x16xf32, #tpu.memory_space<vmem_shared>>
    tpu.enqueue_indirect_dma source(%dma_start3A_50 : memref<10240x16xf32, #tpu.memory_space<vmem_shared>>) target(%arg8 : memref<128x16xf32, #tpu.memory_space<vmem>>) offsets(%dma_start3A_47 : memref<128xi32, #tpu.memory_space<vmem>>) semaphore(%arg11 : memref<!tpu.dma_semaphore, #tpu.memory_space<semaphore_mem>>)
    %dma_start3A_51 = arith.constant 1 : i32
    %dma_start3A_52 = arith.constant 0 : i32
    %dma_start3A_53 = tpu.memref_slice %arg6[%dma_start3A_51, %dma_start3A_52] : memref<79x128xi32, #tpu.memory_space<vmem>> -> memref<1x128xi32, #tpu.memory_space<vmem>>
    %dma_start3A_54 = tpu.memref_squeeze %dma_start3A_53 : memref<1x128xi32, #tpu.memory_space<vmem>> -> memref<128xi32, #tpu.memory_space<vmem>>
    %dma_start3A_55 = arith.constant 0 : i32
    %dma_start3A_56 = arith.constant 0 : i32
    %dma_start3A_57 = tpu.memref_slice %arg18[%dma_start3A_55, %dma_start3A_56] : memref<10240x16xf32, #tpu.memory_space<vmem_shared>> -> memref<10240x16xf32, #tpu.memory_space<vmem_shared>>
    tpu.enqueue_indirect_dma source(%dma_start3A_57 : memref<10240x16xf32, #tpu.memory_space<vmem_shared>>) target(%arg9 : memref<128x16xf32, #tpu.memory_space<vmem>>) offsets(%dma_start3A_54 : memref<128xi32, #tpu.memory_space<vmem>>) semaphore(%arg12 : memref<!tpu.dma_semaphore, #tpu.memory_space<semaphore_mem>>)
    %dma_start3A_58 = arith.constant 2 : i32
    %dma_start3A_59 = arith.constant 0 : i32
    %dma_start3A_60 = tpu.memref_slice %arg6[%dma_start3A_58, %dma_start3A_59] : memref<79x128xi32, #tpu.memory_space<vmem>> -> memref<1x128xi32, #tpu.memory_space<vmem>>
    %dma_start3A_61 = tpu.memref_squeeze %dma_start3A_60 : memref<1x128xi32, #tpu.memory_space<vmem>> -> memref<128xi32, #tpu.memory_space<vmem>>
    %dma_start3A_62 = arith.constant 0 : i32
    %dma_start3A_63 = arith.constant 0 : i32
    %dma_start3A_64 = tpu.memref_slice %arg18[%dma_start3A_62, %dma_start3A_63] : memref<10240x16xf32, #tpu.memory_space<vmem_shared>> -> memref<10240x16xf32, #tpu.memory_space<vmem_shared>>
    tpu.enqueue_indirect_dma source(%dma_start3A_64 : memref<10240x16xf32, #tpu.memory_space<vmem_shared>>) target(%arg10 : memref<128x16xf32, #tpu.memory_space<vmem>>) offsets(%dma_start3A_61 : memref<128xi32, #tpu.memory_space<vmem>>) semaphore(%arg13 : memref<!tpu.dma_semaphore, #tpu.memory_space<semaphore_mem>>)
    %scan3A_65 = arith.constant 0 : i32
    %scan3A_66 = arith.constant 25 : i32
    %scan3A_67 = arith.addi %scan3A_65, %scan3A_66 : i32
    %scan3A_68 = arith.constant 1 : i32
    scf.for %scan3A_147 = %scan3A_65 to %scan3A_67 step %scan3A_68  : i32 {
      %mul3A_148 = arith.constant 1 : i32
      %mul3A_149 = arith.muli %scan3A_147, %mul3A_148 : i32
      %add3A_150 = arith.constant 0 : i32
      %add3A_151 = arith.addi %add3A_150, %mul3A_149 : i32
      %dma_wait3A_152 = arith.constant 0 : i32
      %dma_wait3A_153 = arith.constant 0 : i32
      %dma_wait3A_154 = tpu.memref_slice %arg6[%dma_wait3A_152, %dma_wait3A_153] : memref<79x128xi32, #tpu.memory_space<vmem>> -> memref<1x128xi32, #tpu.memory_space<vmem>>
      %dma_wait3A_155 = tpu.memref_squeeze %dma_wait3A_154 : memref<1x128xi32, #tpu.memory_space<vmem>> -> memref<128xi32, #tpu.memory_space<vmem>>
      %dma_wait3A_156 = arith.constant 0 : i32
      %dma_wait3A_157 = arith.constant 0 : i32
      %dma_wait3A_158 = tpu.memref_slice %arg18[%dma_wait3A_156, %dma_wait3A_157] : memref<10240x16xf32, #tpu.memory_space<vmem_shared>> -> memref<10240x16xf32, #tpu.memory_space<vmem_shared>>
      tpu.wait_indirect_dma semaphore(%arg11 : memref<!tpu.dma_semaphore, #tpu.memory_space<semaphore_mem>>) src(%dma_wait3A_158 : memref<10240x16xf32, #tpu.memory_space<vmem_shared>>) dst(%arg8 : memref<128x16xf32, #tpu.memory_space<vmem>>)
      %mul3A_159 = arith.constant 3 : i32
      %mul3A_160 = arith.muli %mul3A_159, %add3A_151 : i32
      %add3A_161 = arith.constant 0 : i32
      %add3A_162 = arith.addi %mul3A_160, %add3A_161 : i32
      %dma_start3A_163 = arith.constant 0 : i32
      %dma_start3A_164 = tpu.memref_slice %arg7[%add3A_162, %dma_start3A_163] : memref<79x128xi32, #tpu.memory_space<vmem>> -> memref<1x128xi32, #tpu.memory_space<vmem>>
      %dma_start3A_165 = tpu.memref_squeeze %dma_start3A_164 : memref<1x128xi32, #tpu.memory_space<vmem>> -> memref<128xi32, #tpu.memory_space<vmem>>
      %dma_start3A_166 = arith.constant 0 : i32
      %dma_start3A_167 = arith.constant 0 : i32
      %dma_start3A_168 = tpu.memref_slice %arg17[%dma_start3A_166, %dma_start3A_167] : memref<10240x16xf32, #tpu.memory_space<vmem_shared>> -> memref<10240x16xf32, #tpu.memory_space<vmem_shared>>
      tpu.enqueue_indirect_dma source(%arg8 : memref<128x16xf32, #tpu.memory_space<vmem>>) target(%dma_start3A_168 : memref<10240x16xf32, #tpu.memory_space<vmem_shared>>) offsets(%dma_start3A_165 : memref<128xi32, #tpu.memory_space<vmem>>) semaphore(%arg14 : memref<!tpu.dma_semaphore, #tpu.memory_space<semaphore_mem>>) {add = true}
      %dma_wait3A_169 = arith.constant 0 : i32
      %dma_wait3A_170 = arith.constant 0 : i32
      %dma_wait3A_171 = tpu.memref_slice %arg6[%dma_wait3A_169, %dma_wait3A_170] : memref<79x128xi32, #tpu.memory_space<vmem>> -> memref<1x128xi32, #tpu.memory_space<vmem>>
      %dma_wait3A_172 = tpu.memref_squeeze %dma_wait3A_171 : memref<1x128xi32, #tpu.memory_space<vmem>> -> memref<128xi32, #tpu.memory_space<vmem>>
      %dma_wait3A_173 = arith.constant 0 : i32
      %dma_wait3A_174 = arith.constant 0 : i32
      %dma_wait3A_175 = tpu.memref_slice %arg18[%dma_wait3A_173, %dma_wait3A_174] : memref<10240x16xf32, #tpu.memory_space<vmem_shared>> -> memref<10240x16xf32, #tpu.memory_space<vmem_shared>>
      tpu.wait_indirect_dma semaphore(%arg12 : memref<!tpu.dma_semaphore, #tpu.memory_space<semaphore_mem>>) src(%dma_wait3A_175 : memref<10240x16xf32, #tpu.memory_space<vmem_shared>>) dst(%arg9 : memref<128x16xf32, #tpu.memory_space<vmem>>)
      %mul3A_176 = arith.constant 3 : i32
      %mul3A_177 = arith.muli %mul3A_176, %add3A_151 : i32
      %add3A_178 = arith.constant 1 : i32
      %add3A_179 = arith.addi %mul3A_177, %add3A_178 : i32
      %dma_start3A_180 = arith.constant 0 : i32
      %dma_start3A_181 = tpu.memref_slice %arg7[%add3A_179, %dma_start3A_180] : memref<79x128xi32, #tpu.memory_space<vmem>> -> memref<1x128xi32, #tpu.memory_space<vmem>>
      %dma_start3A_182 = tpu.memref_squeeze %dma_start3A_181 : memref<1x128xi32, #tpu.memory_space<vmem>> -> memref<128xi32, #tpu.memory_space<vmem>>
      %dma_start3A_183 = arith.constant 0 : i32
      %dma_start3A_184 = arith.constant 0 : i32
      %dma_start3A_185 = tpu.memref_slice %arg17[%dma_start3A_183, %dma_start3A_184] : memref<10240x16xf32, #tpu.memory_space<vmem_shared>> -> memref<10240x16xf32, #tpu.memory_space<vmem_shared>>
      tpu.enqueue_indirect_dma source(%arg9 : memref<128x16xf32, #tpu.memory_space<vmem>>) target(%dma_start3A_185 : memref<10240x16xf32, #tpu.memory_space<vmem_shared>>) offsets(%dma_start3A_182 : memref<128xi32, #tpu.memory_space<vmem>>) semaphore(%arg15 : memref<!tpu.dma_semaphore, #tpu.memory_space<semaphore_mem>>) {add = true}
      %dma_wait3A_186 = arith.constant 0 : i32
      %dma_wait3A_187 = arith.constant 0 : i32
      %dma_wait3A_188 = tpu.memref_slice %arg6[%dma_wait3A_186, %dma_wait3A_187] : memref<79x128xi32, #tpu.memory_space<vmem>> -> memref<1x128xi32, #tpu.memory_space<vmem>>
      %dma_wait3A_189 = tpu.memref_squeeze %dma_wait3A_188 : memref<1x128xi32, #tpu.memory_space<vmem>> -> memref<128xi32, #tpu.memory_space<vmem>>
      %dma_wait3A_190 = arith.constant 0 : i32
      %dma_wait3A_191 = arith.constant 0 : i32
      %dma_wait3A_192 = tpu.memref_slice %arg18[%dma_wait3A_190, %dma_wait3A_191] : memref<10240x16xf32, #tpu.memory_space<vmem_shared>> -> memref<10240x16xf32, #tpu.memory_space<vmem_shared>>
      tpu.wait_indirect_dma semaphore(%arg13 : memref<!tpu.dma_semaphore, #tpu.memory_space<semaphore_mem>>) src(%dma_wait3A_192 : memref<10240x16xf32, #tpu.memory_space<vmem_shared>>) dst(%arg10 : memref<128x16xf32, #tpu.memory_space<vmem>>)
      %mul3A_193 = arith.constant 3 : i32
      %mul3A_194 = arith.muli %mul3A_193, %add3A_151 : i32
      %add3A_195 = arith.constant 2 : i32
      %add3A_196 = arith.addi %mul3A_194, %add3A_195 : i32
      %dma_start3A_197 = arith.constant 0 : i32
      %dma_start3A_198 = tpu.memref_slice %arg7[%add3A_196, %dma_start3A_197] : memref<79x128xi32, #tpu.memory_space<vmem>> -> memref<1x128xi32, #tpu.memory_space<vmem>>
      %dma_start3A_199 = tpu.memref_squeeze %dma_start3A_198 : memref<1x128xi32, #tpu.memory_space<vmem>> -> memref<128xi32, #tpu.memory_space<vmem>>
      %dma_start3A_200 = arith.constant 0 : i32
      %dma_start3A_201 = arith.constant 0 : i32
      %dma_start3A_202 = tpu.memref_slice %arg17[%dma_start3A_200, %dma_start3A_201] : memref<10240x16xf32, #tpu.memory_space<vmem_shared>> -> memref<10240x16xf32, #tpu.memory_space<vmem_shared>>
      tpu.enqueue_indirect_dma source(%arg10 : memref<128x16xf32, #tpu.memory_space<vmem>>) target(%dma_start3A_202 : memref<10240x16xf32, #tpu.memory_space<vmem_shared>>) offsets(%dma_start3A_199 : memref<128xi32, #tpu.memory_space<vmem>>) semaphore(%arg16 : memref<!tpu.dma_semaphore, #tpu.memory_space<semaphore_mem>>) {add = true}
      %dma_wait3A_203 = arith.constant 0 : i32
      %dma_wait3A_204 = arith.constant 0 : i32
      %dma_wait3A_205 = tpu.memref_slice %arg7[%dma_wait3A_203, %dma_wait3A_204] : memref<79x128xi32, #tpu.memory_space<vmem>> -> memref<1x128xi32, #tpu.memory_space<vmem>>
      %dma_wait3A_206 = tpu.memref_squeeze %dma_wait3A_205 : memref<1x128xi32, #tpu.memory_space<vmem>> -> memref<128xi32, #tpu.memory_space<vmem>>
      %dma_wait3A_207 = arith.constant 0 : i32
      %dma_wait3A_208 = arith.constant 0 : i32
      %dma_wait3A_209 = tpu.memref_slice %arg17[%dma_wait3A_207, %dma_wait3A_208] : memref<10240x16xf32, #tpu.memory_space<vmem_shared>> -> memref<10240x16xf32, #tpu.memory_space<vmem_shared>>
      tpu.wait_indirect_dma semaphore(%arg14 : memref<!tpu.dma_semaphore, #tpu.memory_space<semaphore_mem>>) src(%arg8 : memref<128x16xf32, #tpu.memory_space<vmem>>) dst(%dma_wait3A_209 : memref<10240x16xf32, #tpu.memory_space<vmem_shared>>)
      %mul3A_210 = arith.constant 3 : i32
      %mul3A_211 = arith.muli %mul3A_210, %add3A_151 : i32
      %add3A_212 = arith.constant 3 : i32
      %add3A_213 = arith.addi %mul3A_211, %add3A_212 : i32
      %add3A_214 = arith.constant 0 : i32
      %add3A_215 = arith.addi %add3A_213, %add3A_214 : i32
      %dma_start3A_216 = arith.constant 0 : i32
      %dma_start3A_217 = tpu.memref_slice %arg6[%add3A_215, %dma_start3A_216] : memref<79x128xi32, #tpu.memory_space<vmem>> -> memref<1x128xi32, #tpu.memory_space<vmem>>
      %dma_start3A_218 = tpu.memref_squeeze %dma_start3A_217 : memref<1x128xi32, #tpu.memory_space<vmem>> -> memref<128xi32, #tpu.memory_space<vmem>>
      %dma_start3A_219 = arith.constant 0 : i32
      %dma_start3A_220 = arith.constant 0 : i32
      %dma_start3A_221 = tpu.memref_slice %arg18[%dma_start3A_219, %dma_start3A_220] : memref<10240x16xf32, #tpu.memory_space<vmem_shared>> -> memref<10240x16xf32, #tpu.memory_space<vmem_shared>>
      tpu.enqueue_indirect_dma source(%dma_start3A_221 : memref<10240x16xf32, #tpu.memory_space<vmem_shared>>) target(%arg8 : memref<128x16xf32, #tpu.memory_space<vmem>>) offsets(%dma_start3A_218 : memref<128xi32, #tpu.memory_space<vmem>>) semaphore(%arg11 : memref<!tpu.dma_semaphore, #tpu.memory_space<semaphore_mem>>)
      %dma_wait3A_222 = arith.constant 0 : i32
      %dma_wait3A_223 = arith.constant 0 : i32
      %dma_wait3A_224 = tpu.memref_slice %arg7[%dma_wait3A_222, %dma_wait3A_223] : memref<79x128xi32, #tpu.memory_space<vmem>> -> memref<1x128xi32, #tpu.memory_space<vmem>>
      %dma_wait3A_225 = tpu.memref_squeeze %dma_wait3A_224 : memref<1x128xi32, #tpu.memory_space<vmem>> -> memref<128xi32, #tpu.memory_space<vmem>>
      %dma_wait3A_226 = arith.constant 0 : i32
      %dma_wait3A_227 = arith.constant 0 : i32
      %dma_wait3A_228 = tpu.memref_slice %arg17[%dma_wait3A_226, %dma_wait3A_227] : memref<10240x16xf32, #tpu.memory_space<vmem_shared>> -> memref<10240x16xf32, #tpu.memory_space<vmem_shared>>
      tpu.wait_indirect_dma semaphore(%arg15 : memref<!tpu.dma_semaphore, #tpu.memory_space<semaphore_mem>>) src(%arg8 : memref<128x16xf32, #tpu.memory_space<vmem>>) dst(%dma_wait3A_228 : memref<10240x16xf32, #tpu.memory_space<vmem_shared>>)
      %mul3A_229 = arith.constant 3 : i32
      %mul3A_230 = arith.muli %mul3A_229, %add3A_151 : i32
      %add3A_231 = arith.constant 3 : i32
      %add3A_232 = arith.addi %mul3A_230, %add3A_231 : i32
      %add3A_233 = arith.constant 1 : i32
      %add3A_234 = arith.addi %add3A_232, %add3A_233 : i32
      %dma_start3A_235 = arith.constant 0 : i32
      %dma_start3A_236 = tpu.memref_slice %arg6[%add3A_234, %dma_start3A_235] : memref<79x128xi32, #tpu.memory_space<vmem>> -> memref<1x128xi32, #tpu.memory_space<vmem>>
      %dma_start3A_237 = tpu.memref_squeeze %dma_start3A_236 : memref<1x128xi32, #tpu.memory_space<vmem>> -> memref<128xi32, #tpu.memory_space<vmem>>
      %dma_start3A_238 = arith.constant 0 : i32
      %dma_start3A_239 = arith.constant 0 : i32
      %dma_start3A_240 = tpu.memref_slice %arg18[%dma_start3A_238, %dma_start3A_239] : memref<10240x16xf32, #tpu.memory_space<vmem_shared>> -> memref<10240x16xf32, #tpu.memory_space<vmem_shared>>
      tpu.enqueue_indirect_dma source(%dma_start3A_240 : memref<10240x16xf32, #tpu.memory_space<vmem_shared>>) target(%arg9 : memref<128x16xf32, #tpu.memory_space<vmem>>) offsets(%dma_start3A_237 : memref<128xi32, #tpu.memory_space<vmem>>) semaphore(%arg12 : memref<!tpu.dma_semaphore, #tpu.memory_space<semaphore_mem>>)
      %dma_wait3A_241 = arith.constant 0 : i32
      %dma_wait3A_242 = arith.constant 0 : i32
      %dma_wait3A_243 = tpu.memref_slice %arg7[%dma_wait3A_241, %dma_wait3A_242] : memref<79x128xi32, #tpu.memory_space<vmem>> -> memref<1x128xi32, #tpu.memory_space<vmem>>
      %dma_wait3A_244 = tpu.memref_squeeze %dma_wait3A_243 : memref<1x128xi32, #tpu.memory_space<vmem>> -> memref<128xi32, #tpu.memory_space<vmem>>
      %dma_wait3A_245 = arith.constant 0 : i32
      %dma_wait3A_246 = arith.constant 0 : i32
      %dma_wait3A_247 = tpu.memref_slice %arg17[%dma_wait3A_245, %dma_wait3A_246] : memref<10240x16xf32, #tpu.memory_space<vmem_shared>> -> memref<10240x16xf32, #tpu.memory_space<vmem_shared>>
      tpu.wait_indirect_dma semaphore(%arg16 : memref<!tpu.dma_semaphore, #tpu.memory_space<semaphore_mem>>) src(%arg8 : memref<128x16xf32, #tpu.memory_space<vmem>>) dst(%dma_wait3A_247 : memref<10240x16xf32, #tpu.memory_space<vmem_shared>>)
      %mul3A_248 = arith.constant 3 : i32
      %mul3A_249 = arith.muli %mul3A_248, %add3A_151 : i32
      %add3A_250 = arith.constant 3 : i32
      %add3A_251 = arith.addi %mul3A_249, %add3A_250 : i32
      %add3A_252 = arith.constant 2 : i32
      %add3A_253 = arith.addi %add3A_251, %add3A_252 : i32
      %dma_start3A_254 = arith.constant 0 : i32
      %dma_start3A_255 = tpu.memref_slice %arg6[%add3A_253, %dma_start3A_254] : memref<79x128xi32, #tpu.memory_space<vmem>> -> memref<1x128xi32, #tpu.memory_space<vmem>>
      %dma_start3A_256 = tpu.memref_squeeze %dma_start3A_255 : memref<1x128xi32, #tpu.memory_space<vmem>> -> memref<128xi32, #tpu.memory_space<vmem>>
      %dma_start3A_257 = arith.constant 0 : i32
      %dma_start3A_258 = arith.constant 0 : i32
      %dma_start3A_259 = tpu.memref_slice %arg18[%dma_start3A_257, %dma_start3A_258] : memref<10240x16xf32, #tpu.memory_space<vmem_shared>> -> memref<10240x16xf32, #tpu.memory_space<vmem_shared>>
      tpu.enqueue_indirect_dma source(%dma_start3A_259 : memref<10240x16xf32, #tpu.memory_space<vmem_shared>>) target(%arg10 : memref<128x16xf32, #tpu.memory_space<vmem>>) offsets(%dma_start3A_256 : memref<128xi32, #tpu.memory_space<vmem>>) semaphore(%arg13 : memref<!tpu.dma_semaphore, #tpu.memory_space<semaphore_mem>>)
    }
    %scan3A_69 = arith.constant 25 : i32
    %dma_wait3A = arith.constant 0 : i32
    %dma_wait3A_70 = arith.constant 0 : i32
    %dma_wait3A_71 = tpu.memref_slice %arg6[%dma_wait3A, %dma_wait3A_70] : memref<79x128xi32, #tpu.memory_space<vmem>> -> memref<1x128xi32, #tpu.memory_space<vmem>>
    %dma_wait3A_72 = tpu.memref_squeeze %dma_wait3A_71 : memref<1x128xi32, #tpu.memory_space<vmem>> -> memref<128xi32, #tpu.memory_space<vmem>>
    %dma_wait3A_73 = arith.constant 0 : i32
    %dma_wait3A_74 = arith.constant 0 : i32
    %dma_wait3A_75 = tpu.memref_slice %arg18[%dma_wait3A_73, %dma_wait3A_74] : memref<10240x16xf32, #tpu.memory_space<vmem_shared>> -> memref<10240x16xf32, #tpu.memory_space<vmem_shared>>
    tpu.wait_indirect_dma semaphore(%arg11 : memref<!tpu.dma_semaphore, #tpu.memory_space<semaphore_mem>>) src(%dma_wait3A_75 : memref<10240x16xf32, #tpu.memory_space<vmem_shared>>) dst(%arg8 : memref<128x16xf32, #tpu.memory_space<vmem>>)
    %dma_start3A_76 = arith.constant 75 : i32
    %dma_start3A_77 = arith.constant 0 : i32
    %dma_start3A_78 = tpu.memref_slice %arg7[%dma_start3A_76, %dma_start3A_77] : memref<79x128xi32, #tpu.memory_space<vmem>> -> memref<1x128xi32, #tpu.memory_space<vmem>>
    %dma_start3A_79 = tpu.memref_squeeze %dma_start3A_78 : memref<1x128xi32, #tpu.memory_space<vmem>> -> memref<128xi32, #tpu.memory_space<vmem>>
    %dma_start3A_80 = arith.constant 0 : i32
    %dma_start3A_81 = arith.constant 0 : i32
    %dma_start3A_82 = tpu.memref_slice %arg17[%dma_start3A_80, %dma_start3A_81] : memref<10240x16xf32, #tpu.memory_space<vmem_shared>> -> memref<10240x16xf32, #tpu.memory_space<vmem_shared>>
    tpu.enqueue_indirect_dma source(%arg8 : memref<128x16xf32, #tpu.memory_space<vmem>>) target(%dma_start3A_82 : memref<10240x16xf32, #tpu.memory_space<vmem_shared>>) offsets(%dma_start3A_79 : memref<128xi32, #tpu.memory_space<vmem>>) semaphore(%arg14 : memref<!tpu.dma_semaphore, #tpu.memory_space<semaphore_mem>>) {add = true}
    %dma_wait3A_83 = arith.constant 0 : i32
    %dma_wait3A_84 = arith.constant 0 : i32
    %dma_wait3A_85 = tpu.memref_slice %arg6[%dma_wait3A_83, %dma_wait3A_84] : memref<79x128xi32, #tpu.memory_space<vmem>> -> memref<1x128xi32, #tpu.memory_space<vmem>>
    %dma_wait3A_86 = tpu.memref_squeeze %dma_wait3A_85 : memref<1x128xi32, #tpu.memory_space<vmem>> -> memref<128xi32, #tpu.memory_space<vmem>>
    %dma_wait3A_87 = arith.constant 0 : i32
    %dma_wait3A_88 = arith.constant 0 : i32
    %dma_wait3A_89 = tpu.memref_slice %arg18[%dma_wait3A_87, %dma_wait3A_88] : memref<10240x16xf32, #tpu.memory_space<vmem_shared>> -> memref<10240x16xf32, #tpu.memory_space<vmem_shared>>
    tpu.wait_indirect_dma semaphore(%arg12 : memref<!tpu.dma_semaphore, #tpu.memory_space<semaphore_mem>>) src(%dma_wait3A_89 : memref<10240x16xf32, #tpu.memory_space<vmem_shared>>) dst(%arg9 : memref<128x16xf32, #tpu.memory_space<vmem>>)
    %dma_start3A_90 = arith.constant 76 : i32
    %dma_start3A_91 = arith.constant 0 : i32
    %dma_start3A_92 = tpu.memref_slice %arg7[%dma_start3A_90, %dma_start3A_91] : memref<79x128xi32, #tpu.memory_space<vmem>> -> memref<1x128xi32, #tpu.memory_space<vmem>>
    %dma_start3A_93 = tpu.memref_squeeze %dma_start3A_92 : memref<1x128xi32, #tpu.memory_space<vmem>> -> memref<128xi32, #tpu.memory_space<vmem>>
    %dma_start3A_94 = arith.constant 0 : i32
    %dma_start3A_95 = arith.constant 0 : i32
    %dma_start3A_96 = tpu.memref_slice %arg17[%dma_start3A_94, %dma_start3A_95] : memref<10240x16xf32, #tpu.memory_space<vmem_shared>> -> memref<10240x16xf32, #tpu.memory_space<vmem_shared>>
    tpu.enqueue_indirect_dma source(%arg9 : memref<128x16xf32, #tpu.memory_space<vmem>>) target(%dma_start3A_96 : memref<10240x16xf32, #tpu.memory_space<vmem_shared>>) offsets(%dma_start3A_93 : memref<128xi32, #tpu.memory_space<vmem>>) semaphore(%arg15 : memref<!tpu.dma_semaphore, #tpu.memory_space<semaphore_mem>>) {add = true}
    %dma_wait3A_97 = arith.constant 0 : i32
    %dma_wait3A_98 = arith.constant 0 : i32
    %dma_wait3A_99 = tpu.memref_slice %arg6[%dma_wait3A_97, %dma_wait3A_98] : memref<79x128xi32, #tpu.memory_space<vmem>> -> memref<1x128xi32, #tpu.memory_space<vmem>>
    %dma_wait3A_100 = tpu.memref_squeeze %dma_wait3A_99 : memref<1x128xi32, #tpu.memory_space<vmem>> -> memref<128xi32, #tpu.memory_space<vmem>>
    %dma_wait3A_101 = arith.constant 0 : i32
    %dma_wait3A_102 = arith.constant 0 : i32
    %dma_wait3A_103 = tpu.memref_slice %arg18[%dma_wait3A_101, %dma_wait3A_102] : memref<10240x16xf32, #tpu.memory_space<vmem_shared>> -> memref<10240x16xf32, #tpu.memory_space<vmem_shared>>
    tpu.wait_indirect_dma semaphore(%arg13 : memref<!tpu.dma_semaphore, #tpu.memory_space<semaphore_mem>>) src(%dma_wait3A_103 : memref<10240x16xf32, #tpu.memory_space<vmem_shared>>) dst(%arg10 : memref<128x16xf32, #tpu.memory_space<vmem>>)
    %dma_start3A_104 = arith.constant 77 : i32
    %dma_start3A_105 = arith.constant 0 : i32
    %dma_start3A_106 = tpu.memref_slice %arg7[%dma_start3A_104, %dma_start3A_105] : memref<79x128xi32, #tpu.memory_space<vmem>> -> memref<1x128xi32, #tpu.memory_space<vmem>>
    %dma_start3A_107 = tpu.memref_squeeze %dma_start3A_106 : memref<1x128xi32, #tpu.memory_space<vmem>> -> memref<128xi32, #tpu.memory_space<vmem>>
    %dma_start3A_108 = arith.constant 0 : i32
    %dma_start3A_109 = arith.constant 0 : i32
    %dma_start3A_110 = tpu.memref_slice %arg17[%dma_start3A_108, %dma_start3A_109] : memref<10240x16xf32, #tpu.memory_space<vmem_shared>> -> memref<10240x16xf32, #tpu.memory_space<vmem_shared>>
    tpu.enqueue_indirect_dma source(%arg10 : memref<128x16xf32, #tpu.memory_space<vmem>>) target(%dma_start3A_110 : memref<10240x16xf32, #tpu.memory_space<vmem_shared>>) offsets(%dma_start3A_107 : memref<128xi32, #tpu.memory_space<vmem>>) semaphore(%arg16 : memref<!tpu.dma_semaphore, #tpu.memory_space<semaphore_mem>>) {add = true}
    %dma_wait3A_111 = arith.constant 0 : i32
    %dma_wait3A_112 = arith.constant 0 : i32
    %dma_wait3A_113 = tpu.memref_slice %arg7[%dma_wait3A_111, %dma_wait3A_112] : memref<79x128xi32, #tpu.memory_space<vmem>> -> memref<1x128xi32, #tpu.memory_space<vmem>>
    %dma_wait3A_114 = tpu.memref_squeeze %dma_wait3A_113 : memref<1x128xi32, #tpu.memory_space<vmem>> -> memref<128xi32, #tpu.memory_space<vmem>>
    %dma_wait3A_115 = arith.constant 0 : i32
    %dma_wait3A_116 = arith.constant 0 : i32
    %dma_wait3A_117 = tpu.memref_slice %arg17[%dma_wait3A_115, %dma_wait3A_116] : memref<10240x16xf32, #tpu.memory_space<vmem_shared>> -> memref<10240x16xf32, #tpu.memory_space<vmem_shared>>
    tpu.wait_indirect_dma semaphore(%arg14 : memref<!tpu.dma_semaphore, #tpu.memory_space<semaphore_mem>>) src(%arg8 : memref<128x16xf32, #tpu.memory_space<vmem>>) dst(%dma_wait3A_117 : memref<10240x16xf32, #tpu.memory_space<vmem_shared>>)
    %lt3A_118 = arith.constant 4 : i32
    %lt3A_119 = arith.cmpi slt, %add3A, %lt3A_118 : i32
    %convert_element_type3A_120 = arith.extui %lt3A_119 : i1 to i32
    %cond3A_121 = arith.constant 0 : i32
    %cond3A_122 = arith.cmpi ne, %convert_element_type3A_120, %cond3A_121 : i32
    scf.if %cond3A_122 {
      %dma_start3A_147 = arith.constant 78 : i32
      %dma_start3A_148 = arith.constant 0 : i32
      %dma_start3A_149 = tpu.memref_slice %arg6[%dma_start3A_147, %dma_start3A_148] : memref<79x128xi32, #tpu.memory_space<vmem>> -> memref<1x128xi32, #tpu.memory_space<vmem>>
      %dma_start3A_150 = tpu.memref_squeeze %dma_start3A_149 : memref<1x128xi32, #tpu.memory_space<vmem>> -> memref<128xi32, #tpu.memory_space<vmem>>
      %dma_start3A_151 = arith.constant 0 : i32
      %dma_start3A_152 = arith.constant 0 : i32
      %dma_start3A_153 = tpu.memref_slice %arg18[%dma_start3A_151, %dma_start3A_152] : memref<10240x16xf32, #tpu.memory_space<vmem_shared>> -> memref<10240x16xf32, #tpu.memory_space<vmem_shared>>
      tpu.enqueue_indirect_dma source(%dma_start3A_153 : memref<10240x16xf32, #tpu.memory_space<vmem_shared>>) target(%arg8 : memref<128x16xf32, #tpu.memory_space<vmem>>) offsets(%dma_start3A_150 : memref<128xi32, #tpu.memory_space<vmem>>) semaphore(%arg11 : memref<!tpu.dma_semaphore, #tpu.memory_space<semaphore_mem>>)
      %dma_wait3A_154 = arith.constant 0 : i32
      %dma_wait3A_155 = arith.constant 0 : i32
      %dma_wait3A_156 = tpu.memref_slice %arg6[%dma_wait3A_154, %dma_wait3A_155] : memref<79x128xi32, #tpu.memory_space<vmem>> -> memref<1x128xi32, #tpu.memory_space<vmem>>
      %dma_wait3A_157 = tpu.memref_squeeze %dma_wait3A_156 : memref<1x128xi32, #tpu.memory_space<vmem>> -> memref<128xi32, #tpu.memory_space<vmem>>
      %dma_wait3A_158 = arith.constant 0 : i32
      %dma_wait3A_159 = arith.constant 0 : i32
      %dma_wait3A_160 = tpu.memref_slice %arg18[%dma_wait3A_158, %dma_wait3A_159] : memref<10240x16xf32, #tpu.memory_space<vmem_shared>> -> memref<10240x16xf32, #tpu.memory_space<vmem_shared>>
      tpu.wait_indirect_dma semaphore(%arg11 : memref<!tpu.dma_semaphore, #tpu.memory_space<semaphore_mem>>) src(%dma_wait3A_160 : memref<10240x16xf32, #tpu.memory_space<vmem_shared>>) dst(%arg8 : memref<128x16xf32, #tpu.memory_space<vmem>>)
      %dma_start3A_161 = arith.constant 78 : i32
      %dma_start3A_162 = arith.constant 0 : i32
      %dma_start3A_163 = tpu.memref_slice %arg7[%dma_start3A_161, %dma_start3A_162] : memref<79x128xi32, #tpu.memory_space<vmem>> -> memref<1x128xi32, #tpu.memory_space<vmem>>
      %dma_start3A_164 = tpu.memref_squeeze %dma_start3A_163 : memref<1x128xi32, #tpu.memory_space<vmem>> -> memref<128xi32, #tpu.memory_space<vmem>>
      %dma_start3A_165 = arith.constant 0 : i32
      %dma_start3A_166 = arith.constant 0 : i32
      %dma_start3A_167 = tpu.memref_slice %arg17[%dma_start3A_165, %dma_start3A_166] : memref<10240x16xf32, #tpu.memory_space<vmem_shared>> -> memref<10240x16xf32, #tpu.memory_space<vmem_shared>>
      tpu.enqueue_indirect_dma source(%arg8 : memref<128x16xf32, #tpu.memory_space<vmem>>) target(%dma_start3A_167 : memref<10240x16xf32, #tpu.memory_space<vmem_shared>>) offsets(%dma_start3A_164 : memref<128xi32, #tpu.memory_space<vmem>>) semaphore(%arg14 : memref<!tpu.dma_semaphore, #tpu.memory_space<semaphore_mem>>) {add = true}
    } else {
    }
    %dma_wait3A_123 = arith.constant 0 : i32
    %dma_wait3A_124 = arith.constant 0 : i32
    %dma_wait3A_125 = tpu.memref_slice %arg7[%dma_wait3A_123, %dma_wait3A_124] : memref<79x128xi32, #tpu.memory_space<vmem>> -> memref<1x128xi32, #tpu.memory_space<vmem>>
    %dma_wait3A_126 = tpu.memref_squeeze %dma_wait3A_125 : memref<1x128xi32, #tpu.memory_space<vmem>> -> memref<128xi32, #tpu.memory_space<vmem>>
    %dma_wait3A_127 = arith.constant 0 : i32
    %dma_wait3A_128 = arith.constant 0 : i32
    %dma_wait3A_129 = tpu.memref_slice %arg17[%dma_wait3A_127, %dma_wait3A_128] : memref<10240x16xf32, #tpu.memory_space<vmem_shared>> -> memref<10240x16xf32, #tpu.memory_space<vmem_shared>>
    tpu.wait_indirect_dma semaphore(%arg15 : memref<!tpu.dma_semaphore, #tpu.memory_space<semaphore_mem>>) src(%arg8 : memref<128x16xf32, #tpu.memory_space<vmem>>) dst(%dma_wait3A_129 : memref<10240x16xf32, #tpu.memory_space<vmem_shared>>)
    %dma_wait3A_130 = arith.constant 0 : i32
    %dma_wait3A_131 = arith.constant 0 : i32
    %dma_wait3A_132 = tpu.memref_slice %arg7[%dma_wait3A_130, %dma_wait3A_131] : memref<79x128xi32, #tpu.memory_space<vmem>> -> memref<1x128xi32, #tpu.memory_space<vmem>>
    %dma_wait3A_133 = tpu.memref_squeeze %dma_wait3A_132 : memref<1x128xi32, #tpu.memory_space<vmem>> -> memref<128xi32, #tpu.memory_space<vmem>>
    %dma_wait3A_134 = arith.constant 0 : i32
    %dma_wait3A_135 = arith.constant 0 : i32
    %dma_wait3A_136 = tpu.memref_slice %arg17[%dma_wait3A_134, %dma_wait3A_135] : memref<10240x16xf32, #tpu.memory_space<vmem_shared>> -> memref<10240x16xf32, #tpu.memory_space<vmem_shared>>
    tpu.wait_indirect_dma semaphore(%arg16 : memref<!tpu.dma_semaphore, #tpu.memory_space<semaphore_mem>>) src(%arg8 : memref<128x16xf32, #tpu.memory_space<vmem>>) dst(%dma_wait3A_136 : memref<10240x16xf32, #tpu.memory_space<vmem_shared>>)
    %lt3A_137 = arith.constant 4 : i32
    %lt3A_138 = arith.cmpi slt, %add3A, %lt3A_137 : i32
    %convert_element_type3A_139 = arith.extui %lt3A_138 : i1 to i32
    %cond3A_140 = arith.constant 0 : i32
    %cond3A_141 = arith.cmpi ne, %convert_element_type3A_139, %cond3A_140 : i32
    scf.if %cond3A_141 {
      %dma_wait3A_147 = arith.constant 0 : i32
      %dma_wait3A_148 = arith.constant 0 : i32
      %dma_wait3A_149 = tpu.memref_slice %arg7[%dma_wait3A_147, %dma_wait3A_148] : memref<79x128xi32, #tpu.memory_space<vmem>> -> memref<1x128xi32, #tpu.memory_space<vmem>>
      %dma_wait3A_150 = tpu.memref_squeeze %dma_wait3A_149 : memref<1x128xi32, #tpu.memory_space<vmem>> -> memref<128xi32, #tpu.memory_space<vmem>>
      %dma_wait3A_151 = arith.constant 0 : i32
      %dma_wait3A_152 = arith.constant 0 : i32
      %dma_wait3A_153 = tpu.memref_slice %arg17[%dma_wait3A_151, %dma_wait3A_152] : memref<10240x16xf32, #tpu.memory_space<vmem_shared>> -> memref<10240x16xf32, #tpu.memory_space<vmem_shared>>
      tpu.wait_indirect_dma semaphore(%arg14 : memref<!tpu.dma_semaphore, #tpu.memory_space<semaphore_mem>>) src(%arg8 : memref<128x16xf32, #tpu.memory_space<vmem>>) dst(%dma_wait3A_153 : memref<10240x16xf32, #tpu.memory_space<vmem_shared>>)
    } else {
    }
    %barrier3A_142 = arith.constant 0 : index
    tpu.barrier barrier_id(%barrier3A_142)
    %mul3A_143 = arith.constant 640 : i32
    %mul3A_144 = arith.muli %arg1, %mul3A_143 : i32
    %mul3A_145 = arith.constant 640 : i32
    %mul3A_146 = arith.muli %arg1, %mul3A_145 : i32
    "tpu.region"() ({
      %run_scoped3A = tpu.sem_alloc : memref<!tpu.dma_semaphore, #tpu.memory_space<semaphore_mem>>
      %dma_start3A_147 = arith.constant 0 : i32
      %dma_start3A_148 = tpu.memref_slice %arg5[%arg0, %mul3A_146, %dma_start3A_147] : memref<2x10240x16xf32, #tpu.memory_space<hbm>> -> memref<1x640x16xf32, #tpu.memory_space<hbm>>
      %dma_start3A_149 = tpu.memref_squeeze %dma_start3A_148 : memref<1x640x16xf32, #tpu.memory_space<hbm>> -> memref<640x16xf32, #tpu.memory_space<hbm>>
      %dma_start3A_150 = arith.constant 0 : i32
      %dma_start3A_151 = tpu.memref_slice %arg17[%mul3A_144, %dma_start3A_150] : memref<10240x16xf32, #tpu.memory_space<vmem_shared>> -> memref<640x16xf32, #tpu.memory_space<vmem_shared>>
      tpu.enqueue_dma source(%dma_start3A_151 : memref<640x16xf32, #tpu.memory_space<vmem_shared>>) target(%dma_start3A_149 : memref<640x16xf32, #tpu.memory_space<hbm>>) target_semaphore(%run_scoped3A : memref<!tpu.dma_semaphore, #tpu.memory_space<semaphore_mem>>)
      %dma_wait3A_152 = arith.constant 0 : i32
      %dma_wait3A_153 = tpu.memref_slice %arg5[%arg0, %mul3A_146, %dma_wait3A_152] : memref<2x10240x16xf32, #tpu.memory_space<hbm>> -> memref<1x640x16xf32, #tpu.memory_space<hbm>>
      %dma_wait3A_154 = tpu.memref_squeeze %dma_wait3A_153 : memref<1x640x16xf32, #tpu.memory_space<hbm>> -> memref<640x16xf32, #tpu.memory_space<hbm>>
      %dma_wait3A_155 = arith.constant 0 : i32
      %dma_wait3A_156 = tpu.memref_slice %arg17[%mul3A_144, %dma_wait3A_155] : memref<10240x16xf32, #tpu.memory_space<vmem_shared>> -> memref<640x16xf32, #tpu.memory_space<vmem_shared>>
      tpu.wait_dma2 semaphore(%run_scoped3A : memref<!tpu.dma_semaphore, #tpu.memory_space<semaphore_mem>>) src(%dma_wait3A_156 : memref<640x16xf32, #tpu.memory_space<vmem_shared>>) dst(%dma_wait3A_154 : memref<640x16xf32, #tpu.memory_space<hbm>>)
      tpu.yield
    }) : () -> ()
    return
  }
}

module attributes {stable_mosaic.version = 14 : i64} {
  func.func @body(%arg0: memref<2x10240x16xf32, #tpu.memory_space<vmem>>, %arg1: memref<10000x128xf32, #tpu.memory_space<vmem>>, %arg2: memref<10240x128xf32, #tpu.memory_space<vmem>>) attributes {dimension_semantics = [], scalar_prefetch = 0 : i64, scratch_operands = 0 : i64, tpu.core_type = #tpu.core_type<tc>} {
    %get3A = arith.constant 0 : index
    %get3A_0 = arith.constant 0 : index
    %get3A_1 = vector.load %arg1[%get3A, %get3A_0] : memref<10000x128xf32, #tpu.memory_space<vmem>>, vector<10000x128xf32>
    %get3A_2 = arith.constant 0 : index
    %get3A_3 = arith.constant 0 : index
    %get3A_4 = arith.constant 0 : index
    %get3A_5 = vector.load %arg0[%get3A_2, %get3A_3, %get3A_4] : memref<2x10240x16xf32, #tpu.memory_space<vmem>>, vector<1x10240x1xf32>
    %get3A_6 = vector.shape_cast %get3A_5 : vector<1x10240x1xf32> to vector<10240x1xf32>
    %get3A_7 = arith.constant 1 : index
    %get3A_8 = arith.constant 0 : index
    %get3A_9 = arith.constant 0 : index
    %get3A_10 = vector.load %arg0[%get3A_7, %get3A_8, %get3A_9] : memref<2x10240x16xf32, #tpu.memory_space<vmem>>, vector<1x10240x1xf32>
    %get3A_11 = vector.shape_cast %get3A_10 : vector<1x10240x1xf32> to vector<10240x1xf32>
    %add3A = arith.addf %get3A_6, %get3A_11 : vector<10240x1xf32>
    %add3A_12 = arith.constant 1.000000e+00 : f32
    %add3A_13 = vector.broadcast %add3A_12 : f32 to vector<10240x1xf32>
    %add3A_14 = arith.addf %add3A, %add3A_13 : vector<10240x1xf32>
    %rsqrt3A = math.rsqrt %add3A_14 : vector<10240x1xf32>
    %slice3A = vector.extract_strided_slice %rsqrt3A {offsets = [0, 0], sizes = [10000, 1], strides = [1, 1]} : vector<10240x1xf32> to vector<10000x1xf32>
    %mul3A = vector.broadcast %slice3A : vector<10000x1xf32> to vector<10000x128xf32>
    %mul3A_15 = arith.mulf %get3A_1, %mul3A : vector<10000x128xf32>
    %swap3A = arith.constant 0 : index
    %swap3A_16 = arith.constant 0 : index
    %swap3A_17 = vector.load %arg2[%swap3A, %swap3A_16] : memref<10240x128xf32, #tpu.memory_space<vmem>>, vector<10000x128xf32>
    tpu.vector_store %arg2[%swap3A, %swap3A_16], %mul3A_15 {strides = array<i32>} : memref<10240x128xf32, #tpu.memory_space<vmem>>, vector<10000x128xf32>,
    %broadcast_in_dim3A = arith.constant 0.000000e+00 : f32
    %broadcast_in_dim3A_18 = vector.broadcast %broadcast_in_dim3A : f32 to vector<240x128xf32>
    %swap3A_19 = arith.constant 10000 : index
    %swap3A_20 = arith.constant 0 : index
    %swap3A_21 = vector.load %arg2[%swap3A_19, %swap3A_20] : memref<10240x128xf32, #tpu.memory_space<vmem>>, vector<240x128xf32>
    tpu.vector_store %arg2[%swap3A_19, %swap3A_20], %broadcast_in_dim3A_18 {strides = array<i32>} : memref<10240x128xf32, #tpu.memory_space<vmem>>, vector<240x128xf32>,
    return
  }
}

module attributes {stable_mosaic.version = 14 : i64} {
  func.func @body(%arg0: i32, %arg1: memref<2x2560x128xf32, #tpu.memory_space<vmem>>, %arg2: memref<2560x128xf32, #tpu.memory_space<vmem>>, %arg3: memref<2x2560x16xf32, #tpu.memory_space<vmem>>, %arg4: memref<128x156xf32, #tpu.memory_space<vmem>>, %arg5: memref<1x156xf32, #tpu.memory_space<vmem>>, %arg6: memref<156x16xf32, #tpu.memory_space<vmem>>, %arg7: memref<2560x16xf32, #tpu.memory_space<vmem>>) attributes {dimension_semantics = [#tpu.dimension_semantics<arbitrary>], iteration_bounds = array<i64: 4>, scalar_prefetch = 0 : i64, scratch_operands = 0 : i64, tpu.core_type = #tpu.core_type<tc>, window_params = [{transform_indices = @transform_0, window_bounds = array<i64: 2, 2560, 128>}, {transform_indices = @transform_1, window_bounds = array<i64: 2560, 128>}, {transform_indices = @transform_2, window_bounds = array<i64: 2, 2560, 16>}, {pipeline_mode = #tpu.pipeline_mode<synchronous>, transform_indices = @transform_3, window_bounds = array<i64: 128, 156>}, {pipeline_mode = #tpu.pipeline_mode<synchronous>, transform_indices = @transform_4, window_bounds = array<i64: 1, 156>}, {pipeline_mode = #tpu.pipeline_mode<synchronous>, transform_indices = @transform_5, window_bounds = array<i64: 156, 16>}, {transform_indices = @transform_6, window_bounds = array<i64: 2560, 16>}]} {
    %get3A = arith.constant 0 : index
    %get3A_0 = arith.constant 0 : index
    %get3A_1 = arith.constant 0 : index
    %get3A_2 = vector.load %arg3[%get3A, %get3A_0, %get3A_1] : memref<2x2560x16xf32, #tpu.memory_space<vmem>>, vector<1x2560x1xf32>
    %get3A_3 = vector.shape_cast %get3A_2 : vector<1x2560x1xf32> to vector<2560x1xf32>
    %get3A_4 = arith.constant 1 : index
    %get3A_5 = arith.constant 0 : index
    %get3A_6 = arith.constant 0 : index
    %get3A_7 = vector.load %arg3[%get3A_4, %get3A_5, %get3A_6] : memref<2x2560x16xf32, #tpu.memory_space<vmem>>, vector<1x2560x1xf32>
    %get3A_8 = vector.shape_cast %get3A_7 : vector<1x2560x1xf32> to vector<2560x1xf32>
    %add3A = arith.addf %get3A_3, %get3A_8 : vector<2560x1xf32>
    %add3A_9 = arith.constant 1.000000e+00 : f32
    %add3A_10 = vector.broadcast %add3A_9 : f32 to vector<2560x1xf32>
    %add3A_11 = arith.addf %add3A, %add3A_10 : vector<2560x1xf32>
    %rsqrt3A = math.rsqrt %add3A_11 : vector<2560x1xf32>
    %get3A_12 = arith.constant 0 : index
    %get3A_13 = arith.constant 0 : index
    %get3A_14 = arith.constant 0 : index
    %get3A_15 = vector.load %arg1[%get3A_12, %get3A_13, %get3A_14] : memref<2x2560x128xf32, #tpu.memory_space<vmem>>, vector<1x2560x128xf32>
    %get3A_16 = vector.shape_cast %get3A_15 : vector<1x2560x128xf32> to vector<2560x128xf32>
    %get3A_17 = arith.constant 1 : index
    %get3A_18 = arith.constant 0 : index
    %get3A_19 = arith.constant 0 : index
    %get3A_20 = vector.load %arg1[%get3A_17, %get3A_18, %get3A_19] : memref<2x2560x128xf32, #tpu.memory_space<vmem>>, vector<1x2560x128xf32>
    %get3A_21 = vector.shape_cast %get3A_20 : vector<1x2560x128xf32> to vector<2560x128xf32>
    %add3A_22 = arith.addf %get3A_16, %get3A_21 : vector<2560x128xf32>
    %get3A_23 = arith.constant 0 : index
    %get3A_24 = arith.constant 0 : index
    %get3A_25 = vector.load %arg2[%get3A_23, %get3A_24] : memref<2560x128xf32, #tpu.memory_space<vmem>>, vector<2560x128xf32>
    %add3A_26 = arith.addf %add3A_22, %get3A_25 : vector<2560x128xf32>
    %mul3A = vector.broadcast %rsqrt3A : vector<2560x1xf32> to vector<2560x128xf32>
    %mul3A_27 = arith.mulf %add3A_26, %mul3A : vector<2560x128xf32>
    %get3A_28 = arith.constant 0 : index
    %get3A_29 = arith.constant 0 : index
    %get3A_30 = vector.load %arg4[%get3A_28, %get3A_29] : memref<128x156xf32, #tpu.memory_space<vmem>>, vector<128x156xf32>
    %dot_general3A = arith.constant dense<0.000000e+00> : vector<2560x156xf32>
    %dot_general3A_31 = tpu.matmul %mul3A_27, %get3A_30, %dot_general3A {dimension_numbers = #tpu.dot_dimension_numbers<[1], [0], [0], [1], [0, 0, 1, 1], [], []>, transpose_lhs_hint = false} : vector<2560x128xf32>, vector<128x156xf32>, vector<2560x156xf32> -> vector<2560x156xf32>
    %get3A_32 = arith.constant 0 : index
    %get3A_33 = arith.constant 0 : index
    %get3A_34 = vector.load %arg5[%get3A_32, %get3A_33] : memref<1x156xf32, #tpu.memory_space<vmem>>, vector<1x156xf32>
    %add3A_35 = vector.broadcast %get3A_34 : vector<1x156xf32> to vector<2560x156xf32>
    %add3A_36 = arith.addf %dot_general3A_31, %add3A_35 : vector<2560x156xf32>
    %max3A = arith.constant 0.000000e+00 : f32
    %max3A_37 = vector.broadcast %max3A : f32 to vector<2560x156xf32>
    %max3A_38 = arith.maximumf %add3A_36, %max3A_37 : vector<2560x156xf32>
    %get3A_39 = arith.constant 0 : index
    %get3A_40 = arith.constant 0 : index
    %get3A_41 = vector.load %arg6[%get3A_39, %get3A_40] : memref<156x16xf32, #tpu.memory_space<vmem>>, vector<156x16xf32>
    %dot_general3A_42 = arith.constant dense<0.000000e+00> : vector<2560x16xf32>
    %dot_general3A_43 = tpu.matmul %max3A_38, %get3A_41, %dot_general3A_42 {dimension_numbers = #tpu.dot_dimension_numbers<[1], [0], [0], [1], [0, 0, 1, 1], [], []>, transpose_lhs_hint = false} : vector<2560x156xf32>, vector<156x16xf32>, vector<2560x16xf32> -> vector<2560x16xf32>
    %mul3A_44 = vector.broadcast %rsqrt3A : vector<2560x1xf32> to vector<2560x16xf32>
    %mul3A_45 = arith.mulf %dot_general3A_43, %mul3A_44 : vector<2560x16xf32>
    %swap3A = arith.constant 0 : index
    %swap3A_46 = arith.constant 0 : index
    %swap3A_47 = vector.load %arg7[%swap3A, %swap3A_46] : memref<2560x16xf32, #tpu.memory_space<vmem>>, vector<2560x16xf32>
    tpu.vector_store %arg7[%swap3A, %swap3A_46], %mul3A_45 {strides = array<i32>} : memref<2560x16xf32, #tpu.memory_space<vmem>>, vector<2560x16xf32>,
    return
  }
  func.func @transform_0(%arg0: i32) -> (i32, i32, i32) {
    %c0_i32 = arith.constant 0 : i32
    %c0_i32_0 = arith.constant 0 : i32
    %c0_i32_1 = arith.constant 0 : i32
    return %c0_i32, %arg0, %c0_i32_0 : i32, i32, i32
  }
  func.func @transform_1(%arg0: i32) -> (i32, i32) {
    %c0_i32 = arith.constant 0 : i32
    %c0_i32_0 = arith.constant 0 : i32
    return %arg0, %c0_i32 : i32, i32
  }
  func.func @transform_2(%arg0: i32) -> (i32, i32, i32) {
    %c0_i32 = arith.constant 0 : i32
    %c0_i32_0 = arith.constant 0 : i32
    %c0_i32_1 = arith.constant 0 : i32
    return %c0_i32, %arg0, %c0_i32_0 : i32, i32, i32
  }
  func.func @transform_3(%arg0: i32) -> (i32, i32) {
    %c0_i32 = arith.constant 0 : i32
    %c0_i32_0 = arith.constant 0 : i32
    %c0_i32_1 = arith.constant 0 : i32
    return %c0_i32, %c0_i32_0 : i32, i32
  }
  func.func @transform_4(%arg0: i32) -> (i32, i32) {
    %c0_i32 = arith.constant 0 : i32
    %c0_i32_0 = arith.constant 0 : i32
    %c0_i32_1 = arith.constant 0 : i32
    return %c0_i32, %c0_i32_0 : i32, i32
  }
  func.func @transform_5(%arg0: i32) -> (i32, i32) {
    %c0_i32 = arith.constant 0 : i32
    %c0_i32_0 = arith.constant 0 : i32
    %c0_i32_1 = arith.constant 0 : i32
    return %c0_i32, %c0_i32_0 : i32, i32
  }
  func.func @transform_6(%arg0: i32) -> (i32, i32) {
    %c0_i32 = arith.constant 0 : i32
    %c0_i32_0 = arith.constant 0 : i32
    return %arg0, %c0_i32 : i32, i32
  }
}

module attributes {stable_mosaic.version = 14 : i64} {
  func.func @body(%arg0: memref<2x10240x16xf32, #tpu.memory_space<vmem>>, %arg1: memref<10240x16xf32, #tpu.memory_space<vmem>>, %arg2: memref<2x10240x16xf32, #tpu.memory_space<vmem>>, %arg3: memref<1x7xf32, #tpu.memory_space<vmem>>, %arg4: memref<10000x7xf32, #tpu.memory_space<vmem>>) attributes {dimension_semantics = [], scalar_prefetch = 0 : i64, scratch_operands = 0 : i64, tpu.core_type = #tpu.core_type<tc>} {
    %get3A = arith.constant 0 : index
    %get3A_0 = arith.constant 0 : index
    %get3A_1 = arith.constant 0 : index
    %get3A_2 = vector.load %arg2[%get3A, %get3A_0, %get3A_1] : memref<2x10240x16xf32, #tpu.memory_space<vmem>>, vector<1x10240x1xf32>
    %get3A_3 = vector.shape_cast %get3A_2 : vector<1x10240x1xf32> to vector<10240x1xf32>
    %get3A_4 = arith.constant 1 : index
    %get3A_5 = arith.constant 0 : index
    %get3A_6 = arith.constant 0 : index
    %get3A_7 = vector.load %arg2[%get3A_4, %get3A_5, %get3A_6] : memref<2x10240x16xf32, #tpu.memory_space<vmem>>, vector<1x10240x1xf32>
    %get3A_8 = vector.shape_cast %get3A_7 : vector<1x10240x1xf32> to vector<10240x1xf32>
    %add3A = arith.addf %get3A_3, %get3A_8 : vector<10240x1xf32>
    %add3A_9 = arith.constant 1.000000e+00 : f32
    %add3A_10 = vector.broadcast %add3A_9 : f32 to vector<10240x1xf32>
    %add3A_11 = arith.addf %add3A, %add3A_10 : vector<10240x1xf32>
    %rsqrt3A = math.rsqrt %add3A_11 : vector<10240x1xf32>
    %slice3A = vector.extract_strided_slice %rsqrt3A {offsets = [0, 0], sizes = [10000, 1], strides = [1, 1]} : vector<10240x1xf32> to vector<10000x1xf32>
    %get3A_12 = arith.constant 0 : index
    %get3A_13 = arith.constant 0 : index
    %get3A_14 = arith.constant 0 : index
    %get3A_15 = vector.load %arg0[%get3A_12, %get3A_13, %get3A_14] : memref<2x10240x16xf32, #tpu.memory_space<vmem>>, vector<1x10000x16xf32>
    %get3A_16 = vector.shape_cast %get3A_15 : vector<1x10000x16xf32> to vector<10000x16xf32>
    %get3A_17 = arith.constant 1 : index
    %get3A_18 = arith.constant 0 : index
    %get3A_19 = arith.constant 0 : index
    %get3A_20 = vector.load %arg0[%get3A_17, %get3A_18, %get3A_19] : memref<2x10240x16xf32, #tpu.memory_space<vmem>>, vector<1x10000x16xf32>
    %get3A_21 = vector.shape_cast %get3A_20 : vector<1x10000x16xf32> to vector<10000x16xf32>
    %add3A_22 = arith.addf %get3A_16, %get3A_21 : vector<10000x16xf32>
    %get3A_23 = arith.constant 0 : index
    %get3A_24 = arith.constant 0 : index
    %get3A_25 = vector.load %arg1[%get3A_23, %get3A_24] : memref<10240x16xf32, #tpu.memory_space<vmem>>, vector<10000x16xf32>
    %add3A_26 = arith.addf %add3A_22, %get3A_25 : vector<10000x16xf32>
    %mul3A = vector.broadcast %slice3A : vector<10000x1xf32> to vector<10000x16xf32>
    %mul3A_27 = arith.mulf %add3A_26, %mul3A : vector<10000x16xf32>
    %slice3A_28 = vector.extract_strided_slice %mul3A_27 {offsets = [0, 0], sizes = [10000, 7], strides = [1, 1]} : vector<10000x16xf32> to vector<10000x7xf32>
    %get3A_29 = arith.constant 0 : index
    %get3A_30 = arith.constant 0 : index
    %get3A_31 = vector.load %arg3[%get3A_29, %get3A_30] : memref<1x7xf32, #tpu.memory_space<vmem>>, vector<1x7xf32>
    %add3A_32 = vector.broadcast %get3A_31 : vector<1x7xf32> to vector<10000x7xf32>
    %add3A_33 = arith.addf %slice3A_28, %add3A_32 : vector<10000x7xf32>
    %reduce_max3A = arith.constant dense<0xFF800000> : vector<10000xf32>
    %reduce_max3A_34 = vector.multi_reduction <maximumf>, %add3A_33, %reduce_max3A [1] : vector<10000x7xf32> to vector<10000xf32>
    %broadcast_in_dim3A = vector.shape_cast %reduce_max3A_34 : vector<10000xf32> to vector<10000x1xf32>
    %sub3A = vector.broadcast %broadcast_in_dim3A : vector<10000x1xf32> to vector<10000x7xf32>
    %sub3A_35 = arith.subf %add3A_33, %sub3A : vector<10000x7xf32>
    %exp3A = math.exp %sub3A_35 : vector<10000x7xf32>
    %reduce_sum3A = arith.constant dense<0.000000e+00> : vector<10000xf32>
    %reduce_sum3A_36 = vector.multi_reduction <add>, %exp3A, %reduce_sum3A [1] : vector<10000x7xf32> to vector<10000xf32>
    %broadcast_in_dim3A_37 = vector.shape_cast %reduce_sum3A_36 : vector<10000xf32> to vector<10000x1xf32>
    %log3A = math.log %broadcast_in_dim3A_37 : vector<10000x1xf32>
    %sub3A_38 = vector.broadcast %log3A : vector<10000x1xf32> to vector<10000x7xf32>
    %sub3A_39 = arith.subf %sub3A_35, %sub3A_38 : vector<10000x7xf32>
    %swap3A = arith.constant 0 : index
    %swap3A_40 = arith.constant 0 : index
    %swap3A_41 = vector.load %arg4[%swap3A, %swap3A_40] : memref<10000x7xf32, #tpu.memory_space<vmem>>, vector<10000x7xf32>
    tpu.vector_store %arg4[%swap3A, %swap3A_40], %sub3A_39 {strides = array<i32>} : memref<10000x7xf32, #tpu.memory_space<vmem>>, vector<10000x7xf32>,
    return
  }
}

</mosaic_0001>

<sc_bundles>
// kernel: kernel.11.cloned.1.call-start
scs
__scs_entry_jumppad:
0x0: {  	(pc) =	sbr.rel $0x88, $3  }
0x1: {  	(tag) =	ssettag $0x0;
	lr =	simm.s32 $0x1  }
0x2: {  	[smem:$0x3F9B] =	sst lr;
	_ =	strace $0xD0000000  }
0x3: {  	_ = 	snop  }
0x4: {  	_ = 	snop  }
0x5: {  	_ = 	snop  }
0x6: {  	_ = 	snop  }
0x7: {  	_ = 	snop  }
__scs_overlays_trampoline_lowered:
0x8: {  	[smem:$0x3FAA] =	sst s0  }
0x9: {  	[smem:$0x3FAB] =	sst s1  }
0xa: {  	[smem:$0x3FAC] =	sst s2  }
0xb: {  	[smem:$0x3FAD] =	sst s3  }
0xc: {  	[smem:$0x3FAE] =	sst s4  }
0xd: {  	[smem:$0x3FAF] =	sst s5  }
0xe: {  	[smem:$0x3FB0] =	sst s6  }
0xf: {  	[smem:$0x3FB1] =	sst s7  }
0x10: {  	[smem:$0x3FB2] =	sst s8  }
0x11: {  	[smem:$0x3FB3] =	sst s9;
	s0 =	simm.s32 @!p0 $0x0  }
0x12: {  	s1 =	sld [smem:$0x3F99];
	s0 =	simm.s32 @p0 $0x1  }
0x13: {  	[smem:$0x3FB4] =	sst s0;
	s0 =	simm.s32 @!p1 $0x0  }
0x14: {  	s2 =	sld [smem:$0x3F98];
	s0 =	simm.s32 @p1 $0x1  }
0x15: {  	[smem:$0x3FB5] =	sst s0;
	s0 =	simm.s32 @!p2 $0x0  }
0x16: {  	s3 =	sld [smem:$0x3FDB];
	s0 =	simm.s32 @p2 $0x1  }
0x17: {  	s4 =	simm.s32 $0x1BF5;
	[smem:$0x3FB7] =	sst s0  }
0x18: {  	s0 =	sld [smem:$0x3F9A];
	_ =	swait.ge [sflag:s4], $0x0  }
0x19: {  	s7 =	sld [smem:$0x3F9B]  }
0x1a: {  	s8 =	sadd.s32 $0xFFFFE003, lr  }
0x1b: {  	s9 =	sadd.s32 $0xFFFFFEF7, lr;
	s5 =	simm.s32 $0xFFFFFFFF;
	p2 =	slt.u32 s8, $0xFFFFF086  }
0x1c: {  	p1 =	slt.u32 s9, $0xF7A;
	s5 =	simm.s32 @!p2 $0x0  }
0x1d: {  	s5 =	simm.s32 @p1 $0x1;
	p0 =	seq.s32 s7, s2  }
0x1e: {  	s7 =	smul.u32 @!p0 $0xF7A, s2;
	p2 =	seq.s32 @!p0 s5, $0x0  }
0x1f: {  	s9 =	smul.u32 $0xF7A, s1;
	s8 =	simm.s32 @!p0 $0x1BF5;
	p2 =	por !p2, p0  }
0x20: {  	[sflag:s8] =	ssyncset.s32 @!p0 $0xFFFFF086;
	s6 =	sadd.s32 @!p0 s3, s7;
	s7 =	simm.s32 @!p0 $0x108  }
0x21: {  	s3 =	sadd.s32 s3, s9;
	s6 =	sadd.s32 @!p0 $0x88, s6;
	s7 =	simm.s32 @p2 $0x1082  }
0x22: {  	[simem:s7], [sflag:s8] =	dma.local @!p0 [hbm:s6], $0xF7A  }
0x23: {  	s9 =	sor.u32 $0xD0000000, s2;
	s6 =	simm.s32 $0x108;
	_ =	swait.ge @!p0 [sflag:s8], $0x0  }
0x24: {  	s3 =	sadd.s32 $0x88, s3;
	s6 =	simm.s32 @!p1 $0x1082;
	[sflag:s4] =	ssyncset.s32 $0xFFFFF086  }
0x25: {  	[simem:s6], [sflag:s4] =	dma.local [hbm:s3], $0xF7A  }
0x26: {  	[smem:$0x3F9B] =	sst s1;
	(tag) =	ssettag s2;
	_ =	strace s9  }
0x27: {  	s1 =	sld [smem:$0x3FAB]  }
0x28: {  	s2 =	sld [smem:$0x3FAC]  }
0x29: {  	s4 =	sld [smem:$0x3FAE]  }
0x2a: {  	p0 =	seq.s32 s5, $0x0;
	s5 =	sld [smem:$0x3FAF]  }
0x2b: {  	s6 =	sld [smem:$0x3FB0]  }
0x2c: {  	s7 =	sld [smem:$0x3FB1]  }
0x2d: {  	s3 =	simm.s32 $0x108;
	s8 =	sld [smem:$0x3FB2]  }
0x2e: {  	s3 =	simm.s32 @!p0 $0x1082;
	s9 =	sld [smem:$0x3FB3]  }
0x2f: {  	lr =	sadd.s32 s0, s3;
	s0 =	sld [smem:$0x3FAA]  }
0x30: {  	s3 =	sld [smem:$0x3FAD]  }
0x31: {  	[smem:$0x3FB6] =	sst s10  }
0x32: {  	s10 =	sld [smem:$0x3FB4];
	_ =	sdelay $0x3  }
0x33: {  	p0 =	seq.s32 s10, $0x1;
	s10 =	sld [smem:$0x3FB6];
	_ =	sdelay $0x3  }
0x34: {  	[smem:$0x3FB6] =	sst s10  }
0x35: {  	s10 =	sld [smem:$0x3FB5];
	_ =	sdelay $0x3  }
0x36: {  	p1 =	seq.s32 s10, $0x1;
	s10 =	sld [smem:$0x3FB6];
	_ =	sdelay $0x3  }
0x37: {  	[smem:$0x3FB6] =	sst s10  }
0x38: {  	s10 =	sld [smem:$0x3FB7]  }
0x39: {  	_ = 	snop;
	(pc) =	sbr.ind lr, $3  }
0x3a: {  	_ = 	snop  }
0x3b: {  	_ = 	snop  }
0x3c: {  	p2 =	seq.s32 s10, $0x1;
	s10 =	sld [smem:$0x3FB6]  }
0x3d: {  	_ =	shalt  }
0x3e: {  	_ =	shalt  }
0x3f: {  	_ =	shalt  }
0x40: {  	_ =	shalt  }
0x41: {  	_ =	shalt  }
0x42: {  	_ =	shalt  }
0x43: {  	_ =	shalt  }
0x44: {  	_ =	shalt  }
0x45: {  	_ =	shalt  }
0x46: {  	_ =	shalt  }
0x47: {  	_ =	shalt  }
0x48: {  	_ =	shalt  }
0x49: {  	_ =	shalt  }
0x4a: {  	_ =	shalt  }
0x4b: {  	_ =	shalt  }
0x4c: {  	_ =	shalt  }
0x4d: {  	_ =	shalt  }
0x4e: {  	_ =	shalt  }
0x4f: {  	_ =	shalt  }
0x50: {  	_ =	shalt  }
0x51: {  	_ =	shalt  }
0x52: {  	_ =	shalt  }
0x53: {  	_ =	shalt  }
0x54: {  	_ =	shalt  }
0x55: {  	_ =	shalt  }
0x56: {  	_ =	shalt  }
0x57: {  	_ =	shalt  }
0x58: {  	_ =	shalt  }
0x59: {  	_ =	shalt  }
0x5a: {  	_ =	shalt  }
0x5b: {  	_ =	shalt  }
0x5c: {  	_ =	shalt  }
0x5d: {  	_ =	shalt  }
0x5e: {  	_ =	shalt  }
0x5f: {  	_ =	shalt  }
0x60: {  	_ =	shalt  }
0x61: {  	_ =	shalt  }
0x62: {  	_ =	shalt  }
0x63: {  	_ =	shalt  }
0x64: {  	_ =	shalt  }
0x65: {  	_ =	shalt  }
0x66: {  	_ =	shalt  }
0x67: {  	_ =	shalt  }
0x68: {  	_ =	shalt  }
0x69: {  	_ =	shalt  }
0x6a: {  	_ =	shalt  }
0x6b: {  	_ =	shalt  }
0x6c: {  	_ =	shalt  }
0x6d: {  	_ =	shalt  }
0x6e: {  	_ =	shalt  }
0x6f: {  	_ =	shalt  }
0x70: {  	_ =	shalt  }
0x71: {  	_ =	shalt  }
0x72: {  	_ =	shalt  }
0x73: {  	_ =	shalt  }
0x74: {  	_ =	shalt  }
0x75: {  	_ =	shalt  }
0x76: {  	_ =	shalt  }
0x77: {  	_ =	shalt  }
0x78: {  	_ =	shalt  }
0x79: {  	_ =	shalt  }
0x7a: {  	_ =	shalt  }
0x7b: {  	_ =	shalt  }
0x7c: {  	_ =	shalt  }
0x7d: {  	_ =	shalt  }
0x7e: {  	_ =	shalt  }
0x7f: {  	_ =	shalt  }
0x80: {  	_ =	shalt  }
0x81: {  	_ =	shalt  }
0x82: {  	_ =	shalt  }
0x83: {  	_ =	shalt  }
0x84: {  	_ =	shalt  }
0x85: {  	_ =	shalt  }
0x86: {  	_ =	shalt  }
0x87: {  	_ =	shalt  }
.Lfunc_end0:
.L_simem_size_0:
called_computation.1_lowered:
.L_overlay_start_0:
0x88: {  	s2 =	sld [smem:$0x3FD9]  }
0x89: {  	s3 =	sld [smem:$0x3FFE];
	_ =	sdelay $0x1  }
0x8a: {  	s1 =	srdreg.scid  }
0x8b: {  	s0 =	sand.u32 $0x1, s1  }
0x8c: {  	s16 =	sshll.u32 s0, $0xA;
	s2 =	sadd.s32 s3, s2  }
0x8d: {  	s2 =	sadd.s32 s2, s16  }
0x8e: {  	[smem:$0x3FC2] =	sst s2  }
0x8f: {  	_ = 	snop  }
0x90: {  	(tm) =	ssettm $0x1  }
0x91: {  	s17 =	sld [smem:$0x3FFB];
	_ =	sdelay $0x3  }
0x92: {  	_ =	strace s17  }
0x93: {  	s2 =	sld [smem:$0x3FFC];
	_ =	sdelay $0x3  }
0x94: {  	_ =	strace s2  }
0x95: {  	s2 =	sld [smem:$0x3FFD];
	_ =	sdelay $0x3  }
0x96: {  	_ =	strace s2  }
0x97: {  	_ =	strace $0x8FFFFFFF  }
0x98: {  	s18 =	sld [smem:$0x3FDB];
	_ =	sdelay $0x1  }
0x99: {  	s19 =	simm.s32 $_scs_section_size  }
0x9a: {  	s4 =	simm.s32 $_size__tile_overlayer_lowered;
	s5 =	simm.s32 $_tile_overlayer_lowered  }
0x9b: {  	s22 =	simm.s32 $0x1BFF;
	s21 =	sshll.u32 s5, $0x1;
	s2 =	sadd.s32 s19, s18  }
0x9c: {  	s6 =	simm.s32 $0x0;
	s20 =	sshll.u32 s4, $0x1;
	s4 =	sadd.s32 s21, s2  }
0x9d: {  	[timem:s6], [sflag:s22] =	dma.local [hbm:s4], s20  }
0x9e: {  	_ =	swait.ge [sflag:s22], s20  }
0x9f: {  	s3 =	ssub.s32 $0x0, s20;
	[sflag:s22] =	ssyncset.done $0x0  }
0xa0: {  	[sflag:s22] =	ssyncadd.s32 s3;
	_ =	sdelay $0x1  }
0xa1: {  	s23 =	simm.s32 $0x1B8B  }
0xa2: {  	_ =	swait.ge [sflag:s23], $0x1  }
0xa3: {  	[sflag:s23] =	ssyncset.done $0x0  }
0xa4: {  	s25 =	simm.s32 $0x1B8E;
	s24 =	sld [smem:$0x3FFE];
	[sflag:s23] =	ssyncadd.s32 $0xFFFFFFFF  }
0xa5: {  	s26 =	simm.s32 $execute0_lowered;
	[smem:$0x3FD2] =	sst s25  }
0xa6: {  	s4 =	sshll.u32 s26, $0x1;
	_ =	strace $0x80000049;
	[dreg:$0x1] =	wrdreg $0xFFFFFFFF  }
0xa7: {  	s28 =	simm.s32 $_size_execute0_lowered;
	s2 =	sadd.s32 s2, s4;
	[dreg:$0x0] =	wrdreg $0x0  }
0xa8: {  	s4 =	sshll.u32 s28, $0x1;
	[dreg:$0x2] =	wrdreg s2  }
0xa9: {  	[dreg:$0x3] =	wrdreg s4  }
0xaa: {  	[dreg:$0x4] =	wrdreg $0xC0  }
0xab: {  	_ =	task [dreg:s6], $0x5FFFF  }
0xac: {  	[dreg:$0x1] =	wrdreg $0xFFFFFFFF  }
0xad: {  	[dreg:$0x0] =	wrdreg $0x60  }
0xae: {  	[dreg:$0x2] =	wrdreg s24  }
0xaf: {  	[dreg:$0x3] =	wrdreg $0xBBF00  }
0xb0: {  	[dreg:$0x4] =	wrdreg $0x9  }
0xb1: {  	_ =	task.clear_ibuf [dreg:s6], $0x5FFFF;
	_ =	strace $0x90000049  }
0xb2: {  	s29 =	simm.s32 $0x9;
	_ =	strace $0x8000004B  }
0xb3: {  	_ =	swait.ge [sflag:s29], $0x1  }
0xb4: {  	[sflag:s29] =	ssyncadd.s32 $0xFFFFFFFF  }
0xb5: {  	_ =	strace $0x9000004B  }
0xb6: {  	_ =	sfence  }
0xb7: {  	s30 =	sld [smem:$0x0];
	_ =	sdelay $0x2  }
0xb8: {  	s31 =	sshll.u32 s1, $0xD;
	s1 =	sshrl.u32 s1, $0x2  }
0xb9: {  	s3 =	sand.u32 $0x4000, s31;
	s1 =	sadd.s32 s1, s30  }
0xba: {  	s0 =	sor.u32 s3, s0;
	s1 =	sshll.u32 s1, $0x11  }
0xbb: {  	s0 =	sor.u32 s1, s0  }
0xbc: {  	s0 =	sadd.s32 $0x8F2B, s0  }
0xbd: {  	[sflag:s0] =	ssyncadd.remote.s32 $0x1  }
0xbe: {  	_ =	sfence.sel $0xFFFF  }
0xbf: {  	[dreg:$0x0] =	wrdreg $0xFFFFFFFF;
	(pc) =	sbr.abs _section_cstart, $3  }
0xc0: {  	[dreg:$0x1] =	wrdreg $0xFFFFFFFF  }
0xc1: {  	_ =	task.clear_ibuf [dreg:s6], $0x2FFFF;
	_ =	strace $0x9FFFFFFF  }
0xc2: {  	(tm) =	ssettm $0x7FFFFFFF  }
0xc3: {  	_ =	shalt  }
tec
execute0_lowered:
.L_overlay_start_1:
0x0: {  	(tag) =	ssettag $0x1  }
0x1: {  	s0 =	srdreg.scid;
	s5 =	rddreg [dreg:$0x0]  }
0x2: {  	s4 =	stileid.u32;
	s2 =	rddreg [dreg:$0x1];
	s3 =	simm.s32 $0x0  }
0x3: {  	s29 =	simm.s32 $0x89F0;
	s31 =	simm.s32 $0xA2F0;
	s28 =	simm.s32 $0x5  }
0x4: {  	s30 =	simm.s32 $0x6;
	s0 =	sand.u32 $0x1, s0;
	s6 =	smul.u32 $0x14000, s4  }
0x5: {  	s1 =	sshll.u32 s4, $0x1;
	[smem:$0x7FF] =	sst s3;
	s8 =	smul.u32 $0x50000, s4  }
0x6: {  	s4 =	sadd.s32 $0x85C00, s5;
	s1 =	sor.u32 s0, s1;
	s7 =	smul.u32 $0x140000, s0  }
0x7: {  	_ =	strace $0x8000004A;
	s0 =	ssub.s32 $0x2, s0;
	s1 =	smul.u32 $0x578, s1  }
0x8: {  	s8 =	sshrl.u32 s8, $0x2;
	s21 =	sshrl.u32 s0, $0x1;
	s7 =	sadd.s32 s6, s7  }
0x9: {  	s8 =	sadd.s32 s8, s2;
	s0 =	ssub.s32 s0, s21;
	s21 =	simm.s32 $0x57F0  }
0xa: {  	s1 =	sadd.s32 s1, s5;
	s7 =	sshrl.u32 s7, $0x3;
	s22 =	sadd.s32 $0x1900, s8  }
0xb: {  	s23 =	sadd.s32 $0x3200, s8;
	s24 =	sadd.s32 $0x4B00, s8;
	s25 =	sadd.s32 $0x6400, s8  }
0xc: {  	s26 =	sadd.s32 $0x7D00, s8;
	s11 =	sadd.s32 $0x9600, s8;
	s12 =	sadd.s32 $0xAF00, s8  }
0xd: {  	s13 =	sadd.s32 $0xC800, s8;
	s14 =	sadd.s32 $0xE100, s8;
	[dreg:$0x3] =	wrdreg s22  }
0xe: {  	s15 =	sadd.s32 $0xFA00, s8;
	s16 =	sadd.s32 $0x11300, s8;
	[dreg:$0x4] =	wrdreg s23  }
0xf: {  	s20 =	smax.u32 s0, $0x1;
	s0 =	simm.s32 $0x2;
	[dreg:$0x5] =	wrdreg s24  }
0x10: {  	s7 =	sadd.s32 s7, s5;
	s5 =	sadd.s32 s6, s2;
	[dreg:$0x6] =	wrdreg s25  }
0x11: {  	[dreg:$0x7] =	wrdreg s26;
	s17 =	sadd.s32 $0x1FC00, s1;
	s18 =	sadd.s32 $0x2AC00, s1  }
0x12: {  	s22 =	simm.s32 $0x9;
	s24 =	simm.s32 $0x32;
	s26 =	simm.s32 $0x70F0  }
0x13: {  	s1 =	simm.s32 $0x1;
	s23 =	simm.s32 $0x3;
	s25 =	simm.s32 $0x4  }
0x14: {  	v0 =	vimm.f32 $0.0e+00;
	s6 =	simm.s32 $0x7;
	s19 =	sadd.s32 $0xADC00, s7;
	s7 =	simm.s32 $0x8  }
.LBB2_1:
0x15: {  	s8 =	simm.s32 $0x70;
	s9 =	simm.s32 $0x3C0  }
.LBB2_2:
0x16: {  	p0 =	sne.s32 s9, $0x63C0;
	[tilespmem:s8+$0x57F0] =	vst v0  }
0x17: {  	[tilespmem:s8+$0x5780] =	vst v0  }
0x18: {  	[tilespmem:s8+$0x5790] =	vst v0  }
.Ltmp0:
0x19: {  	[tilespmem:s8+$0x57A0] =	vst v0;
	(pc) =	sbr.rel @p0 .LBB2_2-.Ltmp0, $4  }
0x1a: {  	[tilespmem:s8+$0x57B0] =	vst v0  }
0x1b: {  	[tilespmem:s8+$0x57C0] =	vst v0  }
0x1c: {  	[tilespmem:s8+$0x57D0] =	vst v0  }
0x1d: {  	[tilespmem:s8+$0x57E0] =	vst v0;
	s8 =	sshra.s32 s9, $0x2;
	s9 =	sadd.s32 $0x200, s9  }
0x1e: {  	[tilespmem:s8+$0x57F0] =	vst v0  }
0x1f: {  	[tilespmem:s8+$0x5780] =	vst v0  }
0x20: {  	[tilespmem:s8+$0x5790] =	vst v0  }
0x21: {  	[tilespmem:s8+$0x57A0] =	vst v0  }
0x22: {  	[tilespmem:s8+$0x57B0] =	vst v0  }
0x23: {  	[tilespmem:s8+$0x57C0] =	vst v0  }
0x24: {  	[tilespmem:s8+$0x57D0] =	vst v0  }
0x25: {  	[tilespmem:s8+$0x57E0] =	vst v0  }
0x26: {  	[spmem:s5] =	stream.linear.scatter [tilespmem:s21], [sflag:$0x9], $0x1900, $0x38;
	[tilespmem:$0x1FBF0] =	vst v63  }
0x27: {  	_ =	swait.ge [sflag:s22], $0x1900  }
0x28: {  	[sflag:s22] =	ssyncset.done $0x0  }
0x29: {  	s9 =	rddreg [dreg:$0x3];
	[sflag:s22] =	ssyncadd.s32 $0xFFFFE700  }
0x2a: {  	[spmem:s9] =	stream.linear.scatter [tilespmem:s21], [sflag:$0x9], $0x1900, $0x38;
	[tilespmem:$0x1FBF0] =	vst v63  }
0x2b: {  	_ =	swait.ge [sflag:s22], $0x1900  }
0x2c: {  	[sflag:s22] =	ssyncset.done $0x0  }
0x2d: {  	s10 =	rddreg [dreg:$0x4];
	[sflag:s22] =	ssyncadd.s32 $0xFFFFE700  }
0x2e: {  	[spmem:s10] =	stream.linear.scatter [tilespmem:s21], [sflag:$0x9], $0x1900, $0x38;
	[tilespmem:$0x1FBF0] =	vst v63  }
0x2f: {  	_ =	swait.ge [sflag:s22], $0x1900  }
0x30: {  	[sflag:s22] =	ssyncset.done $0x0  }
0x31: {  	s9 =	rddreg [dreg:$0x5];
	[sflag:s22] =	ssyncadd.s32 $0xFFFFE700  }
0x32: {  	[spmem:s9] =	stream.linear.scatter [tilespmem:s21], [sflag:$0x9], $0x1900, $0x38;
	[tilespmem:$0x1FBF0] =	vst v63  }
0x33: {  	_ =	swait.ge [sflag:s22], $0x1900  }
0x34: {  	[sflag:s22] =	ssyncset.done $0x0  }
0x35: {  	s10 =	rddreg [dreg:$0x6];
	[sflag:s22] =	ssyncadd.s32 $0xFFFFE700  }
0x36: {  	[spmem:s10] =	stream.linear.scatter [tilespmem:s21], [sflag:$0x9], $0x1900, $0x38;
	[tilespmem:$0x1FBF0] =	vst v63  }
0x37: {  	_ =	swait.ge [sflag:s22], $0x1900  }
0x38: {  	[sflag:s22] =	ssyncset.done $0x0  }
0x39: {  	s9 =	rddreg [dreg:$0x7];
	[sflag:s22] =	ssyncadd.s32 $0xFFFFE700  }
0x3a: {  	[spmem:s9] =	stream.linear.scatter [tilespmem:s21], [sflag:$0x9], $0x1900, $0x38;
	[tilespmem:$0x1FBF0] =	vst v63  }
0x3b: {  	_ =	swait.ge [sflag:s22], $0x1900  }
0x3c: {  	[sflag:s22] =	ssyncset.done $0x0  }
0x3d: {  	[sflag:s22] =	ssyncadd.s32 $0xFFFFE700  }
0x3e: {  	[spmem:s11] =	stream.linear.scatter [tilespmem:s21], [sflag:$0x9], $0x1900, $0x38;
	[tilespmem:$0x1FBF0] =	vst v63  }
0x3f: {  	_ =	swait.ge [sflag:s22], $0x1900  }
0x40: {  	[sflag:s22] =	ssyncset.done $0x0  }
0x41: {  	[sflag:s22] =	ssyncadd.s32 $0xFFFFE700  }
0x42: {  	[spmem:s12] =	stream.linear.scatter [tilespmem:s21], [sflag:$0x9], $0x1900, $0x38;
	[tilespmem:$0x1FBF0] =	vst v63  }
0x43: {  	_ =	swait.ge [sflag:s22], $0x1900  }
0x44: {  	[sflag:s22] =	ssyncset.done $0x0  }
0x45: {  	[sflag:s22] =	ssyncadd.s32 $0xFFFFE700  }
0x46: {  	[spmem:s13] =	stream.linear.scatter [tilespmem:s21], [sflag:$0x9], $0x1900, $0x38;
	[tilespmem:$0x1FBF0] =	vst v63  }
0x47: {  	_ =	swait.ge [sflag:s22], $0x1900  }
0x48: {  	[sflag:s22] =	ssyncset.done $0x0  }
0x49: {  	[sflag:s22] =	ssyncadd.s32 $0xFFFFE700  }
0x4a: {  	[spmem:s14] =	stream.linear.scatter [tilespmem:s21], [sflag:$0x9], $0x1900, $0x38;
	[tilespmem:$0x1FBF0] =	vst v63  }
0x4b: {  	_ =	swait.ge [sflag:s22], $0x1900  }
0x4c: {  	[sflag:s22] =	ssyncset.done $0x0  }
0x4d: {  	[sflag:s22] =	ssyncadd.s32 $0xFFFFE700  }
0x4e: {  	[spmem:s15] =	stream.linear.scatter [tilespmem:s21], [sflag:$0x9], $0x1900, $0x38;
	[tilespmem:$0x1FBF0] =	vst v63  }
0x4f: {  	_ =	swait.ge [sflag:s22], $0x1900  }
0x50: {  	[sflag:s22] =	ssyncset.done $0x0  }
0x51: {  	[sflag:s22] =	ssyncadd.s32 $0xFFFFE700  }
0x52: {  	[spmem:s16] =	stream.linear.scatter [tilespmem:s21], [sflag:$0x9], $0x1900, $0x38;
	[tilespmem:$0x1FBF0] =	vst v63  }
0x53: {  	_ =	swait.ge [sflag:s22], $0x1900  }
0x54: {  	[sflag:s22] =	ssyncset.done $0x0  }
0x55: {  	s10 =	simm.s32 $0x0;
	[sflag:s22] =	ssyncadd.s32 $0xFFFFE700  }
0x56: {  	[tilespmem:s10], [sflag:$0x9] =	stream.linear.gather [hbm4b:s17+s10], $0x2BC0, $0x38;
	[tilespmem:$0x1FBF0] =	vst v63  }
0x57: {  	_ =	swait.ge [sflag:s22], $0x2BC0  }
0x58: {  	[sflag:s22] =	ssyncset.done $0x0  }
0x59: {  	s9 =	simm.s32 $0x2BF8;
	[sflag:s22] =	ssyncadd.s32 $0xFFFFD440  }
0x5a: {  	[tilespmem:s9], [sflag:$0x9] =	stream.linear.gather [hbm4b:s18+s10], $0x2BC0, $0x38;
	[tilespmem:$0x1FBF0] =	vst v63  }
0x5b: {  	_ =	swait.ge [sflag:s22], $0x2BC0  }
0x5c: {  	[sflag:s22] =	ssyncset.done $0x0  }
0x5d: {  	[sflag:s22] =	ssyncadd.s32 $0xFFFFD440  }
0x5e: {  	[bflag:$0x0] =	sbarrier.arrive $0xFFFF  }
0x5f: {  	[tilespmem:s21], [sflag:$0x1] =	stream.indirect.gather [hbm4b:s4+s24], $0x80, s10, s24, $0xb8;
	[tilespmem:$0x1FBF0] =	vst v63  }
0x60: {  	s9 =	simm.s32 $0x38  }
0x61: {  	[tilespmem:s26], [sflag:$0x2] =	stream.indirect.gather [hbm4b:s4+s24], $0x80, s9, s24, $0xb8;
	[tilespmem:$0x1FBF0] =	vst v63  }
0x62: {  	s10 =	simm.s32 $0x70  }
0x63: {  	[tilespmem:s29], [sflag:$0x3] =	stream.indirect.gather [hbm4b:s4+s24], $0x80, s10, s24, $0xb8;
	[tilespmem:$0x1FBF0] =	vst v63  }
0x64: {  	s9 =	simm.s32 $0xA8  }
0x65: {  	[tilespmem:s31], [sflag:$0x4] =	stream.indirect.gather [hbm4b:s4+s24], $0x80, s9, s24, $0xb8;
	[tilespmem:$0x1FBF0] =	vst v63  }
0x66: {  	_ =	swait.ge [sflag:s1], $0x1900  }
0x67: {  	[sflag:s1] =	ssyncset.done $0x0  }
0x68: {  	s10 =	simm.s32 $0x2BF8;
	[sflag:s1] =	ssyncadd.s32 $0xFFFFE700  }
0x69: {  	[spmem:s2] =	stream.indirect.scatter.add.f32 [tilespmem:s21], [sflag:$0x5], $0x80, s10, s24, $0xb8;
	[tilespmem:$0x1FBF0] =	vst v63  }
0x6a: {  	_ =	swait.ge [sflag:s0], $0x1900  }
0x6b: {  	[sflag:s0] =	ssyncset.done $0x0  }
0x6c: {  	s9 =	simm.s32 $0x2C30;
	[sflag:s0] =	ssyncadd.s32 $0xFFFFE700  }
0x6d: {  	[spmem:s2] =	stream.indirect.scatter.add.f32 [tilespmem:s26], [sflag:$0x6], $0x80, s9, s24, $0xb8;
	[tilespmem:$0x1FBF0] =	vst v63  }
0x6e: {  	_ =	swait.ge [sflag:s23], $0x1900  }
0x6f: {  	[sflag:s23] =	ssyncset.done $0x0  }
0x70: {  	s10 =	simm.s32 $0x2C68;
	[sflag:s23] =	ssyncadd.s32 $0xFFFFE700  }
0x71: {  	[spmem:s2] =	stream.indirect.scatter.add.f32 [tilespmem:s29], [sflag:$0x7], $0x80, s10, s24, $0xb8;
	[tilespmem:$0x1FBF0] =	vst v63  }
0x72: {  	_ =	swait.ge [sflag:s25], $0x1900  }
0x73: {  	[sflag:s25] =	ssyncset.done $0x0  }
0x74: {  	s9 =	simm.s32 $0x2CA0;
	[sflag:s25] =	ssyncadd.s32 $0xFFFFE700  }
0x75: {  	[spmem:s2] =	stream.indirect.scatter.add.f32 [tilespmem:s31], [sflag:$0x8], $0x80, s9, s24, $0xb8;
	[tilespmem:$0x1FBF0] =	vst v63  }
0x76: {  	_ =	swait.ge [sflag:s28], $0x1900  }
0x77: {  	[sflag:s28] =	ssyncset.done $0x0  }
0x78: {  	s10 =	simm.s32 $0xE0;
	[sflag:s28] =	ssyncadd.s32 $0xFFFFE700  }
0x79: {  	[tilespmem:s21], [sflag:$0x1] =	stream.indirect.gather [hbm4b:s4+s24], $0x80, s10, s24, $0xb8;
	[tilespmem:$0x1FBF0] =	vst v63  }
0x7a: {  	_ =	swait.ge [sflag:s30], $0x1900  }
0x7b: {  	[sflag:s30] =	ssyncset.done $0x0  }
0x7c: {  	s9 =	simm.s32 $0x118;
	[sflag:s30] =	ssyncadd.s32 $0xFFFFE700  }
0x7d: {  	[tilespmem:s26], [sflag:$0x2] =	stream.indirect.gather [hbm4b:s4+s24], $0x80, s9, s24, $0xb8;
	[tilespmem:$0x1FBF0] =	vst v63  }
0x7e: {  	_ =	swait.ge [sflag:s6], $0x1900  }
0x7f: {  	[sflag:s6] =	ssyncset.done $0x0  }
0x80: {  	s10 =	simm.s32 $0x150;
	[sflag:s6] =	ssyncadd.s32 $0xFFFFE700  }
0x81: {  	[tilespmem:s29], [sflag:$0x3] =	stream.indirect.gather [hbm4b:s4+s24], $0x80, s10, s24, $0xb8;
	[tilespmem:$0x1FBF0] =	vst v63  }
0x82: {  	_ =	swait.ge [sflag:s7], $0x1900  }
0x83: {  	[sflag:s7] =	ssyncset.done $0x0  }
0x84: {  	s8 =	simm.s32 $0x380;
	s9 =	simm.s32 $0x188;
	[sflag:s7] =	ssyncadd.s32 $0xFFFFE700  }
.LBB2_4:
0x85: {  	[tilespmem:s31], [sflag:$0x4] =	stream.indirect.gather [hbm4b:s4+s24], $0x80, s9, s24, $0xb8;
	[tilespmem:$0x1FBF0] =	vst v63  }
0x86: {  	s9 =	smov.u32 s8  }
0x87: {  	p0 =	sne.s32 s8, $0xA800;
	s8 =	sadd.s32 $0x380, s8;
	_ =	swait.ge [sflag:s1], $0x1900  }
0x88: {  	s9 =	sshra.s32 s9, $0x2;
	[sflag:s1] =	ssyncset.done $0x0  }
0x89: {  	s10 =	sadd.s32 $0x2BF8, s9;
	[sflag:s1] =	ssyncadd.s32 $0xFFFFE700  }
0x8a: {  	[spmem:s2] =	stream.indirect.scatter.add.f32 [tilespmem:s21], [sflag:$0x5], $0x80, s10, s24, $0xb8;
	[tilespmem:$0x1FBF0] =	vst v63  }
0x8b: {  	_ =	swait.ge [sflag:s0], $0x1900  }
0x8c: {  	[sflag:s0] =	ssyncset.done $0x0  }
0x8d: {  	s10 =	sadd.s32 $0x2C30, s9;
	[sflag:s0] =	ssyncadd.s32 $0xFFFFE700  }
0x8e: {  	[spmem:s2] =	stream.indirect.scatter.add.f32 [tilespmem:s26], [sflag:$0x6], $0x80, s10, s24, $0xb8;
	[tilespmem:$0x1FBF0] =	vst v63  }
0x8f: {  	_ =	swait.ge [sflag:s23], $0x1900  }
0x90: {  	[sflag:s23] =	ssyncset.done $0x0  }
0x91: {  	s10 =	sadd.s32 $0x2C68, s9;
	[sflag:s23] =	ssyncadd.s32 $0xFFFFE700  }
0x92: {  	[spmem:s2] =	stream.indirect.scatter.add.f32 [tilespmem:s29], [sflag:$0x7], $0x80, s10, s24, $0xb8;
	[tilespmem:$0x1FBF0] =	vst v63  }
0x93: {  	_ =	swait.ge [sflag:s25], $0x1900  }
0x94: {  	[sflag:s25] =	ssyncset.done $0x0  }
0x95: {  	s10 =	sadd.s32 $0x2CA0, s9;
	[sflag:s25] =	ssyncadd.s32 $0xFFFFE700  }
0x96: {  	[spmem:s2] =	stream.indirect.scatter.add.f32 [tilespmem:s31], [sflag:$0x8], $0x80, s10, s24, $0xb8;
	[tilespmem:$0x1FBF0] =	vst v63  }
0x97: {  	_ =	swait.ge [sflag:s28], $0x1900  }
0x98: {  	[sflag:s28] =	ssyncset.done $0x0  }
0x99: {  	s10 =	sadd.s32 $0xE0, s9;
	[sflag:s28] =	ssyncadd.s32 $0xFFFFE700  }
0x9a: {  	[tilespmem:s21], [sflag:$0x1] =	stream.indirect.gather [hbm4b:s4+s24], $0x80, s10, s24, $0xb8;
	[tilespmem:$0x1FBF0] =	vst v63  }
0x9b: {  	_ =	swait.ge [sflag:s30], $0x1900  }
0x9c: {  	[sflag:s30] =	ssyncset.done $0x0  }
0x9d: {  	s10 =	sadd.s32 $0x118, s9;
	[sflag:s30] =	ssyncadd.s32 $0xFFFFE700  }
0x9e: {  	[tilespmem:s26], [sflag:$0x2] =	stream.indirect.gather [hbm4b:s4+s24], $0x80, s10, s24, $0xb8;
	[tilespmem:$0x1FBF0] =	vst v63  }
0x9f: {  	_ =	swait.ge [sflag:s6], $0x1900  }
0xa0: {  	[sflag:s6] =	ssyncset.done $0x0  }
.Ltmp1:
0xa1: {  	s10 =	sadd.s32 $0x150, s9;
	[sflag:s6] =	ssyncadd.s32 $0xFFFFE700;
	(pc) =	sbr.rel @p0 .LBB2_4-.Ltmp1, $4  }
0xa2: {  	[tilespmem:s29], [sflag:$0x3] =	stream.indirect.gather [hbm4b:s4+s24], $0x80, s10, s24, $0xb8;
	[tilespmem:$0x1FBF0] =	vst v63  }
0xa3: {  	_ =	swait.ge [sflag:s7], $0x1900  }
0xa4: {  	[sflag:s7] =	ssyncset.done $0x0  }
0xa5: {  	s9 =	sadd.s32 $0x188, s9;
	[sflag:s7] =	ssyncadd.s32 $0xFFFFE700  }
0xa6: {  	[tilespmem:s31], [sflag:$0x4] =	stream.indirect.gather [hbm4b:s4+s24], $0x80, s9, s24, $0xb8;
	[tilespmem:$0x1FBF0] =	vst v63  }
0xa7: {  	_ =	swait.ge [sflag:s1], $0x1900  }
0xa8: {  	[sflag:s1] =	ssyncset.done $0x0  }
0xa9: {  	s8 =	simm.s32 $0x56D8;
	[sflag:s1] =	ssyncadd.s32 $0xFFFFE700  }
0xaa: {  	[spmem:s2] =	stream.indirect.scatter.add.f32 [tilespmem:s21], [sflag:$0x5], $0x80, s8, s24, $0xb8;
	[tilespmem:$0x1FBF0] =	vst v63  }
0xab: {  	_ =	swait.ge [sflag:s0], $0x1900  }
0xac: {  	[sflag:s0] =	ssyncset.done $0x0  }
0xad: {  	s10 =	simm.s32 $0x5710;
	[sflag:s0] =	ssyncadd.s32 $0xFFFFE700  }
0xae: {  	[spmem:s2] =	stream.indirect.scatter.add.f32 [tilespmem:s26], [sflag:$0x6], $0x80, s10, s24, $0xb8;
	[tilespmem:$0x1FBF0] =	vst v63  }
0xaf: {  	_ =	swait.ge [sflag:s23], $0x1900  }
0xb0: {  	[sflag:s23] =	ssyncset.done $0x0  }
0xb1: {  	s9 =	simm.s32 $0x5748;
	[sflag:s23] =	ssyncadd.s32 $0xFFFFE700  }
0xb2: {  	[spmem:s2] =	stream.indirect.scatter.add.f32 [tilespmem:s29], [sflag:$0x7], $0x80, s9, s24, $0xb8;
	[tilespmem:$0x1FBF0] =	vst v63  }
0xb3: {  	_ =	swait.ge [sflag:s25], $0x1900  }
0xb4: {  	[sflag:s25] =	ssyncset.done $0x0  }
0xb5: {  	s10 =	simm.s32 $0x5780;
	[sflag:s25] =	ssyncadd.s32 $0xFFFFE700  }
0xb6: {  	[spmem:s2] =	stream.indirect.scatter.add.f32 [tilespmem:s31], [sflag:$0x8], $0x80, s10, s24, $0xb8;
	[tilespmem:$0x1FBF0] =	vst v63  }
0xb7: {  	_ =	swait.ge [sflag:s28], $0x1900  }
0xb8: {  	[sflag:s28] =	ssyncset.done $0x0  }
0xb9: {  	[sflag:s28] =	ssyncadd.s32 $0xFFFFE700  }
0xba: {  	_ =	swait.ge [sflag:s30], $0x1900  }
0xbb: {  	[sflag:s30] =	ssyncset.done $0x0  }
0xbc: {  	[sflag:s30] =	ssyncadd.s32 $0xFFFFE700  }
0xbd: {  	_ =	swait.ge [sflag:s6], $0x1900  }
0xbe: {  	[sflag:s6] =	ssyncset.done $0x0  }
0xbf: {  	[sflag:s6] =	ssyncadd.s32 $0xFFFFE700  }
0xc0: {  	s9 =	stileid.u32;
	_ =	swait.ge [sflag:s7], $0x1900  }
0xc1: {  	s3 =	sadd.s32 $0x1, s3;
	s8 =	sshll.u32 s9, $0x6;
	[sflag:s7] =	ssyncset.done $0x0  }
0xc2: {  	p0 =	sne.s32 s3, s20;
	s8 =	sor.u32 $0x1C09, s8;
	[sflag:s7] =	ssyncadd.s32 $0xFFFFE700  }
.Ltmp2:
0xc3: {  	s10 =	sshrl.u32 s5, $0x3;
	[bflag:$0x0] =	sbarrier.arrive $0xFFFF;
	(pc) =	sbr.rel @p0 .LBB2_1-.Ltmp2, $4  }
0xc4: {  	[hbm:s19], [sflag:s8] =	dma.local [spmem:s10], $0x2800  }
0xc5: {  	_ =	swait.ge [sflag:s22], $0x2800  }
0xc6: {  	[sflag:s22] =	ssyncset.done $0x0  }
0xc7: {  	[sflag:s22] =	ssyncadd.s32 $0xFFFFD800  }
0xc8: {  	_ =	sfence.sel $0x180000  }
0xc9: {  	[bflag:$0x0] =	sbarrier.arrive $0xFFFF  }
0xca: {  	_ =	strace $0x9000004A  }
0xcb: {  	s0 =	stileid.u32;
	[bflag:$0x2] =	sbarrier.arrive $0xFFFF  }
0xcc: {  	p0 =	sne.s32 s0, $0x0;
	s0 =	rddreg [dreg:$0x2]  }
0xcd: {  	s0 =	sadd.s32 @!p0 $0x100000, s0  }
0xce: {  	[sflag:s0] =	ssyncadd.tile.s32 @!p0 $0x1;
	_ =	shalt  }
.Lfunc_end2:
_tile_overlayer_lowered:
.L_overlay_start_2:
0xcf: {  	(tag) =	ssettag $0x2  }
0xd0: {  	s0 =	rddreg [dreg:$0x0];
	s2 =	stileid.u32  }
0xd1: {  	s1 =	rddreg [dreg:$0x1];
	p0 =	sne.s32 s2, $0x0  }
0xd2: {  	s3 =	rddreg [dreg:$0x2];
	[bflag:$0x3] =	sbarrier.arrive $0xFFFF;
	s2 =	simm.s32 @!p0 $0x1C09  }
0xd3: {  	[timem:s3], [sflag:s2] =	dma.local @!p0 [hbm:s0], s1  }
0xd4: {  	s0 =	simm.s32 @!p0 $0x9  }
0xd5: {  	_ =	swait.ge @!p0 [sflag:s0], s1  }
0xd6: {  	s1 =	ssub.s32 @!p0 $0x0, s1;
	[sflag:s0] =	ssyncset.done @!p0 $0x0  }
0xd7: {  	[sflag:s0] =	ssyncadd.s32 @!p0 s1  }
0xd8: {  	[bflag:$0x3] =	sbarrier.arrive $0xFFFF  }
0xd9: {  	_ =	shalt  }

// kernel: kernel.14.cloned.1.call-start
scs
__scs_entry_jumppad:
0x0: {  	(pc) =	sbr.rel $0x88, $3  }
0x1: {  	(tag) =	ssettag $0x0;
	lr =	simm.s32 $0x1  }
0x2: {  	[smem:$0x3F9B] =	sst lr;
	_ =	strace $0xD0000000  }
0x3: {  	_ = 	snop  }
0x4: {  	_ = 	snop  }
0x5: {  	_ = 	snop  }
0x6: {  	_ = 	snop  }
0x7: {  	_ = 	snop  }
__scs_overlays_trampoline_lowered:
0x8: {  	[smem:$0x3FAA] =	sst s0  }
0x9: {  	[smem:$0x3FAB] =	sst s1  }
0xa: {  	[smem:$0x3FAC] =	sst s2  }
0xb: {  	[smem:$0x3FAD] =	sst s3  }
0xc: {  	[smem:$0x3FAE] =	sst s4  }
0xd: {  	[smem:$0x3FAF] =	sst s5  }
0xe: {  	[smem:$0x3FB0] =	sst s6  }
0xf: {  	[smem:$0x3FB1] =	sst s7  }
0x10: {  	[smem:$0x3FB2] =	sst s8  }
0x11: {  	[smem:$0x3FB3] =	sst s9;
	s0 =	simm.s32 @!p0 $0x0  }
0x12: {  	s1 =	sld [smem:$0x3F99];
	s0 =	simm.s32 @p0 $0x1  }
0x13: {  	[smem:$0x3FB4] =	sst s0;
	s0 =	simm.s32 @!p1 $0x0  }
0x14: {  	s2 =	sld [smem:$0x3F98];
	s0 =	simm.s32 @p1 $0x1  }
0x15: {  	[smem:$0x3FB5] =	sst s0;
	s0 =	simm.s32 @!p2 $0x0  }
0x16: {  	s3 =	sld [smem:$0x3FDB];
	s0 =	simm.s32 @p2 $0x1  }
0x17: {  	s4 =	simm.s32 $0x1BF5;
	[smem:$0x3FB7] =	sst s0  }
0x18: {  	s0 =	sld [smem:$0x3F9A];
	_ =	swait.ge [sflag:s4], $0x0  }
0x19: {  	s7 =	sld [smem:$0x3F9B]  }
0x1a: {  	s8 =	sadd.s32 $0xFFFFE003, lr  }
0x1b: {  	s9 =	sadd.s32 $0xFFFFFEF7, lr;
	s5 =	simm.s32 $0xFFFFFFFF;
	p2 =	slt.u32 s8, $0xFFFFF086  }
0x1c: {  	p1 =	slt.u32 s9, $0xF7A;
	s5 =	simm.s32 @!p2 $0x0  }
0x1d: {  	s5 =	simm.s32 @p1 $0x1;
	p0 =	seq.s32 s7, s2  }
0x1e: {  	s7 =	smul.u32 @!p0 $0xF7A, s2;
	p2 =	seq.s32 @!p0 s5, $0x0  }
0x1f: {  	s9 =	smul.u32 $0xF7A, s1;
	s8 =	simm.s32 @!p0 $0x1BF5;
	p2 =	por !p2, p0  }
0x20: {  	[sflag:s8] =	ssyncset.s32 @!p0 $0xFFFFF086;
	s6 =	sadd.s32 @!p0 s3, s7;
	s7 =	simm.s32 @!p0 $0x108  }
0x21: {  	s3 =	sadd.s32 s3, s9;
	s6 =	sadd.s32 @!p0 $0x88, s6;
	s7 =	simm.s32 @p2 $0x1082  }
0x22: {  	[simem:s7], [sflag:s8] =	dma.local @!p0 [hbm:s6], $0xF7A  }
0x23: {  	s9 =	sor.u32 $0xD0000000, s2;
	s6 =	simm.s32 $0x108;
	_ =	swait.ge @!p0 [sflag:s8], $0x0  }
0x24: {  	s3 =	sadd.s32 $0x88, s3;
	s6 =	simm.s32 @!p1 $0x1082;
	[sflag:s4] =	ssyncset.s32 $0xFFFFF086  }
0x25: {  	[simem:s6], [sflag:s4] =	dma.local [hbm:s3], $0xF7A  }
0x26: {  	[smem:$0x3F9B] =	sst s1;
	(tag) =	ssettag s2;
	_ =	strace s9  }
0x27: {  	s1 =	sld [smem:$0x3FAB]  }
0x28: {  	s2 =	sld [smem:$0x3FAC]  }
0x29: {  	s4 =	sld [smem:$0x3FAE]  }
0x2a: {  	p0 =	seq.s32 s5, $0x0;
	s5 =	sld [smem:$0x3FAF]  }
0x2b: {  	s6 =	sld [smem:$0x3FB0]  }
0x2c: {  	s7 =	sld [smem:$0x3FB1]  }
0x2d: {  	s3 =	simm.s32 $0x108;
	s8 =	sld [smem:$0x3FB2]  }
0x2e: {  	s3 =	simm.s32 @!p0 $0x1082;
	s9 =	sld [smem:$0x3FB3]  }
0x2f: {  	lr =	sadd.s32 s0, s3;
	s0 =	sld [smem:$0x3FAA]  }
0x30: {  	s3 =	sld [smem:$0x3FAD]  }
0x31: {  	[smem:$0x3FB6] =	sst s10  }
0x32: {  	s10 =	sld [smem:$0x3FB4];
	_ =	sdelay $0x3  }
0x33: {  	p0 =	seq.s32 s10, $0x1;
	s10 =	sld [smem:$0x3FB6];
	_ =	sdelay $0x3  }
0x34: {  	[smem:$0x3FB6] =	sst s10  }
0x35: {  	s10 =	sld [smem:$0x3FB5];
	_ =	sdelay $0x3  }
0x36: {  	p1 =	seq.s32 s10, $0x1;
	s10 =	sld [smem:$0x3FB6];
	_ =	sdelay $0x3  }
0x37: {  	[smem:$0x3FB6] =	sst s10  }
0x38: {  	s10 =	sld [smem:$0x3FB7]  }
0x39: {  	_ = 	snop;
	(pc) =	sbr.ind lr, $3  }
0x3a: {  	_ = 	snop  }
0x3b: {  	_ = 	snop  }
0x3c: {  	p2 =	seq.s32 s10, $0x1;
	s10 =	sld [smem:$0x3FB6]  }
0x3d: {  	_ =	shalt  }
0x3e: {  	_ =	shalt  }
0x3f: {  	_ =	shalt  }
0x40: {  	_ =	shalt  }
0x41: {  	_ =	shalt  }
0x42: {  	_ =	shalt  }
0x43: {  	_ =	shalt  }
0x44: {  	_ =	shalt  }
0x45: {  	_ =	shalt  }
0x46: {  	_ =	shalt  }
0x47: {  	_ =	shalt  }
0x48: {  	_ =	shalt  }
0x49: {  	_ =	shalt  }
0x4a: {  	_ =	shalt  }
0x4b: {  	_ =	shalt  }
0x4c: {  	_ =	shalt  }
0x4d: {  	_ =	shalt  }
0x4e: {  	_ =	shalt  }
0x4f: {  	_ =	shalt  }
0x50: {  	_ =	shalt  }
0x51: {  	_ =	shalt  }
0x52: {  	_ =	shalt  }
0x53: {  	_ =	shalt  }
0x54: {  	_ =	shalt  }
0x55: {  	_ =	shalt  }
0x56: {  	_ =	shalt  }
0x57: {  	_ =	shalt  }
0x58: {  	_ =	shalt  }
0x59: {  	_ =	shalt  }
0x5a: {  	_ =	shalt  }
0x5b: {  	_ =	shalt  }
0x5c: {  	_ =	shalt  }
0x5d: {  	_ =	shalt  }
0x5e: {  	_ =	shalt  }
0x5f: {  	_ =	shalt  }
0x60: {  	_ =	shalt  }
0x61: {  	_ =	shalt  }
0x62: {  	_ =	shalt  }
0x63: {  	_ =	shalt  }
0x64: {  	_ =	shalt  }
0x65: {  	_ =	shalt  }
0x66: {  	_ =	shalt  }
0x67: {  	_ =	shalt  }
0x68: {  	_ =	shalt  }
0x69: {  	_ =	shalt  }
0x6a: {  	_ =	shalt  }
0x6b: {  	_ =	shalt  }
0x6c: {  	_ =	shalt  }
0x6d: {  	_ =	shalt  }
0x6e: {  	_ =	shalt  }
0x6f: {  	_ =	shalt  }
0x70: {  	_ =	shalt  }
0x71: {  	_ =	shalt  }
0x72: {  	_ =	shalt  }
0x73: {  	_ =	shalt  }
0x74: {  	_ =	shalt  }
0x75: {  	_ =	shalt  }
0x76: {  	_ =	shalt  }
0x77: {  	_ =	shalt  }
0x78: {  	_ =	shalt  }
0x79: {  	_ =	shalt  }
0x7a: {  	_ =	shalt  }
0x7b: {  	_ =	shalt  }
0x7c: {  	_ =	shalt  }
0x7d: {  	_ =	shalt  }
0x7e: {  	_ =	shalt  }
0x7f: {  	_ =	shalt  }
0x80: {  	_ =	shalt  }
0x81: {  	_ =	shalt  }
0x82: {  	_ =	shalt  }
0x83: {  	_ =	shalt  }
0x84: {  	_ =	shalt  }
0x85: {  	_ =	shalt  }
0x86: {  	_ =	shalt  }
0x87: {  	_ =	shalt  }
.Lfunc_end0:
.L_simem_size_0:
called_computation.2_lowered:
.L_overlay_start_0:
0x88: {  	s2 =	sld [smem:$0x3FD9]  }
0x89: {  	s3 =	sld [smem:$0x3FFE];
	_ =	sdelay $0x1  }
0x8a: {  	s1 =	srdreg.scid  }
0x8b: {  	s0 =	sand.u32 $0x1, s1  }
0x8c: {  	s16 =	sshll.u32 s0, $0xA;
	s2 =	sadd.s32 s3, s2  }
0x8d: {  	s2 =	sadd.s32 s2, s16  }
0x8e: {  	[smem:$0x3FC2] =	sst s2  }
0x8f: {  	_ = 	snop  }
0x90: {  	(tm) =	ssettm $0x1  }
0x91: {  	s17 =	sld [smem:$0x3FFB];
	_ =	sdelay $0x3  }
0x92: {  	_ =	strace s17  }
0x93: {  	s2 =	sld [smem:$0x3FFC];
	_ =	sdelay $0x3  }
0x94: {  	_ =	strace s2  }
0x95: {  	s2 =	sld [smem:$0x3FFD];
	_ =	sdelay $0x3  }
0x96: {  	_ =	strace s2  }
0x97: {  	_ =	strace $0x8FFFFFFF  }
0x98: {  	s18 =	sld [smem:$0x3FDB];
	_ =	sdelay $0x1  }
0x99: {  	s19 =	simm.s32 $_scs_section_size  }
0x9a: {  	s4 =	simm.s32 $_size__tile_overlayer_lowered;
	s5 =	simm.s32 $_tile_overlayer_lowered  }
0x9b: {  	s22 =	simm.s32 $0x1BFF;
	s21 =	sshll.u32 s5, $0x1;
	s2 =	sadd.s32 s19, s18  }
0x9c: {  	s6 =	simm.s32 $0x0;
	s20 =	sshll.u32 s4, $0x1;
	s4 =	sadd.s32 s21, s2  }
0x9d: {  	[timem:s6], [sflag:s22] =	dma.local [hbm:s4], s20  }
0x9e: {  	_ =	swait.ge [sflag:s22], s20  }
0x9f: {  	s3 =	ssub.s32 $0x0, s20;
	[sflag:s22] =	ssyncset.done $0x0  }
0xa0: {  	[sflag:s22] =	ssyncadd.s32 s3;
	_ =	sdelay $0x1  }
0xa1: {  	s23 =	simm.s32 $0x1B8B  }
0xa2: {  	_ =	swait.ge [sflag:s23], $0x1  }
0xa3: {  	[sflag:s23] =	ssyncset.done $0x0  }
0xa4: {  	s25 =	simm.s32 $0x1B8E;
	s24 =	sld [smem:$0x3FFE];
	[sflag:s23] =	ssyncadd.s32 $0xFFFFFFFF  }
0xa5: {  	s26 =	simm.s32 $execute0_lowered;
	[smem:$0x3FD2] =	sst s25  }
0xa6: {  	s4 =	sshll.u32 s26, $0x1;
	_ =	strace $0x8000004C;
	[dreg:$0x1] =	wrdreg $0xFFFFFFFF  }
0xa7: {  	s28 =	simm.s32 $_size_execute0_lowered;
	s2 =	sadd.s32 s2, s4;
	[dreg:$0x0] =	wrdreg $0x0  }
0xa8: {  	s4 =	sshll.u32 s28, $0x1;
	[dreg:$0x2] =	wrdreg s2  }
0xa9: {  	[dreg:$0x3] =	wrdreg s4  }
0xaa: {  	[dreg:$0x4] =	wrdreg $0xC0  }
0xab: {  	_ =	task [dreg:s6], $0x5FFFF  }
0xac: {  	[dreg:$0x1] =	wrdreg $0xFFFFFFFF  }
0xad: {  	[dreg:$0x0] =	wrdreg $0x60  }
0xae: {  	[dreg:$0x2] =	wrdreg s24  }
0xaf: {  	[dreg:$0x3] =	wrdreg $0x67000  }
0xb0: {  	[dreg:$0x4] =	wrdreg $0x8F000  }
0xb1: {  	[dreg:$0x5] =	wrdreg $0x9  }
0xb2: {  	_ =	task.clear_ibuf [dreg:s6], $0x6FFFF;
	_ =	strace $0x9000004C  }
0xb3: {  	s29 =	simm.s32 $0x9;
	_ =	strace $0x8000004E  }
0xb4: {  	_ =	swait.ge [sflag:s29], $0x1  }
0xb5: {  	[sflag:s29] =	ssyncadd.s32 $0xFFFFFFFF  }
0xb6: {  	_ =	strace $0x9000004E  }
0xb7: {  	_ =	sfence  }
0xb8: {  	s30 =	sld [smem:$0x0];
	_ =	sdelay $0x2  }
0xb9: {  	s31 =	sshll.u32 s1, $0xD;
	s1 =	sshrl.u32 s1, $0x2  }
0xba: {  	s3 =	sand.u32 $0x4000, s31;
	s1 =	sadd.s32 s1, s30  }
0xbb: {  	s0 =	sor.u32 s3, s0;
	s1 =	sshll.u32 s1, $0x11  }
0xbc: {  	s0 =	sor.u32 s1, s0  }
0xbd: {  	s0 =	sadd.s32 $0x8F2B, s0  }
0xbe: {  	[sflag:s0] =	ssyncadd.remote.s32 $0x1  }
0xbf: {  	_ =	sfence.sel $0xFFFF  }
0xc0: {  	[dreg:$0x0] =	wrdreg $0xFFFFFFFF;
	(pc) =	sbr.abs _section_cstart, $3  }
0xc1: {  	[dreg:$0x1] =	wrdreg $0xFFFFFFFF  }
0xc2: {  	_ =	task.clear_ibuf [dreg:s6], $0x2FFFF;
	_ =	strace $0x9FFFFFFF  }
0xc3: {  	(tm) =	ssettm $0x7FFFFFFF  }
tec
execute0_lowered:
.L_overlay_start_1:
0x0: {  	(tag) =	ssettag $0x1  }
0x1: {  	s0 =	rddreg [dreg:$0x0]  }
0x2: {  	s2 =	rddreg [dreg:$0x1]  }
0x3: {  	s17 =	stileid.u32;
	s1 =	srdreg.scid  }
0x4: {  	s3 =	rddreg [dreg:$0x2];
	s6 =	simm.s32 $0x0;
	s18 =	simm.s32 $0x7  }
0x5: {  	s20 =	simm.s32 $0x80;
	s21 =	simm.s32 $0x5700;
	s28 =	simm.s32 $0x4  }
0x6: {  	s29 =	simm.s32 $0x5;
	s30 =	simm.s32 $0x6;
	s4 =	smul.u32 $0x2800, s17  }
0x7: {  	s1 =	sand.u32 $0x1, s1;
	[smem:$0x7FF] =	sst s6;
	s13 =	sadd.s32 $0xBE00, s0  }
0x8: {  	s14 =	sadd.s32 $0x2000, s0;
	s7 =	sshll.u32 s17, $0x1;
	s8 =	smul.u32 $0xA000, s17  }
0x9: {  	p0 =	sgt.u32 s17, $0x1;
	s17 =	simm.s32 $0x4F00;
	s5 =	smul.u32 $0x28000, s1  }
0xa: {  	_ =	strace $0x8000004D;
	s24 =	ssub.s32 $0x2, s1;
	s1 =	sor.u32 s1, s7  }
0xb: {  	s23 =	sshrl.u32 s4, $0x3;
	s25 =	sshrl.u32 s24, $0x1;
	s26 =	sshrl.u32 s8, $0x2  }
0xc: {  	s31 =	smul.u32 $0x4E, s1;
	s1 =	smin.u32 s1, $0x4;
	s10 =	sadd.s32 s23, s0  }
0xd: {  	s5 =	sadd.s32 s4, s5;
	s16 =	ssub.s32 s24, s25;
	s9 =	sadd.s32 s26, s2  }
0xe: {  	s23 =	simm.s32 $0x5F00;
	s24 =	simm.s32 $0x1;
	s25 =	simm.s32 $0x2  }
0xf: {  	s26 =	simm.s32 $0x3;
	s5 =	sshrl.u32 s5, $0x3;
	s6 =	sadd.s32 $0x800, s9  }
0x10: {  	s7 =	sadd.s32 $0x1000, s9;
	s1 =	sadd.s32 s1, s31;
	s8 =	sadd.s32 $0x1800, s9  }
0x11: {  	s9 =	sadd.s32 $0x2000, s9;
	s10 =	sadd.s32 $0x15C00, s10;
	s16 =	smax.u32 s16, $0x1  }
0x12: {  	s0 =	sadd.s32 s5, s0;
	s5 =	sadd.s32 s4, s2;
	s1 =	sshll.u32 s1, $0x4  }
0x13: {  	s4 =	sadd.s32 s4, s3;
	s15 =	sadd.s32 $0x4E0, s1;
	s11 =	sadd.s32 s13, s1  }
0x14: {  	s12 =	sadd.s32 s14, s1;
	s19 =	sshrl.u32 s4, $0x3;
	s13 =	sadd.s32 s13, s15  }
0x15: {  	v0 =	vimm.f32 $0.0e+00;
	s14 =	sadd.s32 s14, s15;
	s15 =	sadd.s32 $0x1AC00, s0;
	s0 =	simm.s32 $0x0  }
.LBB2_1:
0x16: {  	s22 =	simm.s32 $0x40;
	s31 =	simm.s32 $0x0  }
.LBB2_2:
0x17: {  	p1 =	sne.s32 s22, $0x1FC0;
	[tilespmem:s31+$0x4F00] =	vst v0;
	s1 =	smov.u32 s22;
	s22 =	sadd.s32 $0x40, s22  }
.Ltmp0:
0x18: {  	(pc) =	sbr.rel @p1 .LBB2_2-.Ltmp0, $2  }
0x19: {  	_ =	sdelay $0x2  }
0x1a: {  	s31 =	sshra.s32 s1, $0x2  }
0x1b: {  	[tilespmem:s31+$0x4F00] =	vst v0  }
0x1c: {  	[spmem:s5] =	stream.linear.scatter [tilespmem:s17], [sflag:$0x7], $0x800, $0x38;
	[tilespmem:$0xB700] =	vst v63  }
0x1d: {  	_ =	swait.ge [sflag:s18], $0x800  }
0x1e: {  	[sflag:s18] =	ssyncset.done $0x0  }
0x1f: {  	[sflag:s18] =	ssyncadd.s32 $0xFFFFF800  }
0x20: {  	[spmem:s6] =	stream.linear.scatter [tilespmem:s17], [sflag:$0x7], $0x800, $0x38;
	[tilespmem:$0xB700] =	vst v63  }
0x21: {  	_ =	swait.ge [sflag:s18], $0x800  }
0x22: {  	[sflag:s18] =	ssyncset.done $0x0  }
0x23: {  	[sflag:s18] =	ssyncadd.s32 $0xFFFFF800  }
0x24: {  	[spmem:s7] =	stream.linear.scatter [tilespmem:s17], [sflag:$0x7], $0x800, $0x38;
	[tilespmem:$0xB700] =	vst v63  }
0x25: {  	_ =	swait.ge [sflag:s18], $0x800  }
0x26: {  	[sflag:s18] =	ssyncset.done $0x0  }
0x27: {  	[sflag:s18] =	ssyncadd.s32 $0xFFFFF800  }
0x28: {  	[spmem:s8] =	stream.linear.scatter [tilespmem:s17], [sflag:$0x7], $0x800, $0x38;
	[tilespmem:$0xB700] =	vst v63  }
0x29: {  	_ =	swait.ge [sflag:s18], $0x800  }
0x2a: {  	[sflag:s18] =	ssyncset.done $0x0  }
0x2b: {  	[sflag:s18] =	ssyncadd.s32 $0xFFFFF800  }
0x2c: {  	[spmem:s9] =	stream.linear.scatter [tilespmem:s17], [sflag:$0x7], $0x800, $0x38;
	[tilespmem:$0xB700] =	vst v63  }
0x2d: {  	s1 =	stileid.u32;
	_ =	swait.ge [sflag:s18], $0x800  }
0x2e: {  	s1 =	sshll.u32 s1, $0x6;
	[sflag:s18] =	ssyncset.done $0x0  }
0x2f: {  	s22 =	sor.u32 $0x1C07, s1;
	[sflag:s18] =	ssyncadd.s32 $0xFFFFF800  }
0x30: {  	[spmem:s19], [sflag:s22] =	dma.local [hbm:s10], $0x500  }
0x31: {  	_ =	swait.ge [sflag:s18], $0x500  }
0x32: {  	[sflag:s18] =	ssyncset.done $0x0  }
0x33: {  	s4 =	simm.s32 $0x0;
	[sflag:s18] =	ssyncadd.s32 $0xFFFFFB00  }
0x34: {  	[tilespmem:s4], [sflag:$0x7] =	stream.linear.gather [hbm4b:s11+s4], $0x2700, $0x38;
	[tilespmem:$0xB700] =	vst v63  }
0x35: {  	_ =	swait.ge [sflag:s18], $0x2700  }
0x36: {  	[sflag:s18] =	ssyncset.done $0x0  }
0x37: {  	s31 =	simm.s32 @p0 $0x2780;
	s1 =	simm.s32 @p0 $0x0;
	[sflag:s18] =	ssyncadd.s32 $0xFFFFD900  }
0x38: {  	[tilespmem:s31], [sflag:$0x7] =	stream.linear.gather @p0 [hbm4b:s12+s1], $0x2700, $0x38;
	[tilespmem:$0xB700] =	vst v63  }
0x39: {  	s1 =	simm.s32 @p0 $0x7  }
0x3a: {  	_ =	swait.ge @p0 [sflag:s1], $0x2700  }
0x3b: {  	[sflag:s1] =	ssyncset.done @p0 $0x0  }
0x3c: {  	s31 =	simm.s32 @!p0 $0x2700;
	[sflag:s1] =	ssyncadd.s32 @p0 $0xFFFFD900;
	s1 =	simm.s32 @!p0 $0x0  }
0x3d: {  	[tilespmem:s31], [sflag:$0x7] =	stream.linear.gather @!p0 [hbm4b:s13+s1], $0x80, $0x38;
	[tilespmem:$0xB700] =	vst v63  }
0x3e: {  	s31 =	simm.s32 @!p0 $0x7  }
0x3f: {  	_ =	swait.ge @!p0 [sflag:s31], $0x80  }
0x40: {  	[sflag:s31] =	ssyncset.done @!p0 $0x0  }
0x41: {  	s4 =	simm.s32 @!p0 $0x2780;
	[sflag:s31] =	ssyncadd.s32 @!p0 $0xFFFFFF80  }
0x42: {  	[tilespmem:s4], [sflag:$0x7] =	stream.linear.gather @!p0 [hbm4b:s12+s1], $0x2700, $0x38;
	[tilespmem:$0xB700] =	vst v63  }
0x43: {  	_ =	swait.ge @!p0 [sflag:s31], $0x2700  }
0x44: {  	[sflag:s31] =	ssyncset.done @!p0 $0x0  }
0x45: {  	s4 =	simm.s32 @!p0 $0x4E80;
	[sflag:s31] =	ssyncadd.s32 @!p0 $0xFFFFD900  }
0x46: {  	[tilespmem:s4], [sflag:$0x7] =	stream.linear.gather @!p0 [hbm4b:s14+s1], $0x80, $0x38;
	[tilespmem:$0xB700] =	vst v63  }
0x47: {  	_ =	swait.ge @!p0 [sflag:s31], $0x80  }
0x48: {  	[sflag:s31] =	ssyncset.done @!p0 $0x0  }
0x49: {  	[sflag:s31] =	ssyncadd.s32 @!p0 $0xFFFFFF80  }
0x4a: {  	s4 =	simm.s32 $0x0;
	[bflag:$0x0] =	sbarrier.arrive $0xFFFF  }
0x4b: {  	[tilespmem:s17], [sflag:$0x1] =	stream.indirect.gather [spmem:s3], $0x10, s4, s20, $0xb8;
	[tilespmem:$0xB700] =	vst v63  }
0x4c: {  	_ = 	snop  }
0x4d: {  	[tilespmem:s21], [sflag:$0x2] =	stream.indirect.gather [spmem:s3], $0x10, s20, s20, $0xb8;
	[tilespmem:$0xB700] =	vst v63  }
0x4e: {  	s4 =	simm.s32 $0x100  }
0x4f: {  	[tilespmem:s23], [sflag:$0x3] =	stream.indirect.gather [spmem:s3], $0x10, s4, s20, $0xb8;
	[tilespmem:$0xB700] =	vst v63  }
0x50: {  	_ =	swait.ge [sflag:s24], $0x800  }
0x51: {  	[sflag:s24] =	ssyncset.done $0x0  }
0x52: {  	s4 =	simm.s32 $0x2780;
	[sflag:s24] =	ssyncadd.s32 $0xFFFFF800  }
0x53: {  	[spmem:s2] =	stream.indirect.scatter.add.f32 [tilespmem:s17], [sflag:$0x4], $0x10, s4, s20, $0xb8;
	[tilespmem:$0xB700] =	vst v63  }
0x54: {  	_ =	swait.ge [sflag:s25], $0x800  }
0x55: {  	[sflag:s25] =	ssyncset.done $0x0  }
0x56: {  	s4 =	simm.s32 $0x2800;
	[sflag:s25] =	ssyncadd.s32 $0xFFFFF800  }
0x57: {  	[spmem:s2] =	stream.indirect.scatter.add.f32 [tilespmem:s21], [sflag:$0x5], $0x10, s4, s20, $0xb8;
	[tilespmem:$0xB700] =	vst v63  }
0x58: {  	_ =	swait.ge [sflag:s26], $0x800  }
0x59: {  	[sflag:s26] =	ssyncset.done $0x0  }
0x5a: {  	s4 =	simm.s32 $0x2880;
	[sflag:s26] =	ssyncadd.s32 $0xFFFFF800  }
0x5b: {  	[spmem:s2] =	stream.indirect.scatter.add.f32 [tilespmem:s23], [sflag:$0x6], $0x10, s4, s20, $0xb8;
	[tilespmem:$0xB700] =	vst v63  }
0x5c: {  	_ =	swait.ge [sflag:s28], $0x800  }
0x5d: {  	[sflag:s28] =	ssyncset.done $0x0  }
0x5e: {  	s4 =	simm.s32 $0x180;
	[sflag:s28] =	ssyncadd.s32 $0xFFFFF800  }
0x5f: {  	[tilespmem:s17], [sflag:$0x1] =	stream.indirect.gather [spmem:s3], $0x10, s4, s20, $0xb8;
	[tilespmem:$0xB700] =	vst v63  }
0x60: {  	_ =	swait.ge [sflag:s29], $0x800  }
0x61: {  	[sflag:s29] =	ssyncset.done $0x0  }
0x62: {  	s4 =	simm.s32 $0x200;
	[sflag:s29] =	ssyncadd.s32 $0xFFFFF800  }
0x63: {  	[tilespmem:s21], [sflag:$0x2] =	stream.indirect.gather [spmem:s3], $0x10, s4, s20, $0xb8;
	[tilespmem:$0xB700] =	vst v63  }
0x64: {  	_ =	swait.ge [sflag:s30], $0x800  }
0x65: {  	[sflag:s30] =	ssyncset.done $0x0  }
0x66: {  	s1 =	simm.s32 $0x280;
	s31 =	simm.s32 $0x600;
	[sflag:s30] =	ssyncadd.s32 $0xFFFFF800  }
.LBB2_4:
0x67: {  	[tilespmem:s23], [sflag:$0x3] =	stream.indirect.gather [spmem:s3], $0x10, s1, s20, $0xb8;
	[tilespmem:$0xB700] =	vst v63  }
0x68: {  	s1 =	smov.u32 s31  }
0x69: {  	p1 =	sne.s32 s31, $0x9000;
	s31 =	sadd.s32 $0x600, s31;
	_ =	swait.ge [sflag:s24], $0x800  }
0x6a: {  	s1 =	sshra.s32 s1, $0x2;
	[sflag:s24] =	ssyncset.done $0x0  }
0x6b: {  	s4 =	sadd.s32 $0x2780, s1;
	[sflag:s24] =	ssyncadd.s32 $0xFFFFF800  }
0x6c: {  	[spmem:s2] =	stream.indirect.scatter.add.f32 [tilespmem:s17], [sflag:$0x4], $0x10, s4, s20, $0xb8;
	[tilespmem:$0xB700] =	vst v63  }
0x6d: {  	_ =	swait.ge [sflag:s25], $0x800  }
0x6e: {  	[sflag:s25] =	ssyncset.done $0x0  }
0x6f: {  	s4 =	sadd.s32 $0x2800, s1;
	[sflag:s25] =	ssyncadd.s32 $0xFFFFF800  }
0x70: {  	[spmem:s2] =	stream.indirect.scatter.add.f32 [tilespmem:s21], [sflag:$0x5], $0x10, s4, s20, $0xb8;
	[tilespmem:$0xB700] =	vst v63  }
0x71: {  	_ =	swait.ge [sflag:s26], $0x800  }
0x72: {  	[sflag:s26] =	ssyncset.done $0x0  }
0x73: {  	s4 =	sadd.s32 $0x2880, s1;
	[sflag:s26] =	ssyncadd.s32 $0xFFFFF800  }
0x74: {  	[spmem:s2] =	stream.indirect.scatter.add.f32 [tilespmem:s23], [sflag:$0x6], $0x10, s4, s20, $0xb8;
	[tilespmem:$0xB700] =	vst v63  }
0x75: {  	_ =	swait.ge [sflag:s28], $0x800  }
0x76: {  	[sflag:s28] =	ssyncset.done $0x0  }
0x77: {  	s4 =	sadd.s32 $0x180, s1;
	[sflag:s28] =	ssyncadd.s32 $0xFFFFF800  }
0x78: {  	[tilespmem:s17], [sflag:$0x1] =	stream.indirect.gather [spmem:s3], $0x10, s4, s20, $0xb8;
	[tilespmem:$0xB700] =	vst v63  }
0x79: {  	_ =	swait.ge [sflag:s29], $0x800  }
0x7a: {  	[sflag:s29] =	ssyncset.done $0x0  }
.Ltmp1:
0x7b: {  	s4 =	sadd.s32 $0x200, s1;
	[sflag:s29] =	ssyncadd.s32 $0xFFFFF800;
	(pc) =	sbr.rel @p1 .LBB2_4-.Ltmp1, $4  }
0x7c: {  	[tilespmem:s21], [sflag:$0x2] =	stream.indirect.gather [spmem:s3], $0x10, s4, s20, $0xb8;
	[tilespmem:$0xB700] =	vst v63  }
0x7d: {  	_ =	swait.ge [sflag:s30], $0x800  }
0x7e: {  	[sflag:s30] =	ssyncset.done $0x0  }
0x7f: {  	s1 =	sadd.s32 $0x280, s1;
	[sflag:s30] =	ssyncadd.s32 $0xFFFFF800  }
0x80: {  	[tilespmem:s23], [sflag:$0x3] =	stream.indirect.gather [spmem:s3], $0x10, s1, s20, $0xb8;
	[tilespmem:$0xB700] =	vst v63  }
0x81: {  	_ =	swait.ge [sflag:s24], $0x800  }
0x82: {  	[sflag:s24] =	ssyncset.done $0x0  }
0x83: {  	s4 =	simm.s32 $0x4D00;
	[sflag:s24] =	ssyncadd.s32 $0xFFFFF800  }
0x84: {  	[spmem:s2] =	stream.indirect.scatter.add.f32 [tilespmem:s17], [sflag:$0x4], $0x10, s4, s20, $0xb8;
	[tilespmem:$0xB700] =	vst v63  }
0x85: {  	_ =	swait.ge [sflag:s25], $0x800  }
0x86: {  	[sflag:s25] =	ssyncset.done $0x0  }
0x87: {  	s31 =	simm.s32 $0x4D80;
	[sflag:s25] =	ssyncadd.s32 $0xFFFFF800  }
0x88: {  	[spmem:s2] =	stream.indirect.scatter.add.f32 [tilespmem:s21], [sflag:$0x5], $0x10, s31, s20, $0xb8;
	[tilespmem:$0xB700] =	vst v63  }
0x89: {  	_ =	swait.ge [sflag:s26], $0x800  }
0x8a: {  	[sflag:s26] =	ssyncset.done $0x0  }
0x8b: {  	s4 =	simm.s32 $0x4E00;
	[sflag:s26] =	ssyncadd.s32 $0xFFFFF800  }
0x8c: {  	[spmem:s2] =	stream.indirect.scatter.add.f32 [tilespmem:s23], [sflag:$0x6], $0x10, s4, s20, $0xb8;
	[tilespmem:$0xB700] =	vst v63  }
0x8d: {  	_ =	swait.ge [sflag:s28], $0x800  }
0x8e: {  	s1 =	simm.s32 @!p0 $0x80;
	[sflag:s28] =	ssyncset.done $0x0  }
0x8f: {  	s31 =	simm.s32 @!p0 $0x4F00;
	s4 =	simm.s32 @!p0 $0x2700;
	[sflag:s28] =	ssyncadd.s32 $0xFFFFF800  }
0x90: {  	[tilespmem:s31], [sflag:$0x1] =	stream.indirect.gather @!p0 [spmem:s3], $0x10, s4, s1, $0xb8;
	[tilespmem:$0xB700] =	vst v63  }
0x91: {  	s4 =	simm.s32 @!p0 $0x1  }
0x92: {  	_ =	swait.ge @!p0 [sflag:s4], $0x800  }
0x93: {  	[sflag:s4] =	ssyncset.done @!p0 $0x0  }
0x94: {  	[sflag:s4] =	ssyncadd.s32 @!p0 $0xFFFFF800;
	s4 =	simm.s32 @!p0 $0x4E80  }
0x95: {  	[spmem:s2] =	stream.indirect.scatter.add.f32 @!p0 [tilespmem:s31], [sflag:$0x4], $0x10, s4, s1, $0xb8;
	[tilespmem:$0xB700] =	vst v63  }
0x96: {  	s1 =	simm.s32 @!p0 $0x5  }
0x97: {  	_ =	swait.ge @!p0 [sflag:s1], $0x800  }
0x98: {  	s4 =	simm.s32 @!p0 $0x6;
	[sflag:s1] =	ssyncset.done @!p0 $0x0  }
0x99: {  	s4 =	simm.s32 @p0 $0x5;
	[sflag:s1] =	ssyncadd.s32 @!p0 $0xFFFFF800  }
0x9a: {  	_ =	swait.ge [sflag:s4], $0x800  }
0x9b: {  	s1 =	simm.s32 @!p0 $0x4;
	[sflag:s4] =	ssyncset.done $0x0  }
0x9c: {  	s1 =	simm.s32 @p0 $0x6;
	[sflag:s4] =	ssyncadd.s32 $0xFFFFF800  }
0x9d: {  	_ =	swait.ge [sflag:s1], $0x800  }
0x9e: {  	s0 =	sadd.s32 $0x1, s0;
	[sflag:s1] =	ssyncset.done $0x0  }
0x9f: {  	p1 =	sne.s32 s0, s16;
	[sflag:s1] =	ssyncadd.s32 $0xFFFFF800  }
.Ltmp2:
0xa0: {  	s31 =	sshrl.u32 s5, $0x3;
	[bflag:$0x0] =	sbarrier.arrive $0xFFFF;
	(pc) =	sbr.rel @p1 .LBB2_1-.Ltmp2, $4  }
0xa1: {  	[hbm:s15], [sflag:s22] =	dma.local [spmem:s31], $0x500  }
0xa2: {  	_ =	swait.ge [sflag:s18], $0x500  }
0xa3: {  	[sflag:s18] =	ssyncset.done $0x0  }
0xa4: {  	[sflag:s18] =	ssyncadd.s32 $0xFFFFFB00  }
0xa5: {  	_ =	sfence.sel $0x180000  }
0xa6: {  	[bflag:$0x0] =	sbarrier.arrive $0xFFFF  }
0xa7: {  	_ =	strace $0x9000004D  }
0xa8: {  	s0 =	stileid.u32;
	[bflag:$0x2] =	sbarrier.arrive $0xFFFF  }
0xa9: {  	p0 =	sne.s32 s0, $0x0;
	s0 =	rddreg [dreg:$0x3]  }
0xaa: {  	s0 =	sadd.s32 @!p0 $0x100000, s0  }
0xab: {  	[sflag:s0] =	ssyncadd.tile.s32 @!p0 $0x1;
	_ =	shalt  }
.Lfunc_end2:
_tile_overlayer_lowered:
.L_overlay_start_2:
0xac: {  	(tag) =	ssettag $0x2  }
0xad: {  	s0 =	rddreg [dreg:$0x0];
	s2 =	stileid.u32  }
0xae: {  	s1 =	rddreg [dreg:$0x1];
	p0 =	sne.s32 s2, $0x0  }
0xaf: {  	s3 =	rddreg [dreg:$0x2];
	[bflag:$0x3] =	sbarrier.arrive $0xFFFF;
	s2 =	simm.s32 @!p0 $0x1C07  }
0xb0: {  	[timem:s3], [sflag:s2] =	dma.local @!p0 [hbm:s0], s1  }
0xb1: {  	s0 =	simm.s32 @!p0 $0x7  }
0xb2: {  	_ =	swait.ge @!p0 [sflag:s0], s1  }
0xb3: {  	s1 =	ssub.s32 @!p0 $0x0, s1;
	[sflag:s0] =	ssyncset.done @!p0 $0x0  }
0xb4: {  	[sflag:s0] =	ssyncadd.s32 @!p0 s1  }
0xb5: {  	[bflag:$0x3] =	sbarrier.arrive $0xFFFF  }
0xb6: {  	_ =	shalt  }

// kernel: kernel.8.cloned.1.call-start
scs
__scs_entry_jumppad:
0x0: {  	(pc) =	sbr.rel $0x88, $3  }
0x1: {  	(tag) =	ssettag $0x0;
	lr =	simm.s32 $0x1  }
0x2: {  	[smem:$0x3F9B] =	sst lr;
	_ =	strace $0xD0000000  }
0x3: {  	_ = 	snop  }
0x4: {  	_ = 	snop  }
0x5: {  	_ = 	snop  }
0x6: {  	_ = 	snop  }
0x7: {  	_ = 	snop  }
__scs_overlays_trampoline_lowered:
0x8: {  	[smem:$0x3FAA] =	sst s0  }
0x9: {  	[smem:$0x3FAB] =	sst s1  }
0xa: {  	[smem:$0x3FAC] =	sst s2  }
0xb: {  	[smem:$0x3FAD] =	sst s3  }
0xc: {  	[smem:$0x3FAE] =	sst s4  }
0xd: {  	[smem:$0x3FAF] =	sst s5  }
0xe: {  	[smem:$0x3FB0] =	sst s6  }
0xf: {  	[smem:$0x3FB1] =	sst s7  }
0x10: {  	[smem:$0x3FB2] =	sst s8  }
0x11: {  	[smem:$0x3FB3] =	sst s9;
	s0 =	simm.s32 @!p0 $0x0  }
0x12: {  	s1 =	sld [smem:$0x3F99];
	s0 =	simm.s32 @p0 $0x1  }
0x13: {  	[smem:$0x3FB4] =	sst s0;
	s0 =	simm.s32 @!p1 $0x0  }
0x14: {  	s2 =	sld [smem:$0x3F98];
	s0 =	simm.s32 @p1 $0x1  }
0x15: {  	[smem:$0x3FB5] =	sst s0;
	s0 =	simm.s32 @!p2 $0x0  }
0x16: {  	s3 =	sld [smem:$0x3FDB];
	s0 =	simm.s32 @p2 $0x1  }
0x17: {  	s4 =	simm.s32 $0x1BF5;
	[smem:$0x3FB7] =	sst s0  }
0x18: {  	s0 =	sld [smem:$0x3F9A];
	_ =	swait.ge [sflag:s4], $0x0  }
0x19: {  	s7 =	sld [smem:$0x3F9B]  }
0x1a: {  	s8 =	sadd.s32 $0xFFFFE003, lr  }
0x1b: {  	s9 =	sadd.s32 $0xFFFFFEF7, lr;
	s5 =	simm.s32 $0xFFFFFFFF;
	p2 =	slt.u32 s8, $0xFFFFF086  }
0x1c: {  	p1 =	slt.u32 s9, $0xF7A;
	s5 =	simm.s32 @!p2 $0x0  }
0x1d: {  	s5 =	simm.s32 @p1 $0x1;
	p0 =	seq.s32 s7, s2  }
0x1e: {  	s7 =	smul.u32 @!p0 $0xF7A, s2;
	p2 =	seq.s32 @!p0 s5, $0x0  }
0x1f: {  	s9 =	smul.u32 $0xF7A, s1;
	s8 =	simm.s32 @!p0 $0x1BF5;
	p2 =	por !p2, p0  }
0x20: {  	[sflag:s8] =	ssyncset.s32 @!p0 $0xFFFFF086;
	s6 =	sadd.s32 @!p0 s3, s7;
	s7 =	simm.s32 @!p0 $0x108  }
0x21: {  	s3 =	sadd.s32 s3, s9;
	s6 =	sadd.s32 @!p0 $0x88, s6;
	s7 =	simm.s32 @p2 $0x1082  }
0x22: {  	[simem:s7], [sflag:s8] =	dma.local @!p0 [hbm:s6], $0xF7A  }
0x23: {  	s9 =	sor.u32 $0xD0000000, s2;
	s6 =	simm.s32 $0x108;
	_ =	swait.ge @!p0 [sflag:s8], $0x0  }
0x24: {  	s3 =	sadd.s32 $0x88, s3;
	s6 =	simm.s32 @!p1 $0x1082;
	[sflag:s4] =	ssyncset.s32 $0xFFFFF086  }
0x25: {  	[simem:s6], [sflag:s4] =	dma.local [hbm:s3], $0xF7A  }
0x26: {  	[smem:$0x3F9B] =	sst s1;
	(tag) =	ssettag s2;
	_ =	strace s9  }
0x27: {  	s1 =	sld [smem:$0x3FAB]  }
0x28: {  	s2 =	sld [smem:$0x3FAC]  }
0x29: {  	s4 =	sld [smem:$0x3FAE]  }
0x2a: {  	p0 =	seq.s32 s5, $0x0;
	s5 =	sld [smem:$0x3FAF]  }
0x2b: {  	s6 =	sld [smem:$0x3FB0]  }
0x2c: {  	s7 =	sld [smem:$0x3FB1]  }
0x2d: {  	s3 =	simm.s32 $0x108;
	s8 =	sld [smem:$0x3FB2]  }
0x2e: {  	s3 =	simm.s32 @!p0 $0x1082;
	s9 =	sld [smem:$0x3FB3]  }
0x2f: {  	lr =	sadd.s32 s0, s3;
	s0 =	sld [smem:$0x3FAA]  }
0x30: {  	s3 =	sld [smem:$0x3FAD]  }
0x31: {  	[smem:$0x3FB6] =	sst s10  }
0x32: {  	s10 =	sld [smem:$0x3FB4];
	_ =	sdelay $0x3  }
0x33: {  	p0 =	seq.s32 s10, $0x1;
	s10 =	sld [smem:$0x3FB6];
	_ =	sdelay $0x3  }
0x34: {  	[smem:$0x3FB6] =	sst s10  }
0x35: {  	s10 =	sld [smem:$0x3FB5];
	_ =	sdelay $0x3  }
0x36: {  	p1 =	seq.s32 s10, $0x1;
	s10 =	sld [smem:$0x3FB6];
	_ =	sdelay $0x3  }
0x37: {  	[smem:$0x3FB6] =	sst s10  }
0x38: {  	s10 =	sld [smem:$0x3FB7]  }
0x39: {  	_ = 	snop;
	(pc) =	sbr.ind lr, $3  }
0x3a: {  	_ = 	snop  }
0x3b: {  	_ = 	snop  }
0x3c: {  	p2 =	seq.s32 s10, $0x1;
	s10 =	sld [smem:$0x3FB6]  }
0x3d: {  	_ =	shalt  }
0x3e: {  	_ =	shalt  }
0x3f: {  	_ =	shalt  }
0x40: {  	_ =	shalt  }
0x41: {  	_ =	shalt  }
0x42: {  	_ =	shalt  }
0x43: {  	_ =	shalt  }
0x44: {  	_ =	shalt  }
0x45: {  	_ =	shalt  }
0x46: {  	_ =	shalt  }
0x47: {  	_ =	shalt  }
0x48: {  	_ =	shalt  }
0x49: {  	_ =	shalt  }
0x4a: {  	_ =	shalt  }
0x4b: {  	_ =	shalt  }
0x4c: {  	_ =	shalt  }
0x4d: {  	_ =	shalt  }
0x4e: {  	_ =	shalt  }
0x4f: {  	_ =	shalt  }
0x50: {  	_ =	shalt  }
0x51: {  	_ =	shalt  }
0x52: {  	_ =	shalt  }
0x53: {  	_ =	shalt  }
0x54: {  	_ =	shalt  }
0x55: {  	_ =	shalt  }
0x56: {  	_ =	shalt  }
0x57: {  	_ =	shalt  }
0x58: {  	_ =	shalt  }
0x59: {  	_ =	shalt  }
0x5a: {  	_ =	shalt  }
0x5b: {  	_ =	shalt  }
0x5c: {  	_ =	shalt  }
0x5d: {  	_ =	shalt  }
0x5e: {  	_ =	shalt  }
0x5f: {  	_ =	shalt  }
0x60: {  	_ =	shalt  }
0x61: {  	_ =	shalt  }
0x62: {  	_ =	shalt  }
0x63: {  	_ =	shalt  }
0x64: {  	_ =	shalt  }
0x65: {  	_ =	shalt  }
0x66: {  	_ =	shalt  }
0x67: {  	_ =	shalt  }
0x68: {  	_ =	shalt  }
0x69: {  	_ =	shalt  }
0x6a: {  	_ =	shalt  }
0x6b: {  	_ =	shalt  }
0x6c: {  	_ =	shalt  }
0x6d: {  	_ =	shalt  }
0x6e: {  	_ =	shalt  }
0x6f: {  	_ =	shalt  }
0x70: {  	_ =	shalt  }
0x71: {  	_ =	shalt  }
0x72: {  	_ =	shalt  }
0x73: {  	_ =	shalt  }
0x74: {  	_ =	shalt  }
0x75: {  	_ =	shalt  }
0x76: {  	_ =	shalt  }
0x77: {  	_ =	shalt  }
0x78: {  	_ =	shalt  }
0x79: {  	_ =	shalt  }
0x7a: {  	_ =	shalt  }
0x7b: {  	_ =	shalt  }
0x7c: {  	_ =	shalt  }
0x7d: {  	_ =	shalt  }
0x7e: {  	_ =	shalt  }
0x7f: {  	_ =	shalt  }
0x80: {  	_ =	shalt  }
0x81: {  	_ =	shalt  }
0x82: {  	_ =	shalt  }
0x83: {  	_ =	shalt  }
0x84: {  	_ =	shalt  }
0x85: {  	_ =	shalt  }
0x86: {  	_ =	shalt  }
0x87: {  	_ =	shalt  }
.Lfunc_end0:
.L_simem_size_0:
called_computation_lowered:
.L_overlay_start_0:
0x88: {  	s2 =	sld [smem:$0x3FD9]  }
0x89: {  	s3 =	sld [smem:$0x3FFE];
	_ =	sdelay $0x1  }
0x8a: {  	s1 =	srdreg.scid  }
0x8b: {  	s0 =	sand.u32 $0x1, s1  }
0x8c: {  	s16 =	sshll.u32 s0, $0xA;
	s2 =	sadd.s32 s3, s2  }
0x8d: {  	s2 =	sadd.s32 s2, s16  }
0x8e: {  	[smem:$0x3FC2] =	sst s2  }
0x8f: {  	_ = 	snop  }
0x90: {  	(tm) =	ssettm $0x1  }
0x91: {  	s17 =	sld [smem:$0x3FFB];
	_ =	sdelay $0x3  }
0x92: {  	_ =	strace s17  }
0x93: {  	s2 =	sld [smem:$0x3FFC];
	_ =	sdelay $0x3  }
0x94: {  	_ =	strace s2  }
0x95: {  	s2 =	sld [smem:$0x3FFD];
	_ =	sdelay $0x3  }
0x96: {  	_ =	strace s2  }
0x97: {  	_ =	strace $0x8FFFFFFF  }
0x98: {  	s18 =	sld [smem:$0x3FDB];
	_ =	sdelay $0x1  }
0x99: {  	s19 =	simm.s32 $_scs_section_size  }
0x9a: {  	s4 =	simm.s32 $_size__tile_overlayer_lowered;
	s5 =	simm.s32 $_tile_overlayer_lowered  }
0x9b: {  	s22 =	simm.s32 $0x1BFF;
	s21 =	sshll.u32 s5, $0x1;
	s2 =	sadd.s32 s19, s18  }
0x9c: {  	s6 =	simm.s32 $0x0;
	s20 =	sshll.u32 s4, $0x1;
	s4 =	sadd.s32 s21, s2  }
0x9d: {  	[timem:s6], [sflag:s22] =	dma.local [hbm:s4], s20  }
0x9e: {  	_ =	swait.ge [sflag:s22], s20  }
0x9f: {  	s3 =	ssub.s32 $0x0, s20;
	[sflag:s22] =	ssyncset.done $0x0  }
0xa0: {  	[sflag:s22] =	ssyncadd.s32 s3;
	_ =	sdelay $0x1  }
0xa1: {  	s23 =	simm.s32 $0x1B8B  }
0xa2: {  	_ =	swait.ge [sflag:s23], $0x1  }
0xa3: {  	[sflag:s23] =	ssyncset.done $0x0  }
0xa4: {  	s25 =	simm.s32 $0x1B8E;
	s24 =	sld [smem:$0x3FFE];
	[sflag:s23] =	ssyncadd.s32 $0xFFFFFFFF  }
0xa5: {  	s26 =	simm.s32 $execute0_lowered;
	[smem:$0x3FD2] =	sst s25  }
0xa6: {  	s4 =	sshll.u32 s26, $0x1;
	_ =	strace $0x80000046;
	[dreg:$0x1] =	wrdreg $0xFFFFFFFF  }
0xa7: {  	s28 =	simm.s32 $_size_execute0_lowered;
	s2 =	sadd.s32 s2, s4;
	[dreg:$0x0] =	wrdreg $0x0  }
0xa8: {  	s4 =	sshll.u32 s28, $0x1;
	[dreg:$0x2] =	wrdreg s2  }
0xa9: {  	[dreg:$0x3] =	wrdreg s4  }
0xaa: {  	[dreg:$0x4] =	wrdreg $0xC0  }
0xab: {  	_ =	task [dreg:s6], $0x5FFFF  }
0xac: {  	[dreg:$0x1] =	wrdreg $0xFFFFFFFF  }
0xad: {  	[dreg:$0x0] =	wrdreg $0x60  }
0xae: {  	[dreg:$0x2] =	wrdreg s24  }
0xaf: {  	[dreg:$0x3] =	wrdreg $0x2F800  }
0xb0: {  	[dreg:$0x4] =	wrdreg $0x9  }
0xb1: {  	_ =	task.clear_ibuf [dreg:s6], $0x5FFFF;
	_ =	strace $0x90000046  }
0xb2: {  	s29 =	simm.s32 $0x9;
	_ =	strace $0x80000048  }
0xb3: {  	_ =	swait.ge [sflag:s29], $0x1  }
0xb4: {  	[sflag:s29] =	ssyncadd.s32 $0xFFFFFFFF  }
0xb5: {  	_ =	strace $0x90000048  }
0xb6: {  	_ =	sfence  }
0xb7: {  	s30 =	sld [smem:$0x0];
	_ =	sdelay $0x2  }
0xb8: {  	s31 =	sshll.u32 s1, $0xD;
	s1 =	sshrl.u32 s1, $0x2  }
0xb9: {  	s3 =	sand.u32 $0x4000, s31;
	s1 =	sadd.s32 s1, s30  }
0xba: {  	s0 =	sor.u32 s3, s0;
	s1 =	sshll.u32 s1, $0x11  }
0xbb: {  	s0 =	sor.u32 s1, s0  }
0xbc: {  	s0 =	sadd.s32 $0x8F2B, s0  }
0xbd: {  	[sflag:s0] =	ssyncadd.remote.s32 $0x1  }
0xbe: {  	_ =	sfence.sel $0xFFFF  }
0xbf: {  	[dreg:$0x0] =	wrdreg $0xFFFFFFFF;
	(pc) =	sbr.abs _section_cstart, $3  }
0xc0: {  	[dreg:$0x1] =	wrdreg $0xFFFFFFFF  }
0xc1: {  	_ =	task.clear_ibuf [dreg:s6], $0x2FFFF;
	_ =	strace $0x9FFFFFFF  }
0xc2: {  	(tm) =	ssettm $0x7FFFFFFF  }
0xc3: {  	_ =	shalt  }
tec
execute0_lowered:
.L_overlay_start_1:
0x0: {  	(tag) =	ssettag $0x1  }
0x1: {  	s1 =	srdreg.scid  }
0x2: {  	s0 =	stileid.u32;
	s4 =	rddreg [dreg:$0x0]  }
0x3: {  	s2 =	rddreg [dreg:$0x1];
	s3 =	simm.s32 $0x0;
	s13 =	simm.s32 $0x2780  }
0x4: {  	s14 =	simm.s32 $0x4;
	s15 =	simm.s32 $0x80;
	s16 =	simm.s32 $0x100  }
0x5: {  	s17 =	simm.s32 $0x1;
	s18 =	simm.s32 $0x2;
	s19 =	simm.s32 $0x3  }
0x6: {  	s20 =	simm.s32 $0x0;
	s5 =	sand.u32 $0x1, s1;
	s8 =	smul.u32 $0x2800, s0  }
0x7: {  	s28 =	sshll.u32 s0, $0x1;
	s1 =	rddreg [dreg:$0x2];
	s9 =	smul.u32 $0xA000, s0  }
0x8: {  	[smem:$0x7FF] =	sst s3;
	s6 =	sor.u32 s5, s28;
	s29 =	smul.u32 $0x28000, s5  }
0x9: {  	p0 =	sgt.u32 s0, $0x1;
	s5 =	ssub.s32 $0x2, s5;
	s7 =	smul.u32 $0x4E, s6  }
0xa: {  	_ =	strace $0x80000047;
	s6 =	smin.u32 s6, $0x4;
	s31 =	sshrl.u32 s5, $0x1  }
0xb: {  	s9 =	sshrl.u32 s9, $0x2;
	s30 =	sadd.s32 s8, s29;
	s6 =	sadd.s32 s6, s7  }
0xc: {  	s12 =	ssub.s32 s5, s31;
	s9 =	sadd.s32 s9, s2;
	s6 =	sshll.u32 s6, $0x4  }
0xd: {  	s5 =	sadd.s32 $0x800, s9;
	s10 =	sadd.s32 s6, s4;
	s6 =	sshrl.u32 s30, $0x3  }
0xe: {  	s7 =	sadd.s32 $0x1800, s9;
	s12 =	smax.u32 s12, $0x1;
	s11 =	sadd.s32 s6, s4  }
0xf: {  	s4 =	sadd.s32 s8, s2;
	s6 =	sadd.s32 $0x1000, s9;
	s8 =	sadd.s32 $0x2000, s9  }
0x10: {  	v0 =	vimm.f32 $0.0e+00;
	v1 =	vimm.f32 $1.000000000e+00;
	s9 =	sadd.s32 $0x2000, s10;
	s10 =	sadd.s32 $0x24E0, s10;
	s11 =	sadd.s32 $0x15C00, s11  }
.LBB2_1:
0x11: {  	s21 =	simm.s32 $0x40;
	s22 =	simm.s32 $0x0  }
.LBB2_2:
0x12: {  	p1 =	sne.s32 s21, $0x1FC0;
	[tilespmem:s22+$0x2780] =	vst v0;
	s22 =	smov.u32 s21;
	s21 =	sadd.s32 $0x40, s21  }
.Ltmp0:
0x13: {  	(pc) =	sbr.rel @p1 .LBB2_2-.Ltmp0, $2  }
0x14: {  	_ =	sdelay $0x2  }
0x15: {  	s22 =	sshra.s32 s22, $0x2  }
0x16: {  	[tilespmem:s22+$0x2780] =	vst v0  }
0x17: {  	[spmem:s4] =	stream.linear.scatter [tilespmem:s13], [sflag:$0x4], $0x800, $0x38;
	[tilespmem:$0x5780] =	vst v63  }
0x18: {  	_ =	swait.ge [sflag:s14], $0x800  }
0x19: {  	[sflag:s14] =	ssyncset.done $0x0  }
0x1a: {  	[sflag:s14] =	ssyncadd.s32 $0xFFFFF800  }
0x1b: {  	[spmem:s5] =	stream.linear.scatter [tilespmem:s13], [sflag:$0x4], $0x800, $0x38;
	[tilespmem:$0x5780] =	vst v63  }
0x1c: {  	_ =	swait.ge [sflag:s14], $0x800  }
0x1d: {  	[sflag:s14] =	ssyncset.done $0x0  }
0x1e: {  	[sflag:s14] =	ssyncadd.s32 $0xFFFFF800  }
0x1f: {  	[spmem:s6] =	stream.linear.scatter [tilespmem:s13], [sflag:$0x4], $0x800, $0x38;
	[tilespmem:$0x5780] =	vst v63  }
0x20: {  	_ =	swait.ge [sflag:s14], $0x800  }
0x21: {  	[sflag:s14] =	ssyncset.done $0x0  }
0x22: {  	[sflag:s14] =	ssyncadd.s32 $0xFFFFF800  }
0x23: {  	[spmem:s7] =	stream.linear.scatter [tilespmem:s13], [sflag:$0x4], $0x800, $0x38;
	[tilespmem:$0x5780] =	vst v63  }
0x24: {  	_ =	swait.ge [sflag:s14], $0x800  }
0x25: {  	[sflag:s14] =	ssyncset.done $0x0  }
0x26: {  	[sflag:s14] =	ssyncadd.s32 $0xFFFFF800  }
0x27: {  	[spmem:s8] =	stream.linear.scatter [tilespmem:s13], [sflag:$0x4], $0x800, $0x38;
	[tilespmem:$0x5780] =	vst v63  }
0x28: {  	_ =	swait.ge [sflag:s14], $0x800  }
0x29: {  	[sflag:s14] =	ssyncset.done $0x0  }
0x2a: {  	s21 =	simm.s32 $0x40;
	s22 =	simm.s32 $0x0;
	[sflag:s14] =	ssyncadd.s32 $0xFFFFF800  }
.LBB2_4:
0x2b: {  	p1 =	sne.s32 s21, $0x1FC0;
	[tilespmem:s22+$0x2780] =	vst v1;
	s22 =	smov.u32 s21;
	s21 =	sadd.s32 $0x40, s21  }
.Ltmp1:
0x2c: {  	(pc) =	sbr.rel @p1 .LBB2_4-.Ltmp1, $2  }
0x2d: {  	_ =	sdelay $0x2  }
0x2e: {  	s22 =	sshra.s32 s22, $0x2  }
0x2f: {  	[tilespmem:s22+$0x2780] =	vst v1  }
0x30: {  	[tilespmem:s3], [sflag:$0x4] =	stream.linear.gather [hbm4b:s9+s3], $0x2700, $0x38;
	[tilespmem:$0x5780] =	vst v63  }
0x31: {  	_ =	swait.ge [sflag:s14], $0x2700  }
0x32: {  	[sflag:s14] =	ssyncset.done $0x0  }
0x33: {  	s21 =	simm.s32 @!p0 $0x0;
	s22 =	simm.s32 @!p0 $0x2700;
	[sflag:s14] =	ssyncadd.s32 $0xFFFFD900  }
0x34: {  	[tilespmem:s22], [sflag:$0x4] =	stream.linear.gather @!p0 [hbm4b:s10+s21], $0x80, $0x38;
	[tilespmem:$0x5780] =	vst v63  }
0x35: {  	s21 =	simm.s32 @!p0 $0x4  }
0x36: {  	_ =	swait.ge @!p0 [sflag:s21], $0x80  }
0x37: {  	[sflag:s21] =	ssyncset.done @!p0 $0x0  }
0x38: {  	[sflag:s21] =	ssyncadd.s32 @!p0 $0xFFFFFF80  }
0x39: {  	[bflag:$0x0] =	sbarrier.arrive $0xFFFF  }
0x3a: {  	[spmem:s2] =	stream.indirect.scatter.add.f32 [tilespmem:s13], [sflag:$0x1], $0x10, s3, s15, $0xb8;
	[tilespmem:$0x5780] =	vst v63  }
0x3b: {  	_ = 	snop  }
0x3c: {  	[spmem:s2] =	stream.indirect.scatter.add.f32 [tilespmem:s13], [sflag:$0x2], $0x10, s15, s15, $0xb8;
	[tilespmem:$0x5780] =	vst v63  }
0x3d: {  	_ = 	snop  }
0x3e: {  	[spmem:s2] =	stream.indirect.scatter.add.f32 [tilespmem:s13], [sflag:$0x3], $0x10, s16, s15, $0xb8;
	[tilespmem:$0x5780] =	vst v63  }
0x3f: {  	_ =	swait.ge [sflag:s17], $0x800  }
0x40: {  	[sflag:s17] =	ssyncset.done $0x0  }
0x41: {  	s30 =	simm.s32 $0x180;
	[sflag:s17] =	ssyncadd.s32 $0xFFFFF800  }
0x42: {  	[spmem:s2] =	stream.indirect.scatter.add.f32 [tilespmem:s13], [sflag:$0x1], $0x10, s30, s15, $0xb8;
	[tilespmem:$0x5780] =	vst v63  }
0x43: {  	_ =	swait.ge [sflag:s18], $0x800  }
0x44: {  	[sflag:s18] =	ssyncset.done $0x0  }
0x45: {  	s31 =	simm.s32 $0x200;
	[sflag:s18] =	ssyncadd.s32 $0xFFFFF800  }
0x46: {  	[spmem:s2] =	stream.indirect.scatter.add.f32 [tilespmem:s13], [sflag:$0x2], $0x10, s31, s15, $0xb8;
	[tilespmem:$0x5780] =	vst v63  }
0x47: {  	_ =	swait.ge [sflag:s19], $0x800  }
0x48: {  	[sflag:s19] =	ssyncset.done $0x0  }
0x49: {  	s22 =	simm.s32 $0x280;
	s21 =	simm.s32 $0xFFFF7000;
	[sflag:s19] =	ssyncadd.s32 $0xFFFFF800  }
.LBB2_6:
0x4a: {  	[spmem:s2] =	stream.indirect.scatter.add.f32 [tilespmem:s13], [sflag:$0x3], $0x10, s22, s15, $0xb8;
	[tilespmem:$0x5780] =	vst v63  }
0x4b: {  	s22 =	smov.u32 s21  }
0x4c: {  	p1 =	sne.s32 s21, $0xFFFFFA00;
	s21 =	sadd.s32 $0x600, s21;
	_ =	swait.ge [sflag:s17], $0x800  }
0x4d: {  	s22 =	sshra.s32 s22, $0x2;
	[sflag:s17] =	ssyncset.done $0x0  }
0x4e: {  	s23 =	sadd.s32 $0x2700, s22;
	[sflag:s17] =	ssyncadd.s32 $0xFFFFF800  }
0x4f: {  	[spmem:s2] =	stream.indirect.scatter.add.f32 [tilespmem:s13], [sflag:$0x1], $0x10, s23, s15, $0xb8;
	[tilespmem:$0x5780] =	vst v63  }
0x50: {  	_ =	swait.ge [sflag:s18], $0x800  }
0x51: {  	[sflag:s18] =	ssyncset.done $0x0  }
.Ltmp2:
0x52: {  	s23 =	sadd.s32 $0x2780, s22;
	[sflag:s18] =	ssyncadd.s32 $0xFFFFF800;
	(pc) =	sbr.rel @p1 .LBB2_6-.Ltmp2, $4  }
0x53: {  	[spmem:s2] =	stream.indirect.scatter.add.f32 [tilespmem:s13], [sflag:$0x2], $0x10, s23, s15, $0xb8;
	[tilespmem:$0x5780] =	vst v63  }
0x54: {  	_ =	swait.ge [sflag:s19], $0x800  }
0x55: {  	[sflag:s19] =	ssyncset.done $0x0  }
0x56: {  	s22 =	sadd.s32 $0x2800, s22;
	[sflag:s19] =	ssyncadd.s32 $0xFFFFF800  }
0x57: {  	[spmem:s2] =	stream.indirect.scatter.add.f32 [tilespmem:s13], [sflag:$0x3], $0x10, s22, s15, $0xb8;
	[tilespmem:$0x5780] =	vst v63  }
0x58: {  	_ =	swait.ge [sflag:s17], $0x800  }
0x59: {  	s21 =	simm.s32 @!p0 $0x80;
	[sflag:s17] =	ssyncset.done $0x0  }
0x5a: {  	s22 =	simm.s32 @!p0 $0x2700;
	s23 =	simm.s32 @!p0 $0x2780;
	[sflag:s17] =	ssyncadd.s32 $0xFFFFF800  }
0x5b: {  	[spmem:s2] =	stream.indirect.scatter.add.f32 @!p0 [tilespmem:s23], [sflag:$0x1], $0x10, s22, s21, $0xb8;
	[tilespmem:$0x5780] =	vst v63  }
0x5c: {  	s21 =	simm.s32 @!p0 $0x2  }
0x5d: {  	_ =	swait.ge @!p0 [sflag:s21], $0x800  }
0x5e: {  	s22 =	simm.s32 @!p0 $0x3;
	[sflag:s21] =	ssyncset.done @!p0 $0x0  }
0x5f: {  	s22 =	simm.s32 @p0 $0x2;
	[sflag:s21] =	ssyncadd.s32 @!p0 $0xFFFFF800  }
0x60: {  	_ =	swait.ge [sflag:s22], $0x800  }
0x61: {  	s21 =	simm.s32 @!p0 $0x1;
	[sflag:s22] =	ssyncset.done $0x0  }
0x62: {  	s21 =	simm.s32 @p0 $0x3;
	[sflag:s22] =	ssyncadd.s32 $0xFFFFF800  }
0x63: {  	_ =	swait.ge [sflag:s21], $0x800  }
0x64: {  	s30 =	sshll.u32 s0, $0x6;
	s20 =	sadd.s32 $0x1, s20;
	[sflag:s21] =	ssyncset.done $0x0  }
0x65: {  	s31 =	sshrl.u32 s4, $0x3;
	p1 =	sne.s32 s20, s12;
	[sflag:s21] =	ssyncadd.s32 $0xFFFFF800  }
.Ltmp3:
0x66: {  	s21 =	sor.u32 $0x1C04, s30;
	[bflag:$0x0] =	sbarrier.arrive $0xFFFF;
	(pc) =	sbr.rel @p1 .LBB2_1-.Ltmp3, $4  }
0x67: {  	[hbm:s11], [sflag:s21] =	dma.local [spmem:s31], $0x500  }
0x68: {  	_ =	swait.ge [sflag:s14], $0x500  }
0x69: {  	[sflag:s14] =	ssyncset.done $0x0  }
0x6a: {  	[sflag:s14] =	ssyncadd.s32 $0xFFFFFB00  }
0x6b: {  	_ =	sfence.sel $0x180000  }
0x6c: {  	[bflag:$0x0] =	sbarrier.arrive $0xFFFF  }
0x6d: {  	p0 =	sne.s32 s0, $0x0;
	_ =	strace $0x90000047  }
0x6e: {  	s0 =	sadd.s32 @!p0 $0x100000, s1;
	[bflag:$0x2] =	sbarrier.arrive $0xFFFF  }
0x6f: {  	[sflag:s0] =	ssyncadd.tile.s32 @!p0 $0x1;
	_ =	shalt  }
.Lfunc_end2:
_tile_overlayer_lowered:
.L_overlay_start_2:
0x70: {  	(tag) =	ssettag $0x2  }
0x71: {  	s0 =	rddreg [dreg:$0x0];
	s2 =	stileid.u32  }
0x72: {  	s1 =	rddreg [dreg:$0x1];
	p0 =	sne.s32 s2, $0x0  }
0x73: {  	s3 =	rddreg [dreg:$0x2];
	[bflag:$0x3] =	sbarrier.arrive $0xFFFF;
	s2 =	simm.s32 @!p0 $0x1C04  }
0x74: {  	[timem:s3], [sflag:s2] =	dma.local @!p0 [hbm:s0], s1  }
0x75: {  	s0 =	simm.s32 @!p0 $0x4  }
0x76: {  	_ =	swait.ge @!p0 [sflag:s0], s1  }
0x77: {  	s1 =	ssub.s32 @!p0 $0x0, s1;
	[sflag:s0] =	ssyncset.done @!p0 $0x0  }
0x78: {  	[sflag:s0] =	ssyncadd.s32 @!p0 s1  }
0x79: {  	[bflag:$0x3] =	sbarrier.arrive $0xFFFF  }
0x7a: {  	_ =	shalt  }

</sc_bundles>
